<compile_context>
chip_gen: v7x
topology: tpu7x:2x2x1
jax: 0.10.2.dev20260603
libtpu: 0.0.44.dev20260713+nightly
codegen_flags: <defaults>
</compile_context>

<pallas_src>
import functools

import jax
import jax.numpy as jnp
from jax import lax
from jax.experimental import pallas as pl
from jax.experimental.pallas import tpu as pltpu
from jax.experimental.pallas import tpu_sc as plsc

_K = 128
_N = 32768
_L = 16
_HI0 = 0x3F800001
_NB = 128
_SEG2 = _N // (_L * 4)
_U = 4


def _process_row(row, row_v, cand_v, tie_v, hist_v, k_s, scores_hbm, out_hbm):
    pltpu.sync_copy(scores_hbm.at[row], row_v)
    iota = lax.iota(jnp.int32, _L)
    ones_i = jnp.ones((_L,), jnp.int32)
    zero_i = jnp.zeros((_L,), jnp.int32)

    @plsc.parallel_loop(0, _NB, unroll=4)
    def _(i):
        hist_v[pl.ds(i * _L, _L)] = zero_i

    @plsc.parallel_loop(
        0, _N // (_L * _U), unroll=2,
        carry=tuple(jnp.zeros((_L,), jnp.float32) for _ in range(_U)))
    def saccs(i, saccs):
        out = []
        for u in range(_U):
            x = row_v[pl.ds((i * _U + u) * _L, _L)]
            xc = jnp.clip(x, 0.0, 1.0)
            out.append(saccs[u] + xc)
            e = plsc.bitcast(1.0 - xc, jnp.int32) >> 23
            plsc.addupdate_scatter(hist_v, [(e << 4) + iota], ones_i)
        return tuple(out)

    s_row = jnp.sum(sum(saccs))

    carry = jnp.int32(0)
    bstar = jnp.int32(0)
    base = jnp.int32(0)
    for g in range(_NB // _L):
        tot = zero_i
        bidx = (g * _L + iota) << 4
        for p in range(_L):
            tot = tot + plsc.load_gather(hist_v, [bidx + p])
        cum = plsc.cumsum(tot) + carry
        carry = cum[_L - 1]
        below = cum < _K
        bstar = bstar + plsc.all_reduce_population_count(below)[0]
        base = jnp.maximum(base, jnp.max(jnp.where(below, cum, 0)))

    seg_bases = [(iota * _U + u) * _SEG2 for u in range(_U)]

    @plsc.parallel_loop(
        0, _N // (_L * _U), unroll=2,
        carry=tuple(zero_i for _ in range(_U)))
    def percnts(i, percnts):
        out = []
        for u in range(_U):
            x = row_v[pl.ds((i * _U + u) * _L, _L)]
            xc = jnp.clip(x, 0.0, 1.0)
            e = plsc.bitcast(1.0 - xc, jnp.int32) >> 23
            m = e == bstar
            plsc.store_scatter(cand_v, [seg_bases[u] + percnts[u]], xc, mask=m)
            out.append(percnts[u] + jnp.where(m, 1, 0))
        return tuple(out)

    cs_max = jnp.max(jnp.maximum(jnp.maximum(percnts[0], percnts[1]),
                                 jnp.maximum(percnts[2], percnts[3])))
    cs_tot = jnp.sum(percnts[0] + percnts[1] + percnts[2] + percnts[3])

    def bit(carryv):
        lo, hi, cnt_lo, cnt_hi = carryv
        mid = (lo + hi) >> 1

        def cbody(i, cacc):
            for u in range(_U):
                xb = plsc.bitcast(
                    plsc.load_gather(cand_v, [seg_bases[u] + i]), jnp.int32)
                valid = i < percnts[u]
                cacc = cacc + jnp.where(valid & (xb >= mid), 1, 0)
            return cacc

        cnt = jnp.sum(lax.fori_loop(0, cs_max, cbody, zero_i)) + base
        ge = cnt >= _K
        return (jnp.where(ge, mid, lo), jnp.where(ge, hi, mid),
                jnp.where(ge, cnt, cnt_lo), jnp.where(ge, cnt_hi, cnt))

    lo, hi, cnt_lo, cnt_hi = lax.while_loop(
        lambda c: c[1] - c[0] > 1, bit,
        (jnp.int32(0), jnp.int32(_HI0), base + cs_tot, jnp.int32(0)))

    t = lo
    n_gt = cnt_hi
    need = _K - n_gt
    cond = s_row > k_s

    @pl.when(cond & (cnt_lo == _K))
    def _():
        @plsc.parallel_loop(0, _N // (_L * _U), unroll=2)
        def _(i):
            for u in range(_U):
                sl = pl.ds((i * _U + u) * _L, _L)
                xc = jnp.clip(row_v[sl], 0.0, 1.0)
                xb = plsc.bitcast(xc, jnp.int32)
                cand_v[sl] = jnp.where(xb >= t, xc, 0.0)

    @pl.when(cond & (cnt_lo != _K))
    def _():
        def obody(i, wv):
            x = row_v[pl.ds(i * _L, _L)]
            xc = jnp.clip(x, 0.0, 1.0)
            xb = plsc.bitcast(xc, jnp.int32)
            meq = xb == t
            csum = plsc.cumsum(jnp.where(meq, 1, 0))
            tix = wv + csum - 1
            plsc.store_scatter(tie_v, [tix], i * _L + iota,
                               mask=meq & (tix < _K))
            cand_v[pl.ds(i * _L, _L)] = jnp.where(xb > t, xc, 0.0)
            return wv + plsc.all_reduce_population_count(meq)

        lax.fori_loop(0, _N // _L, obody, zero_i)
        tvals = plsc.bitcast(jnp.broadcast_to(t, (_L,)), jnp.float32)

        def rbody(i, c):
            tix = tie_v[pl.ds(i * _L, _L)]
            valid = (i * _L + iota) < need
            plsc.store_scatter(cand_v, [tix], tvals, mask=valid)
            return c

        lax.fori_loop(0, (need + _L - 1) // _L, rbody, 0)

    @pl.when(jnp.logical_not(cond))
    def _():
        @plsc.parallel_loop(0, _N // (_L * _U), unroll=2)
        def _(i):
            for u in range(_U):
                sl = pl.ds((i * _U + u) * _L, _L)
                cand_v[sl] = jnp.clip(row_v[sl], 0.0, 1.0)

    pltpu.sync_copy(cand_v, out_hbm.at[row])


def _make_sc_fn(n_rows):
    rows_per_worker = max(1, n_rows // 32)

    def _sc_body(scores_hbm, kvec_hbm, out_hbm, row_v, cand_v, tie_v, hist_v,
                 kv_v):
        wid = lax.axis_index("s") * 2 + lax.axis_index("c")
        pltpu.sync_copy(kvec_hbm, kv_v)
        k_s = jnp.sum(kv_v[...]) * 0.0625
        for r in range(rows_per_worker):
            row = wid * rows_per_worker + r

            @pl.when(row < n_rows)
            def _():
                _process_row(row, row_v, cand_v, tie_v,
                             hist_v, k_s, scores_hbm, out_hbm)

    mesh = plsc.VectorSubcoreMesh(core_axis_name="c", subcore_axis_name="s")
    return functools.partial(
        pl.kernel,
        mesh=mesh,
        out_type=jax.ShapeDtypeStruct((n_rows, _N), jnp.float32),
        scratch_types=[
            pltpu.VMEM((_N,), jnp.float32),
            pltpu.VMEM((_N,), jnp.float32),
            pltpu.VMEM((_K + _L,), jnp.int32),
            pltpu.VMEM((_NB * _L,), jnp.int32),
            pltpu.VMEM((_L,), jnp.float32),
        ],
        compiler_params=pltpu.CompilerParams(needs_layout_passes=False),
    )(_sc_body)



def _tc_rowsum(m):
    v = m
    while v.shape[1] > 128:
        h = v.shape[1] // 2
        v = v[:, :h] + v[:, h:]
    return jnp.sum(v, axis=-1, keepdims=True)


def _tc_count(pred):
    return _tc_rowsum(pred.astype(jnp.int32))


def _tc_body(k_ref, x_ref, o_ref):
    x = x_ref[...]
    xc = jnp.clip(x, 0.0, 1.0)
    s = _tc_rowsum(xc)
    xb = lax.bitcast_convert_type(xc, jnp.int32)

    def vstep(_, carry):
        lo, hi = carry
        mid = (lo + hi) >> 1
        ge = _tc_count(xb >= mid) >= _K
        return jnp.where(ge, mid, lo), jnp.where(ge, hi, mid)

    r = x.shape[0]
    lo0 = jnp.zeros((r, 1), jnp.int32)
    hi0 = jnp.full((r, 1), _HI0, jnp.int32)
    lo, _ = lax.fori_loop(0, 31, vstep, (lo0, hi0))
    t = lo

    eq = xb == t
    n_ge = _tc_count(xb >= t)
    n_gt = _tc_count(xb > t)
    need = _K - n_gt
    idx = lax.broadcasted_iota(jnp.int32, x.shape, 1)

    def tie_bisect():
        def jstep(_, carry):
            jlo, jhi = carry
            mid = (jlo + jhi) >> 1
            geq = _tc_count(eq & (idx < mid)) >= need
            return jnp.where(geq, jlo, mid), jnp.where(geq, mid, jhi)

        jlo0 = jnp.zeros((r, 1), jnp.int32)
        jhi0 = jnp.full((r, 1), _N, jnp.int32)
        _, jhi = lax.fori_loop(0, 16, jstep, (jlo0, jhi0))
        return jhi

    jhi = lax.cond(jnp.all(n_ge == _K),
                   lambda: jnp.full((r, 1), _N, jnp.int32),
                   tie_bisect)
    mask = (xb > t) | (eq & (idx < jhi))
    cond = s > k_ref[0, 0]
    o_ref[...] = jnp.where(cond, jnp.where(mask, xc, 0.0), xc)


_TC_BLOCK = 16


def _tc_fn(x, kf):
    rows = x.shape[0]
    return pl.pallas_call(
        _tc_body,
        grid=(rows // _TC_BLOCK,),
        in_specs=[
            pl.BlockSpec(memory_space=pltpu.SMEM),
            pl.BlockSpec((_TC_BLOCK, _N), lambda i: (i, 0)),
        ],
        out_specs=pl.BlockSpec((_TC_BLOCK, _N), lambda i: (i, 0)),
        out_shape=jax.ShapeDtypeStruct(x.shape, x.dtype),
    )(kf, x)


_SC_ROWS = 32


def kernel(scores, k):
    kvec = jnp.broadcast_to(jnp.asarray(k, jnp.float32), (_L,))
    kf = jnp.asarray(k, jnp.float32).reshape(1, 1)
    rows = scores.shape[0]
    n_tc = rows - _SC_ROWS
    out_sc = _make_sc_fn(_SC_ROWS)(scores[n_tc:], kvec)
    out_tc = _tc_fn(scores[:n_tc], kf)
    return jnp.concatenate([out_tc, out_sc], axis=0)

# --- scband reference (transcript-rebuilt; emitter-appended) ---
"""Pipeline reference for scband-noise-generation-86998857548370 (READ-ONLY COPY).

The authoritative reference and input builder live on the scoring server;
editing this copy changes nothing except your own understanding.
"""

import jax, jax.numpy as jnp
import numpy as np


def setup_inputs(seed: int = 0) -> dict:
    key = jax.random.key(seed)
    scores = jax.random.uniform(key, (64, 32768), dtype=jnp.float32)
    return {"scores": scores, "k": 128}


def reference(scores, k):
    # Faithful translation of NoiseGeneration.projection_edge_weight, batched over rows:
    #   1) clamp values to [0, 1]
    #   2) if clamped sum exceeds n_perturbations (k), keep only the top-k largest
    #      entries (argsort descending -> binary mask -> multiply), else keep clamped.
    x = jnp.clip(scores, 0.0, 1.0)
    _, idx = jax.lax.top_k(x, 128)  # equivalent to argsort(descending)[:k]
    rows = jnp.arange(x.shape[0])[:, None]
    mask = jnp.zeros_like(x).at[rows, idx].set(1.0)
    cond = jnp.sum(x, axis=-1, keepdims=True) > k
    out = jnp.where(cond, x * mask, x)
    return out

if __name__ == "__main__":
    import jax
    _d = setup_inputs()
    print(jax.jit(kernel)(*tuple(_d.values())))

</pallas_src>

<mosaic_0001>
#map = affine_map<(d0, d1) -> (0, 0)>
#map1 = affine_map<(d0, d1) -> (0)>
module attributes {stable_mosaic.version = 14 : i64} {
  func.func @_sc_body(%arg0: i32, %arg1: i32, %arg2: memref<32x32768xf32, #tpu.memory_space<hbm>>, %arg3: memref<16xf32, #tpu.memory_space<hbm>>, %arg4: memref<32x32768xf32, #tpu.memory_space<hbm>>, %arg5: memref<32768xf32, #tpu.memory_space<vmem>>, %arg6: memref<32768xf32, #tpu.memory_space<vmem>>, %arg7: memref<144xi32, #tpu.memory_space<vmem>>, %arg8: memref<2048xi32, #tpu.memory_space<vmem>>, %arg9: memref<16xf32, #tpu.memory_space<vmem>>) attributes {dimension_semantics = [#tpu.dimension_semantics<core_parallel>, #tpu.dimension_semantics<subcore_parallel>], iteration_bounds = array<i64: 2, 16>, scalar_prefetch = 0 : i64, scratch_operands = 5 : i64, tpu.core_type = #tpu.core_type<sc_vector_subcore>, window_params = [{transform_indices = #map}, {transform_indices = #map1}, {transform_indices = #map}]} {
    %mul3A = arith.constant 2 : i32
    %mul3A_0 = arith.muli %arg1, %mul3A : i32
    %add3A = arith.addi %mul3A_0, %arg0 : i32
    "tpu.region"() ({
      %run_scoped3A = tpu.sem_alloc : memref<!tpu.dma_semaphore, #tpu.memory_space<semaphore_mem>>
      tpu.enqueue_dma source(%arg3 : memref<16xf32, #tpu.memory_space<hbm>>) target(%arg9 : memref<16xf32, #tpu.memory_space<vmem>>) target_semaphore(%run_scoped3A : memref<!tpu.dma_semaphore, #tpu.memory_space<semaphore_mem>>)
      tpu.wait_dma2 semaphore(%run_scoped3A : memref<!tpu.dma_semaphore, #tpu.memory_space<semaphore_mem>>) src(%arg3 : memref<16xf32, #tpu.memory_space<hbm>>) dst(%arg9 : memref<16xf32, #tpu.memory_space<vmem>>)
      tpu.yield
    }) : () -> ()
    %get3A = arith.constant 0 : index
    %get3A_1 = tpu.vector_load %arg9[%get3A] {strides = array<i32>} : memref<16xf32, #tpu.memory_space<vmem>>, vector<16xf32>,
    %reduce_sum3A = arith.constant true
    %reduce_sum3A_2 = vector.broadcast %reduce_sum3A : i1 to vector<16xi1>
    %reduce_sum3A_3 = tpu.scan <sum>, %get3A_1 masked %reduce_sum3A_2 : vector<16xf32>, vector<16xi1> -> vector<16xf32>
    %reduce_sum3A_4 = vector.extract %reduce_sum3A_3[15] : f32 from vector<16xf32>
    %mul3A_5 = arith.constant 6.250000e-02 : f32
    %mul3A_6 = arith.mulf %reduce_sum3A_4, %mul3A_5 : f32
    %mul3A_7 = arith.constant 1 : i32
    %mul3A_8 = arith.muli %add3A, %mul3A_7 : i32
    %add3A_9 = arith.constant 0 : i32
    %add3A_10 = arith.addi %mul3A_8, %add3A_9 : i32
    %lt3A = arith.constant 32 : i32
    %lt3A_11 = arith.cmpi slt, %add3A_10, %lt3A : i32
    %convert_element_type3A = arith.extui %lt3A_11 : i1 to i32
    %cond3A = arith.constant 0 : i32
    %cond3A_12 = arith.cmpi ne, %convert_element_type3A, %cond3A : i32
    scf.if %cond3A_12 {
      "tpu.region"() ({
        %run_scoped3A = tpu.sem_alloc : memref<!tpu.dma_semaphore, #tpu.memory_space<semaphore_mem>>
        %dma_start3A = arith.constant 0 : i32
        %dma_start3A_1005 = tpu.memref_slice %arg2[%add3A_10, %dma_start3A] : memref<32x32768xf32, #tpu.memory_space<hbm>> -> memref<1x32768xf32, #tpu.memory_space<hbm>>
        %dma_start3A_1006 = tpu.memref_squeeze %dma_start3A_1005 : memref<1x32768xf32, #tpu.memory_space<hbm>> -> memref<32768xf32, #tpu.memory_space<hbm>>
        %dma_start3A_1007 = arith.constant 0 : i32
        %dma_start3A_1008 = tpu.memref_slice %arg2[%add3A_10, %dma_start3A_1007] : memref<32x32768xf32, #tpu.memory_space<hbm>> -> memref<1x32768xf32, #tpu.memory_space<hbm>>
        %dma_start3A_1009 = tpu.memref_squeeze %dma_start3A_1008 : memref<1x32768xf32, #tpu.memory_space<hbm>> -> memref<32768xf32, #tpu.memory_space<hbm>>
        tpu.enqueue_dma source(%dma_start3A_1009 : memref<32768xf32, #tpu.memory_space<hbm>>) target(%arg5 : memref<32768xf32, #tpu.memory_space<vmem>>) target_semaphore(%run_scoped3A : memref<!tpu.dma_semaphore, #tpu.memory_space<semaphore_mem>>)
        %dma_wait3A = arith.constant 0 : i32
        %dma_wait3A_1010 = tpu.memref_slice %arg2[%add3A_10, %dma_wait3A] : memref<32x32768xf32, #tpu.memory_space<hbm>> -> memref<1x32768xf32, #tpu.memory_space<hbm>>
        %dma_wait3A_1011 = tpu.memref_squeeze %dma_wait3A_1010 : memref<1x32768xf32, #tpu.memory_space<hbm>> -> memref<32768xf32, #tpu.memory_space<hbm>>
        %dma_wait3A_1012 = arith.constant 0 : i32
        %dma_wait3A_1013 = tpu.memref_slice %arg2[%add3A_10, %dma_wait3A_1012] : memref<32x32768xf32, #tpu.memory_space<hbm>> -> memref<1x32768xf32, #tpu.memory_space<hbm>>
        %dma_wait3A_1014 = tpu.memref_squeeze %dma_wait3A_1013 : memref<1x32768xf32, #tpu.memory_space<hbm>> -> memref<32768xf32, #tpu.memory_space<hbm>>
        tpu.wait_dma2 semaphore(%run_scoped3A : memref<!tpu.dma_semaphore, #tpu.memory_space<semaphore_mem>>) src(%dma_wait3A_1014 : memref<32768xf32, #tpu.memory_space<hbm>>) dst(%arg5 : memref<32768xf32, #tpu.memory_space<vmem>>)
        tpu.yield
      }) : () -> ()
      %iota3A = tpu.iota {dimensions = array<i32: 0>} : vector<16xi32>
      %broadcast_in_dim3A = arith.constant 1 : i32
      %broadcast_in_dim3A_13 = vector.broadcast %broadcast_in_dim3A : i32 to vector<16xi32>
      %broadcast_in_dim3A_14 = arith.constant 0 : i32
      %broadcast_in_dim3A_15 = vector.broadcast %broadcast_in_dim3A_14 : i32 to vector<16xi32>
      %parallel_loop3A = arith.constant 0 : i32
      %parallel_loop3A_16 = arith.constant 128 : i32
      %parallel_loop3A_17 = arith.constant 1 : i32
      scf.for %parallel_loop3A_1005 = %parallel_loop3A to %parallel_loop3A_16 step %parallel_loop3A_17  : i32 {
        %parallel_loop3A_1006 = arith.constant 16 : i32
        %parallel_loop3A_1007 = arith.muli %parallel_loop3A_1005, %parallel_loop3A_1006 : i32
        %parallel_loop3A_1008 = arith.index_cast %parallel_loop3A_1007 : i32 to index
        %parallel_loop3A_1009 = tpu.vector_load %arg8[%parallel_loop3A_1008] {strides = array<i32>} : memref<2048xi32, #tpu.memory_space<vmem>>, vector<16xi32>,
        tpu.vector_store %arg8[%parallel_loop3A_1008], %broadcast_in_dim3A_15 {strides = array<i32>} : memref<2048xi32, #tpu.memory_space<vmem>>, vector<16xi32>,
      } {sc.loop_unroll_factor = 4 : i64, sc.parallel_access}
      %broadcast_in_dim3A_18 = arith.constant 0.000000e+00 : f32
      %broadcast_in_dim3A_19 = vector.broadcast %broadcast_in_dim3A_18 : f32 to vector<16xf32>
      %broadcast_in_dim3A_20 = arith.constant 0.000000e+00 : f32
      %broadcast_in_dim3A_21 = vector.broadcast %broadcast_in_dim3A_20 : f32 to vector<16xf32>
      %broadcast_in_dim3A_22 = arith.constant 0.000000e+00 : f32
      %broadcast_in_dim3A_23 = vector.broadcast %broadcast_in_dim3A_22 : f32 to vector<16xf32>
      %broadcast_in_dim3A_24 = arith.constant 0.000000e+00 : f32
      %broadcast_in_dim3A_25 = vector.broadcast %broadcast_in_dim3A_24 : f32 to vector<16xf32>
      %parallel_loop3A_26 = arith.constant 0 : i32
      %parallel_loop3A_27 = arith.constant 512 : i32
      %parallel_loop3A_28 = arith.constant 1 : i32
      %parallel_loop3A_29:4 = scf.for %parallel_loop3A_1005 = %parallel_loop3A_26 to %parallel_loop3A_27 step %parallel_loop3A_28 iter_args(%parallel_loop3A_1006 = %broadcast_in_dim3A_19, %parallel_loop3A_1007 = %broadcast_in_dim3A_21, %parallel_loop3A_1008 = %broadcast_in_dim3A_23, %parallel_loop3A_1009 = %broadcast_in_dim3A_25) -> (vector<16xf32>, vector<16xf32>, vector<16xf32>, vector<16xf32>)  : i32 {
        %parallel_loop3A_1010 = arith.constant 4 : i32
        %parallel_loop3A_1011 = arith.muli %parallel_loop3A_1005, %parallel_loop3A_1010 : i32
        %parallel_loop3A_1012 = arith.constant 0 : i32
        %parallel_loop3A_1013 = arith.addi %parallel_loop3A_1011, %parallel_loop3A_1012 : i32
        %parallel_loop3A_1014 = arith.constant 16 : i32
        %parallel_loop3A_1015 = arith.muli %parallel_loop3A_1013, %parallel_loop3A_1014 : i32
        %parallel_loop3A_1016 = arith.index_cast %parallel_loop3A_1015 : i32 to index
        %parallel_loop3A_1017 = tpu.vector_load %arg5[%parallel_loop3A_1016] {strides = array<i32>} : memref<32768xf32, #tpu.memory_space<vmem>>, vector<16xf32>,
        %parallel_loop3A_1018 = arith.constant 0.000000e+00 : f32
        %parallel_loop3A_1019 = arith.constant 1.000000e+00 : f32
        %parallel_loop3A_1020 = vector.broadcast %parallel_loop3A_1018 : f32 to vector<16xf32>
        %parallel_loop3A_1021 = arith.maximumf %parallel_loop3A_1020, %parallel_loop3A_1017 : vector<16xf32>
        %parallel_loop3A_1022 = vector.broadcast %parallel_loop3A_1019 : f32 to vector<16xf32>
        %parallel_loop3A_1023 = arith.minimumf %parallel_loop3A_1022, %parallel_loop3A_1021 : vector<16xf32>
        %parallel_loop3A_1024 = arith.addf %parallel_loop3A_1006, %parallel_loop3A_1023 : vector<16xf32>
        %parallel_loop3A_1025 = arith.constant 1.000000e+00 : f32
        %parallel_loop3A_1026 = vector.broadcast %parallel_loop3A_1025 : f32 to vector<16xf32>
        %parallel_loop3A_1027 = arith.subf %parallel_loop3A_1026, %parallel_loop3A_1023 : vector<16xf32>
        %parallel_loop3A_1028 = vector.bitcast %parallel_loop3A_1027 : vector<16xf32> to vector<16xi32>
        %parallel_loop3A_1029 = arith.constant 23 : i32
        %parallel_loop3A_1030 = vector.broadcast %parallel_loop3A_1029 : i32 to vector<16xi32>
        %parallel_loop3A_1031 = arith.shrsi %parallel_loop3A_1028, %parallel_loop3A_1030 : vector<16xi32>
        %parallel_loop3A_1032 = arith.constant 4 : i32
        %parallel_loop3A_1033 = vector.broadcast %parallel_loop3A_1032 : i32 to vector<16xi32>
        %parallel_loop3A_1034 = arith.shli %parallel_loop3A_1031, %parallel_loop3A_1033 : vector<16xi32>
        %parallel_loop3A_1035 = arith.addi %parallel_loop3A_1034, %iota3A : vector<16xi32>
        tpu.vector_store_idx %arg8[%parallel_loop3A_1035], %broadcast_in_dim3A_13 {add = true} : memref<2048xi32, #tpu.memory_space<vmem>>[vector<16xi32>], vector<16xi32>,
        %parallel_loop3A_1036 = arith.constant 4 : i32
        %parallel_loop3A_1037 = arith.muli %parallel_loop3A_1005, %parallel_loop3A_1036 : i32
        %parallel_loop3A_1038 = arith.constant 1 : i32
        %parallel_loop3A_1039 = arith.addi %parallel_loop3A_1037, %parallel_loop3A_1038 : i32
        %parallel_loop3A_1040 = arith.constant 16 : i32
        %parallel_loop3A_1041 = arith.muli %parallel_loop3A_1039, %parallel_loop3A_1040 : i32
        %parallel_loop3A_1042 = arith.index_cast %parallel_loop3A_1041 : i32 to index
        %parallel_loop3A_1043 = tpu.vector_load %arg5[%parallel_loop3A_1042] {strides = array<i32>} : memref<32768xf32, #tpu.memory_space<vmem>>, vector<16xf32>,
        %parallel_loop3A_1044 = arith.constant 0.000000e+00 : f32
        %parallel_loop3A_1045 = arith.constant 1.000000e+00 : f32
        %parallel_loop3A_1046 = vector.broadcast %parallel_loop3A_1044 : f32 to vector<16xf32>
        %parallel_loop3A_1047 = arith.maximumf %parallel_loop3A_1046, %parallel_loop3A_1043 : vector<16xf32>
        %parallel_loop3A_1048 = vector.broadcast %parallel_loop3A_1045 : f32 to vector<16xf32>
        %parallel_loop3A_1049 = arith.minimumf %parallel_loop3A_1048, %parallel_loop3A_1047 : vector<16xf32>
        %parallel_loop3A_1050 = arith.addf %parallel_loop3A_1007, %parallel_loop3A_1049 : vector<16xf32>
        %parallel_loop3A_1051 = arith.constant 1.000000e+00 : f32
        %parallel_loop3A_1052 = vector.broadcast %parallel_loop3A_1051 : f32 to vector<16xf32>
        %parallel_loop3A_1053 = arith.subf %parallel_loop3A_1052, %parallel_loop3A_1049 : vector<16xf32>
        %parallel_loop3A_1054 = vector.bitcast %parallel_loop3A_1053 : vector<16xf32> to vector<16xi32>
        %parallel_loop3A_1055 = arith.constant 23 : i32
        %parallel_loop3A_1056 = vector.broadcast %parallel_loop3A_1055 : i32 to vector<16xi32>
        %parallel_loop3A_1057 = arith.shrsi %parallel_loop3A_1054, %parallel_loop3A_1056 : vector<16xi32>
        %parallel_loop3A_1058 = arith.constant 4 : i32
        %parallel_loop3A_1059 = vector.broadcast %parallel_loop3A_1058 : i32 to vector<16xi32>
        %parallel_loop3A_1060 = arith.shli %parallel_loop3A_1057, %parallel_loop3A_1059 : vector<16xi32>
        %parallel_loop3A_1061 = arith.addi %parallel_loop3A_1060, %iota3A : vector<16xi32>
        tpu.vector_store_idx %arg8[%parallel_loop3A_1061], %broadcast_in_dim3A_13 {add = true} : memref<2048xi32, #tpu.memory_space<vmem>>[vector<16xi32>], vector<16xi32>,
        %parallel_loop3A_1062 = arith.constant 4 : i32
        %parallel_loop3A_1063 = arith.muli %parallel_loop3A_1005, %parallel_loop3A_1062 : i32
        %parallel_loop3A_1064 = arith.constant 2 : i32
        %parallel_loop3A_1065 = arith.addi %parallel_loop3A_1063, %parallel_loop3A_1064 : i32
        %parallel_loop3A_1066 = arith.constant 16 : i32
        %parallel_loop3A_1067 = arith.muli %parallel_loop3A_1065, %parallel_loop3A_1066 : i32
        %parallel_loop3A_1068 = arith.index_cast %parallel_loop3A_1067 : i32 to index
        %parallel_loop3A_1069 = tpu.vector_load %arg5[%parallel_loop3A_1068] {strides = array<i32>} : memref<32768xf32, #tpu.memory_space<vmem>>, vector<16xf32>,
        %parallel_loop3A_1070 = arith.constant 0.000000e+00 : f32
        %parallel_loop3A_1071 = arith.constant 1.000000e+00 : f32
        %parallel_loop3A_1072 = vector.broadcast %parallel_loop3A_1070 : f32 to vector<16xf32>
        %parallel_loop3A_1073 = arith.maximumf %parallel_loop3A_1072, %parallel_loop3A_1069 : vector<16xf32>
        %parallel_loop3A_1074 = vector.broadcast %parallel_loop3A_1071 : f32 to vector<16xf32>
        %parallel_loop3A_1075 = arith.minimumf %parallel_loop3A_1074, %parallel_loop3A_1073 : vector<16xf32>
        %parallel_loop3A_1076 = arith.addf %parallel_loop3A_1008, %parallel_loop3A_1075 : vector<16xf32>
        %parallel_loop3A_1077 = arith.constant 1.000000e+00 : f32
        %parallel_loop3A_1078 = vector.broadcast %parallel_loop3A_1077 : f32 to vector<16xf32>
        %parallel_loop3A_1079 = arith.subf %parallel_loop3A_1078, %parallel_loop3A_1075 : vector<16xf32>
        %parallel_loop3A_1080 = vector.bitcast %parallel_loop3A_1079 : vector<16xf32> to vector<16xi32>
        %parallel_loop3A_1081 = arith.constant 23 : i32
        %parallel_loop3A_1082 = vector.broadcast %parallel_loop3A_1081 : i32 to vector<16xi32>
        %parallel_loop3A_1083 = arith.shrsi %parallel_loop3A_1080, %parallel_loop3A_1082 : vector<16xi32>
        %parallel_loop3A_1084 = arith.constant 4 : i32
        %parallel_loop3A_1085 = vector.broadcast %parallel_loop3A_1084 : i32 to vector<16xi32>
        %parallel_loop3A_1086 = arith.shli %parallel_loop3A_1083, %parallel_loop3A_1085 : vector<16xi32>
        %parallel_loop3A_1087 = arith.addi %parallel_loop3A_1086, %iota3A : vector<16xi32>
        tpu.vector_store_idx %arg8[%parallel_loop3A_1087], %broadcast_in_dim3A_13 {add = true} : memref<2048xi32, #tpu.memory_space<vmem>>[vector<16xi32>], vector<16xi32>,
        %parallel_loop3A_1088 = arith.constant 4 : i32
        %parallel_loop3A_1089 = arith.muli %parallel_loop3A_1005, %parallel_loop3A_1088 : i32
        %parallel_loop3A_1090 = arith.constant 3 : i32
        %parallel_loop3A_1091 = arith.addi %parallel_loop3A_1089, %parallel_loop3A_1090 : i32
        %parallel_loop3A_1092 = arith.constant 16 : i32
        %parallel_loop3A_1093 = arith.muli %parallel_loop3A_1091, %parallel_loop3A_1092 : i32
        %parallel_loop3A_1094 = arith.index_cast %parallel_loop3A_1093 : i32 to index
        %parallel_loop3A_1095 = tpu.vector_load %arg5[%parallel_loop3A_1094] {strides = array<i32>} : memref<32768xf32, #tpu.memory_space<vmem>>, vector<16xf32>,
        %parallel_loop3A_1096 = arith.constant 0.000000e+00 : f32
        %parallel_loop3A_1097 = arith.constant 1.000000e+00 : f32
        %parallel_loop3A_1098 = vector.broadcast %parallel_loop3A_1096 : f32 to vector<16xf32>
        %parallel_loop3A_1099 = arith.maximumf %parallel_loop3A_1098, %parallel_loop3A_1095 : vector<16xf32>
        %parallel_loop3A_1100 = vector.broadcast %parallel_loop3A_1097 : f32 to vector<16xf32>
        %parallel_loop3A_1101 = arith.minimumf %parallel_loop3A_1100, %parallel_loop3A_1099 : vector<16xf32>
        %parallel_loop3A_1102 = arith.addf %parallel_loop3A_1009, %parallel_loop3A_1101 : vector<16xf32>
        %parallel_loop3A_1103 = arith.constant 1.000000e+00 : f32
        %parallel_loop3A_1104 = vector.broadcast %parallel_loop3A_1103 : f32 to vector<16xf32>
        %parallel_loop3A_1105 = arith.subf %parallel_loop3A_1104, %parallel_loop3A_1101 : vector<16xf32>
        %parallel_loop3A_1106 = vector.bitcast %parallel_loop3A_1105 : vector<16xf32> to vector<16xi32>
        %parallel_loop3A_1107 = arith.constant 23 : i32
        %parallel_loop3A_1108 = vector.broadcast %parallel_loop3A_1107 : i32 to vector<16xi32>
        %parallel_loop3A_1109 = arith.shrsi %parallel_loop3A_1106, %parallel_loop3A_1108 : vector<16xi32>
        %parallel_loop3A_1110 = arith.constant 4 : i32
        %parallel_loop3A_1111 = vector.broadcast %parallel_loop3A_1110 : i32 to vector<16xi32>
        %parallel_loop3A_1112 = arith.shli %parallel_loop3A_1109, %parallel_loop3A_1111 : vector<16xi32>
        %parallel_loop3A_1113 = arith.addi %parallel_loop3A_1112, %iota3A : vector<16xi32>
        tpu.vector_store_idx %arg8[%parallel_loop3A_1113], %broadcast_in_dim3A_13 {add = true} : memref<2048xi32, #tpu.memory_space<vmem>>[vector<16xi32>], vector<16xi32>,
        scf.yield %parallel_loop3A_1024, %parallel_loop3A_1050, %parallel_loop3A_1076, %parallel_loop3A_1102 : vector<16xf32>, vector<16xf32>, vector<16xf32>, vector<16xf32>
      } {sc.loop_unroll_factor = 2 : i64, sc.parallel_access}
      %add3A_30 = arith.constant 0.000000e+00 : f32
      %add3A_31 = vector.broadcast %add3A_30 : f32 to vector<16xf32>
      %add3A_32 = arith.addf %add3A_31, %parallel_loop3A_29#0 : vector<16xf32>
      %add3A_33 = arith.addf %add3A_32, %parallel_loop3A_29#1 : vector<16xf32>
      %add3A_34 = arith.addf %add3A_33, %parallel_loop3A_29#2 : vector<16xf32>
      %add3A_35 = arith.addf %add3A_34, %parallel_loop3A_29#3 : vector<16xf32>
      %reduce_sum3A_36 = arith.constant true
      %reduce_sum3A_37 = vector.broadcast %reduce_sum3A_36 : i1 to vector<16xi1>
      %reduce_sum3A_38 = tpu.scan <sum>, %add3A_35 masked %reduce_sum3A_37 : vector<16xf32>, vector<16xi1> -> vector<16xf32>
      %reduce_sum3A_39 = vector.extract %reduce_sum3A_38[15] : f32 from vector<16xf32>
      %add3A_40 = arith.constant 0 : i32
      %add3A_41 = vector.broadcast %add3A_40 : i32 to vector<16xi32>
      %add3A_42 = arith.addi %add3A_41, %iota3A : vector<16xi32>
      %shift_left3A = arith.constant 4 : i32
      %shift_left3A_43 = vector.broadcast %shift_left3A : i32 to vector<16xi32>
      %shift_left3A_44 = arith.shli %add3A_42, %shift_left3A_43 : vector<16xi32>
      %add3A_45 = arith.constant 0 : i32
      %add3A_46 = vector.broadcast %add3A_45 : i32 to vector<16xi32>
      %add3A_47 = arith.addi %shift_left3A_44, %add3A_46 : vector<16xi32>
      %gather3A = tpu.vector_load_idx %arg8[%add3A_47] : memref<2048xi32, #tpu.memory_space<vmem>>[vector<16xi32>], vector<16xi32>,
      %add3A_48 = arith.addi %broadcast_in_dim3A_15, %gather3A : vector<16xi32>
      %add3A_49 = arith.constant 1 : i32
      %add3A_50 = vector.broadcast %add3A_49 : i32 to vector<16xi32>
      %add3A_51 = arith.addi %shift_left3A_44, %add3A_50 : vector<16xi32>
      %gather3A_52 = tpu.vector_load_idx %arg8[%add3A_51] : memref<2048xi32, #tpu.memory_space<vmem>>[vector<16xi32>], vector<16xi32>,
      %add3A_53 = arith.addi %add3A_48, %gather3A_52 : vector<16xi32>
      %add3A_54 = arith.constant 2 : i32
      %add3A_55 = vector.broadcast %add3A_54 : i32 to vector<16xi32>
      %add3A_56 = arith.addi %shift_left3A_44, %add3A_55 : vector<16xi32>
      %gather3A_57 = tpu.vector_load_idx %arg8[%add3A_56] : memref<2048xi32, #tpu.memory_space<vmem>>[vector<16xi32>], vector<16xi32>,
      %add3A_58 = arith.addi %add3A_53, %gather3A_57 : vector<16xi32>
      %add3A_59 = arith.constant 3 : i32
      %add3A_60 = vector.broadcast %add3A_59 : i32 to vector<16xi32>
      %add3A_61 = arith.addi %shift_left3A_44, %add3A_60 : vector<16xi32>
      %gather3A_62 = tpu.vector_load_idx %arg8[%add3A_61] : memref<2048xi32, #tpu.memory_space<vmem>>[vector<16xi32>], vector<16xi32>,
      %add3A_63 = arith.addi %add3A_58, %gather3A_62 : vector<16xi32>
      %add3A_64 = arith.constant 4 : i32
      %add3A_65 = vector.broadcast %add3A_64 : i32 to vector<16xi32>
      %add3A_66 = arith.addi %shift_left3A_44, %add3A_65 : vector<16xi32>
      %gather3A_67 = tpu.vector_load_idx %arg8[%add3A_66] : memref<2048xi32, #tpu.memory_space<vmem>>[vector<16xi32>], vector<16xi32>,
      %add3A_68 = arith.addi %add3A_63, %gather3A_67 : vector<16xi32>
      %add3A_69 = arith.constant 5 : i32
      %add3A_70 = vector.broadcast %add3A_69 : i32 to vector<16xi32>
      %add3A_71 = arith.addi %shift_left3A_44, %add3A_70 : vector<16xi32>
      %gather3A_72 = tpu.vector_load_idx %arg8[%add3A_71] : memref<2048xi32, #tpu.memory_space<vmem>>[vector<16xi32>], vector<16xi32>,
      %add3A_73 = arith.addi %add3A_68, %gather3A_72 : vector<16xi32>
      %add3A_74 = arith.constant 6 : i32
      %add3A_75 = vector.broadcast %add3A_74 : i32 to vector<16xi32>
      %add3A_76 = arith.addi %shift_left3A_44, %add3A_75 : vector<16xi32>
      %gather3A_77 = tpu.vector_load_idx %arg8[%add3A_76] : memref<2048xi32, #tpu.memory_space<vmem>>[vector<16xi32>], vector<16xi32>,
      %add3A_78 = arith.addi %add3A_73, %gather3A_77 : vector<16xi32>
      %add3A_79 = arith.constant 7 : i32
      %add3A_80 = vector.broadcast %add3A_79 : i32 to vector<16xi32>
      %add3A_81 = arith.addi %shift_left3A_44, %add3A_80 : vector<16xi32>
      %gather3A_82 = tpu.vector_load_idx %arg8[%add3A_81] : memref<2048xi32, #tpu.memory_space<vmem>>[vector<16xi32>], vector<16xi32>,
      %add3A_83 = arith.addi %add3A_78, %gather3A_82 : vector<16xi32>
      %add3A_84 = arith.constant 8 : i32
      %add3A_85 = vector.broadcast %add3A_84 : i32 to vector<16xi32>
      %add3A_86 = arith.addi %shift_left3A_44, %add3A_85 : vector<16xi32>
      %gather3A_87 = tpu.vector_load_idx %arg8[%add3A_86] : memref<2048xi32, #tpu.memory_space<vmem>>[vector<16xi32>], vector<16xi32>,
      %add3A_88 = arith.addi %add3A_83, %gather3A_87 : vector<16xi32>
      %add3A_89 = arith.constant 9 : i32
      %add3A_90 = vector.broadcast %add3A_89 : i32 to vector<16xi32>
      %add3A_91 = arith.addi %shift_left3A_44, %add3A_90 : vector<16xi32>
      %gather3A_92 = tpu.vector_load_idx %arg8[%add3A_91] : memref<2048xi32, #tpu.memory_space<vmem>>[vector<16xi32>], vector<16xi32>,
      %add3A_93 = arith.addi %add3A_88, %gather3A_92 : vector<16xi32>
      %add3A_94 = arith.constant 10 : i32
      %add3A_95 = vector.broadcast %add3A_94 : i32 to vector<16xi32>
      %add3A_96 = arith.addi %shift_left3A_44, %add3A_95 : vector<16xi32>
      %gather3A_97 = tpu.vector_load_idx %arg8[%add3A_96] : memref<2048xi32, #tpu.memory_space<vmem>>[vector<16xi32>], vector<16xi32>,
      %add3A_98 = arith.addi %add3A_93, %gather3A_97 : vector<16xi32>
      %add3A_99 = arith.constant 11 : i32
      %add3A_100 = vector.broadcast %add3A_99 : i32 to vector<16xi32>
      %add3A_101 = arith.addi %shift_left3A_44, %add3A_100 : vector<16xi32>
      %gather3A_102 = tpu.vector_load_idx %arg8[%add3A_101] : memref<2048xi32, #tpu.memory_space<vmem>>[vector<16xi32>], vector<16xi32>,
      %add3A_103 = arith.addi %add3A_98, %gather3A_102 : vector<16xi32>
      %add3A_104 = arith.constant 12 : i32
      %add3A_105 = vector.broadcast %add3A_104 : i32 to vector<16xi32>
      %add3A_106 = arith.addi %shift_left3A_44, %add3A_105 : vector<16xi32>
      %gather3A_107 = tpu.vector_load_idx %arg8[%add3A_106] : memref<2048xi32, #tpu.memory_space<vmem>>[vector<16xi32>], vector<16xi32>,
      %add3A_108 = arith.addi %add3A_103, %gather3A_107 : vector<16xi32>
      %add3A_109 = arith.constant 13 : i32
      %add3A_110 = vector.broadcast %add3A_109 : i32 to vector<16xi32>
      %add3A_111 = arith.addi %shift_left3A_44, %add3A_110 : vector<16xi32>
      %gather3A_112 = tpu.vector_load_idx %arg8[%add3A_111] : memref<2048xi32, #tpu.memory_space<vmem>>[vector<16xi32>], vector<16xi32>,
      %add3A_113 = arith.addi %add3A_108, %gather3A_112 : vector<16xi32>
      %add3A_114 = arith.constant 14 : i32
      %add3A_115 = vector.broadcast %add3A_114 : i32 to vector<16xi32>
      %add3A_116 = arith.addi %shift_left3A_44, %add3A_115 : vector<16xi32>
      %gather3A_117 = tpu.vector_load_idx %arg8[%add3A_116] : memref<2048xi32, #tpu.memory_space<vmem>>[vector<16xi32>], vector<16xi32>,
      %add3A_118 = arith.addi %add3A_113, %gather3A_117 : vector<16xi32>
      %add3A_119 = arith.constant 15 : i32
      %add3A_120 = vector.broadcast %add3A_119 : i32 to vector<16xi32>
      %add3A_121 = arith.addi %shift_left3A_44, %add3A_120 : vector<16xi32>
      %gather3A_122 = tpu.vector_load_idx %arg8[%add3A_121] : memref<2048xi32, #tpu.memory_space<vmem>>[vector<16xi32>], vector<16xi32>,
      %add3A_123 = arith.addi %add3A_118, %gather3A_122 : vector<16xi32>
      %broadcast_in_dim3A_124 = arith.constant true
      %broadcast_in_dim3A_125 = vector.broadcast %broadcast_in_dim3A_124 : i1 to vector<16xi1>
      %masked_cumsum3A = tpu.scan <sum>, %add3A_123 masked %broadcast_in_dim3A_125 : vector<16xi32>, vector<16xi1> -> vector<16xi32>
      %add3A_126 = arith.constant 0 : i32
      %add3A_127 = vector.broadcast %add3A_126 : i32 to vector<16xi32>
      %add3A_128 = arith.addi %masked_cumsum3A, %add3A_127 : vector<16xi32>
      %slice3A = vector.extract_strided_slice %add3A_128 {offsets = [15], sizes = [1], strides = [1]} : vector<16xi32> to vector<1xi32>
      %squeeze3A = vector.extract %slice3A[0] : i32 from vector<1xi32>
      %lt3A_129 = arith.constant 128 : i32
      %lt3A_130 = vector.broadcast %lt3A_129 : i32 to vector<16xi32>
      %lt3A_131 = arith.cmpi slt, %add3A_128, %lt3A_130 : vector<16xi32>
      %all_reduce_population_count3A = tpu.all_reduce %lt3A_131 {dim = 0 : i64, kind = #tpu.reduction_kind<sum>} : vector<16xi1> -> vector<16xi32>
      %slice3A_132 = vector.extract_strided_slice %all_reduce_population_count3A {offsets = [0], sizes = [1], strides = [1]} : vector<16xi32> to vector<1xi32>
      %squeeze3A_133 = vector.extract %slice3A_132[0] : i32 from vector<1xi32>
      %add3A_134 = arith.constant 0 : i32
      %add3A_135 = arith.addi %add3A_134, %squeeze3A_133 : i32
      %jit3A = arith.constant 0 : i32
      %broadcast_in_dim3A_136 = vector.broadcast %jit3A : i32 to vector<16xi32>
      %select_n3A = arith.select %lt3A_131, %add3A_128, %broadcast_in_dim3A_136 : vector<16xi1>, vector<16xi32>
      %reduce_max3A = arith.constant true
      %reduce_max3A_137 = vector.broadcast %reduce_max3A : i1 to vector<16xi1>
      %reduce_max3A_138 = arith.constant -2147483648 : i32
      %reduce_max3A_139 = vector.broadcast %reduce_max3A_138 : i32 to vector<16xi32>
      %reduce_max3A_140 = arith.xori %select_n3A, %reduce_max3A_139 : vector<16xi32>
      %reduce_max3A_141 = tpu.scan <max>, %reduce_max3A_140 masked %reduce_max3A_137 : vector<16xi32>, vector<16xi1> -> vector<16xi32>
      %reduce_max3A_142 = arith.xori %reduce_max3A_141, %reduce_max3A_139 : vector<16xi32>
      %reduce_max3A_143 = vector.extract %reduce_max3A_142[15] : i32 from vector<16xi32>
      %max3A = arith.constant 0 : i32
      %max3A_144 = arith.maxsi %max3A, %reduce_max3A_143 : i32
      %add3A_145 = arith.constant 16 : i32
      %add3A_146 = vector.broadcast %add3A_145 : i32 to vector<16xi32>
      %add3A_147 = arith.addi %add3A_146, %iota3A : vector<16xi32>
      %shift_left3A_148 = arith.constant 4 : i32
      %shift_left3A_149 = vector.broadcast %shift_left3A_148 : i32 to vector<16xi32>
      %shift_left3A_150 = arith.shli %add3A_147, %shift_left3A_149 : vector<16xi32>
      %add3A_151 = arith.constant 0 : i32
      %add3A_152 = vector.broadcast %add3A_151 : i32 to vector<16xi32>
      %add3A_153 = arith.addi %shift_left3A_150, %add3A_152 : vector<16xi32>
      %gather3A_154 = tpu.vector_load_idx %arg8[%add3A_153] : memref<2048xi32, #tpu.memory_space<vmem>>[vector<16xi32>], vector<16xi32>,
      %add3A_155 = arith.addi %broadcast_in_dim3A_15, %gather3A_154 : vector<16xi32>
      %add3A_156 = arith.constant 1 : i32
      %add3A_157 = vector.broadcast %add3A_156 : i32 to vector<16xi32>
      %add3A_158 = arith.addi %shift_left3A_150, %add3A_157 : vector<16xi32>
      %gather3A_159 = tpu.vector_load_idx %arg8[%add3A_158] : memref<2048xi32, #tpu.memory_space<vmem>>[vector<16xi32>], vector<16xi32>,
      %add3A_160 = arith.addi %add3A_155, %gather3A_159 : vector<16xi32>
      %add3A_161 = arith.constant 2 : i32
      %add3A_162 = vector.broadcast %add3A_161 : i32 to vector<16xi32>
      %add3A_163 = arith.addi %shift_left3A_150, %add3A_162 : vector<16xi32>
      %gather3A_164 = tpu.vector_load_idx %arg8[%add3A_163] : memref<2048xi32, #tpu.memory_space<vmem>>[vector<16xi32>], vector<16xi32>,
      %add3A_165 = arith.addi %add3A_160, %gather3A_164 : vector<16xi32>
      %add3A_166 = arith.constant 3 : i32
      %add3A_167 = vector.broadcast %add3A_166 : i32 to vector<16xi32>
      %add3A_168 = arith.addi %shift_left3A_150, %add3A_167 : vector<16xi32>
      %gather3A_169 = tpu.vector_load_idx %arg8[%add3A_168] : memref<2048xi32, #tpu.memory_space<vmem>>[vector<16xi32>], vector<16xi32>,
      %add3A_170 = arith.addi %add3A_165, %gather3A_169 : vector<16xi32>
      %add3A_171 = arith.constant 4 : i32
      %add3A_172 = vector.broadcast %add3A_171 : i32 to vector<16xi32>
      %add3A_173 = arith.addi %shift_left3A_150, %add3A_172 : vector<16xi32>
      %gather3A_174 = tpu.vector_load_idx %arg8[%add3A_173] : memref<2048xi32, #tpu.memory_space<vmem>>[vector<16xi32>], vector<16xi32>,
      %add3A_175 = arith.addi %add3A_170, %gather3A_174 : vector<16xi32>
      %add3A_176 = arith.constant 5 : i32
      %add3A_177 = vector.broadcast %add3A_176 : i32 to vector<16xi32>
      %add3A_178 = arith.addi %shift_left3A_150, %add3A_177 : vector<16xi32>
      %gather3A_179 = tpu.vector_load_idx %arg8[%add3A_178] : memref<2048xi32, #tpu.memory_space<vmem>>[vector<16xi32>], vector<16xi32>,
      %add3A_180 = arith.addi %add3A_175, %gather3A_179 : vector<16xi32>
      %add3A_181 = arith.constant 6 : i32
      %add3A_182 = vector.broadcast %add3A_181 : i32 to vector<16xi32>
      %add3A_183 = arith.addi %shift_left3A_150, %add3A_182 : vector<16xi32>
      %gather3A_184 = tpu.vector_load_idx %arg8[%add3A_183] : memref<2048xi32, #tpu.memory_space<vmem>>[vector<16xi32>], vector<16xi32>,
      %add3A_185 = arith.addi %add3A_180, %gather3A_184 : vector<16xi32>
      %add3A_186 = arith.constant 7 : i32
      %add3A_187 = vector.broadcast %add3A_186 : i32 to vector<16xi32>
      %add3A_188 = arith.addi %shift_left3A_150, %add3A_187 : vector<16xi32>
      %gather3A_189 = tpu.vector_load_idx %arg8[%add3A_188] : memref<2048xi32, #tpu.memory_space<vmem>>[vector<16xi32>], vector<16xi32>,
      %add3A_190 = arith.addi %add3A_185, %gather3A_189 : vector<16xi32>
      %add3A_191 = arith.constant 8 : i32
      %add3A_192 = vector.broadcast %add3A_191 : i32 to vector<16xi32>
      %add3A_193 = arith.addi %shift_left3A_150, %add3A_192 : vector<16xi32>
      %gather3A_194 = tpu.vector_load_idx %arg8[%add3A_193] : memref<2048xi32, #tpu.memory_space<vmem>>[vector<16xi32>], vector<16xi32>,
      %add3A_195 = arith.addi %add3A_190, %gather3A_194 : vector<16xi32>
      %add3A_196 = arith.constant 9 : i32
      %add3A_197 = vector.broadcast %add3A_196 : i32 to vector<16xi32>
      %add3A_198 = arith.addi %shift_left3A_150, %add3A_197 : vector<16xi32>
      %gather3A_199 = tpu.vector_load_idx %arg8[%add3A_198] : memref<2048xi32, #tpu.memory_space<vmem>>[vector<16xi32>], vector<16xi32>,
      %add3A_200 = arith.addi %add3A_195, %gather3A_199 : vector<16xi32>
      %add3A_201 = arith.constant 10 : i32
      %add3A_202 = vector.broadcast %add3A_201 : i32 to vector<16xi32>
      %add3A_203 = arith.addi %shift_left3A_150, %add3A_202 : vector<16xi32>
      %gather3A_204 = tpu.vector_load_idx %arg8[%add3A_203] : memref<2048xi32, #tpu.memory_space<vmem>>[vector<16xi32>], vector<16xi32>,
      %add3A_205 = arith.addi %add3A_200, %gather3A_204 : vector<16xi32>
      %add3A_206 = arith.constant 11 : i32
      %add3A_207 = vector.broadcast %add3A_206 : i32 to vector<16xi32>
      %add3A_208 = arith.addi %shift_left3A_150, %add3A_207 : vector<16xi32>
      %gather3A_209 = tpu.vector_load_idx %arg8[%add3A_208] : memref<2048xi32, #tpu.memory_space<vmem>>[vector<16xi32>], vector<16xi32>,
      %add3A_210 = arith.addi %add3A_205, %gather3A_209 : vector<16xi32>
      %add3A_211 = arith.constant 12 : i32
      %add3A_212 = vector.broadcast %add3A_211 : i32 to vector<16xi32>
      %add3A_213 = arith.addi %shift_left3A_150, %add3A_212 : vector<16xi32>
      %gather3A_214 = tpu.vector_load_idx %arg8[%add3A_213] : memref<2048xi32, #tpu.memory_space<vmem>>[vector<16xi32>], vector<16xi32>,
      %add3A_215 = arith.addi %add3A_210, %gather3A_214 : vector<16xi32>
      %add3A_216 = arith.constant 13 : i32
      %add3A_217 = vector.broadcast %add3A_216 : i32 to vector<16xi32>
      %add3A_218 = arith.addi %shift_left3A_150, %add3A_217 : vector<16xi32>
      %gather3A_219 = tpu.vector_load_idx %arg8[%add3A_218] : memref<2048xi32, #tpu.memory_space<vmem>>[vector<16xi32>], vector<16xi32>,
      %add3A_220 = arith.addi %add3A_215, %gather3A_219 : vector<16xi32>
      %add3A_221 = arith.constant 14 : i32
      %add3A_222 = vector.broadcast %add3A_221 : i32 to vector<16xi32>
      %add3A_223 = arith.addi %shift_left3A_150, %add3A_222 : vector<16xi32>
      %gather3A_224 = tpu.vector_load_idx %arg8[%add3A_223] : memref<2048xi32, #tpu.memory_space<vmem>>[vector<16xi32>], vector<16xi32>,
      %add3A_225 = arith.addi %add3A_220, %gather3A_224 : vector<16xi32>
      %add3A_226 = arith.constant 15 : i32
      %add3A_227 = vector.broadcast %add3A_226 : i32 to vector<16xi32>
      %add3A_228 = arith.addi %shift_left3A_150, %add3A_227 : vector<16xi32>
      %gather3A_229 = tpu.vector_load_idx %arg8[%add3A_228] : memref<2048xi32, #tpu.memory_space<vmem>>[vector<16xi32>], vector<16xi32>,
      %add3A_230 = arith.addi %add3A_225, %gather3A_229 : vector<16xi32>
      %broadcast_in_dim3A_231 = arith.constant true
      %broadcast_in_dim3A_232 = vector.broadcast %broadcast_in_dim3A_231 : i1 to vector<16xi1>
      %masked_cumsum3A_233 = tpu.scan <sum>, %add3A_230 masked %broadcast_in_dim3A_232 : vector<16xi32>, vector<16xi1> -> vector<16xi32>
      %add3A_234 = vector.broadcast %squeeze3A : i32 to vector<16xi32>
      %add3A_235 = arith.addi %masked_cumsum3A_233, %add3A_234 : vector<16xi32>
      %slice3A_236 = vector.extract_strided_slice %add3A_235 {offsets = [15], sizes = [1], strides = [1]} : vector<16xi32> to vector<1xi32>
      %squeeze3A_237 = vector.extract %slice3A_236[0] : i32 from vector<1xi32>
      %lt3A_238 = arith.constant 128 : i32
      %lt3A_239 = vector.broadcast %lt3A_238 : i32 to vector<16xi32>
      %lt3A_240 = arith.cmpi slt, %add3A_235, %lt3A_239 : vector<16xi32>
      %all_reduce_population_count3A_241 = tpu.all_reduce %lt3A_240 {dim = 0 : i64, kind = #tpu.reduction_kind<sum>} : vector<16xi1> -> vector<16xi32>
      %slice3A_242 = vector.extract_strided_slice %all_reduce_population_count3A_241 {offsets = [0], sizes = [1], strides = [1]} : vector<16xi32> to vector<1xi32>
      %squeeze3A_243 = vector.extract %slice3A_242[0] : i32 from vector<1xi32>
      %add3A_244 = arith.addi %add3A_135, %squeeze3A_243 : i32
      %jit3A_245 = arith.constant 0 : i32
      %broadcast_in_dim3A_246 = vector.broadcast %jit3A_245 : i32 to vector<16xi32>
      %select_n3A_247 = arith.select %lt3A_240, %add3A_235, %broadcast_in_dim3A_246 : vector<16xi1>, vector<16xi32>
      %reduce_max3A_248 = arith.constant true
      %reduce_max3A_249 = vector.broadcast %reduce_max3A_248 : i1 to vector<16xi1>
      %reduce_max3A_250 = arith.constant -2147483648 : i32
      %reduce_max3A_251 = vector.broadcast %reduce_max3A_250 : i32 to vector<16xi32>
      %reduce_max3A_252 = arith.xori %select_n3A_247, %reduce_max3A_251 : vector<16xi32>
      %reduce_max3A_253 = tpu.scan <max>, %reduce_max3A_252 masked %reduce_max3A_249 : vector<16xi32>, vector<16xi1> -> vector<16xi32>
      %reduce_max3A_254 = arith.xori %reduce_max3A_253, %reduce_max3A_251 : vector<16xi32>
      %reduce_max3A_255 = vector.extract %reduce_max3A_254[15] : i32 from vector<16xi32>
      %max3A_256 = arith.maxsi %max3A_144, %reduce_max3A_255 : i32
      %add3A_257 = arith.constant 32 : i32
      %add3A_258 = vector.broadcast %add3A_257 : i32 to vector<16xi32>
      %add3A_259 = arith.addi %add3A_258, %iota3A : vector<16xi32>
      %shift_left3A_260 = arith.constant 4 : i32
      %shift_left3A_261 = vector.broadcast %shift_left3A_260 : i32 to vector<16xi32>
      %shift_left3A_262 = arith.shli %add3A_259, %shift_left3A_261 : vector<16xi32>
      %add3A_263 = arith.constant 0 : i32
      %add3A_264 = vector.broadcast %add3A_263 : i32 to vector<16xi32>
      %add3A_265 = arith.addi %shift_left3A_262, %add3A_264 : vector<16xi32>
      %gather3A_266 = tpu.vector_load_idx %arg8[%add3A_265] : memref<2048xi32, #tpu.memory_space<vmem>>[vector<16xi32>], vector<16xi32>,
      %add3A_267 = arith.addi %broadcast_in_dim3A_15, %gather3A_266 : vector<16xi32>
      %add3A_268 = arith.constant 1 : i32
      %add3A_269 = vector.broadcast %add3A_268 : i32 to vector<16xi32>
      %add3A_270 = arith.addi %shift_left3A_262, %add3A_269 : vector<16xi32>
      %gather3A_271 = tpu.vector_load_idx %arg8[%add3A_270] : memref<2048xi32, #tpu.memory_space<vmem>>[vector<16xi32>], vector<16xi32>,
      %add3A_272 = arith.addi %add3A_267, %gather3A_271 : vector<16xi32>
      %add3A_273 = arith.constant 2 : i32
      %add3A_274 = vector.broadcast %add3A_273 : i32 to vector<16xi32>
      %add3A_275 = arith.addi %shift_left3A_262, %add3A_274 : vector<16xi32>
      %gather3A_276 = tpu.vector_load_idx %arg8[%add3A_275] : memref<2048xi32, #tpu.memory_space<vmem>>[vector<16xi32>], vector<16xi32>,
      %add3A_277 = arith.addi %add3A_272, %gather3A_276 : vector<16xi32>
      %add3A_278 = arith.constant 3 : i32
      %add3A_279 = vector.broadcast %add3A_278 : i32 to vector<16xi32>
      %add3A_280 = arith.addi %shift_left3A_262, %add3A_279 : vector<16xi32>
      %gather3A_281 = tpu.vector_load_idx %arg8[%add3A_280] : memref<2048xi32, #tpu.memory_space<vmem>>[vector<16xi32>], vector<16xi32>,
      %add3A_282 = arith.addi %add3A_277, %gather3A_281 : vector<16xi32>
      %add3A_283 = arith.constant 4 : i32
      %add3A_284 = vector.broadcast %add3A_283 : i32 to vector<16xi32>
      %add3A_285 = arith.addi %shift_left3A_262, %add3A_284 : vector<16xi32>
      %gather3A_286 = tpu.vector_load_idx %arg8[%add3A_285] : memref<2048xi32, #tpu.memory_space<vmem>>[vector<16xi32>], vector<16xi32>,
      %add3A_287 = arith.addi %add3A_282, %gather3A_286 : vector<16xi32>
      %add3A_288 = arith.constant 5 : i32
      %add3A_289 = vector.broadcast %add3A_288 : i32 to vector<16xi32>
      %add3A_290 = arith.addi %shift_left3A_262, %add3A_289 : vector<16xi32>
      %gather3A_291 = tpu.vector_load_idx %arg8[%add3A_290] : memref<2048xi32, #tpu.memory_space<vmem>>[vector<16xi32>], vector<16xi32>,
      %add3A_292 = arith.addi %add3A_287, %gather3A_291 : vector<16xi32>
      %add3A_293 = arith.constant 6 : i32
      %add3A_294 = vector.broadcast %add3A_293 : i32 to vector<16xi32>
      %add3A_295 = arith.addi %shift_left3A_262, %add3A_294 : vector<16xi32>
      %gather3A_296 = tpu.vector_load_idx %arg8[%add3A_295] : memref<2048xi32, #tpu.memory_space<vmem>>[vector<16xi32>], vector<16xi32>,
      %add3A_297 = arith.addi %add3A_292, %gather3A_296 : vector<16xi32>
      %add3A_298 = arith.constant 7 : i32
      %add3A_299 = vector.broadcast %add3A_298 : i32 to vector<16xi32>
      %add3A_300 = arith.addi %shift_left3A_262, %add3A_299 : vector<16xi32>
      %gather3A_301 = tpu.vector_load_idx %arg8[%add3A_300] : memref<2048xi32, #tpu.memory_space<vmem>>[vector<16xi32>], vector<16xi32>,
      %add3A_302 = arith.addi %add3A_297, %gather3A_301 : vector<16xi32>
      %add3A_303 = arith.constant 8 : i32
      %add3A_304 = vector.broadcast %add3A_303 : i32 to vector<16xi32>
      %add3A_305 = arith.addi %shift_left3A_262, %add3A_304 : vector<16xi32>
      %gather3A_306 = tpu.vector_load_idx %arg8[%add3A_305] : memref<2048xi32, #tpu.memory_space<vmem>>[vector<16xi32>], vector<16xi32>,
      %add3A_307 = arith.addi %add3A_302, %gather3A_306 : vector<16xi32>
      %add3A_308 = arith.constant 9 : i32
      %add3A_309 = vector.broadcast %add3A_308 : i32 to vector<16xi32>
      %add3A_310 = arith.addi %shift_left3A_262, %add3A_309 : vector<16xi32>
      %gather3A_311 = tpu.vector_load_idx %arg8[%add3A_310] : memref<2048xi32, #tpu.memory_space<vmem>>[vector<16xi32>], vector<16xi32>,
      %add3A_312 = arith.addi %add3A_307, %gather3A_311 : vector<16xi32>
      %add3A_313 = arith.constant 10 : i32
      %add3A_314 = vector.broadcast %add3A_313 : i32 to vector<16xi32>
      %add3A_315 = arith.addi %shift_left3A_262, %add3A_314 : vector<16xi32>
      %gather3A_316 = tpu.vector_load_idx %arg8[%add3A_315] : memref<2048xi32, #tpu.memory_space<vmem>>[vector<16xi32>], vector<16xi32>,
      %add3A_317 = arith.addi %add3A_312, %gather3A_316 : vector<16xi32>
      %add3A_318 = arith.constant 11 : i32
      %add3A_319 = vector.broadcast %add3A_318 : i32 to vector<16xi32>
      %add3A_320 = arith.addi %shift_left3A_262, %add3A_319 : vector<16xi32>
      %gather3A_321 = tpu.vector_load_idx %arg8[%add3A_320] : memref<2048xi32, #tpu.memory_space<vmem>>[vector<16xi32>], vector<16xi32>,
      %add3A_322 = arith.addi %add3A_317, %gather3A_321 : vector<16xi32>
      %add3A_323 = arith.constant 12 : i32
      %add3A_324 = vector.broadcast %add3A_323 : i32 to vector<16xi32>
      %add3A_325 = arith.addi %shift_left3A_262, %add3A_324 : vector<16xi32>
      %gather3A_326 = tpu.vector_load_idx %arg8[%add3A_325] : memref<2048xi32, #tpu.memory_space<vmem>>[vector<16xi32>], vector<16xi32>,
      %add3A_327 = arith.addi %add3A_322, %gather3A_326 : vector<16xi32>
      %add3A_328 = arith.constant 13 : i32
      %add3A_329 = vector.broadcast %add3A_328 : i32 to vector<16xi32>
      %add3A_330 = arith.addi %shift_left3A_262, %add3A_329 : vector<16xi32>
      %gather3A_331 = tpu.vector_load_idx %arg8[%add3A_330] : memref<2048xi32, #tpu.memory_space<vmem>>[vector<16xi32>], vector<16xi32>,
      %add3A_332 = arith.addi %add3A_327, %gather3A_331 : vector<16xi32>
      %add3A_333 = arith.constant 14 : i32
      %add3A_334 = vector.broadcast %add3A_333 : i32 to vector<16xi32>
      %add3A_335 = arith.addi %shift_left3A_262, %add3A_334 : vector<16xi32>
      %gather3A_336 = tpu.vector_load_idx %arg8[%add3A_335] : memref<2048xi32, #tpu.memory_space<vmem>>[vector<16xi32>], vector<16xi32>,
      %add3A_337 = arith.addi %add3A_332, %gather3A_336 : vector<16xi32>
      %add3A_338 = arith.constant 15 : i32
      %add3A_339 = vector.broadcast %add3A_338 : i32 to vector<16xi32>
      %add3A_340 = arith.addi %shift_left3A_262, %add3A_339 : vector<16xi32>
      %gather3A_341 = tpu.vector_load_idx %arg8[%add3A_340] : memref<2048xi32, #tpu.memory_space<vmem>>[vector<16xi32>], vector<16xi32>,
      %add3A_342 = arith.addi %add3A_337, %gather3A_341 : vector<16xi32>
      %broadcast_in_dim3A_343 = arith.constant true
      %broadcast_in_dim3A_344 = vector.broadcast %broadcast_in_dim3A_343 : i1 to vector<16xi1>
      %masked_cumsum3A_345 = tpu.scan <sum>, %add3A_342 masked %broadcast_in_dim3A_344 : vector<16xi32>, vector<16xi1> -> vector<16xi32>
      %add3A_346 = vector.broadcast %squeeze3A_237 : i32 to vector<16xi32>
      %add3A_347 = arith.addi %masked_cumsum3A_345, %add3A_346 : vector<16xi32>
      %slice3A_348 = vector.extract_strided_slice %add3A_347 {offsets = [15], sizes = [1], strides = [1]} : vector<16xi32> to vector<1xi32>
      %squeeze3A_349 = vector.extract %slice3A_348[0] : i32 from vector<1xi32>
      %lt3A_350 = arith.constant 128 : i32
      %lt3A_351 = vector.broadcast %lt3A_350 : i32 to vector<16xi32>
      %lt3A_352 = arith.cmpi slt, %add3A_347, %lt3A_351 : vector<16xi32>
      %all_reduce_population_count3A_353 = tpu.all_reduce %lt3A_352 {dim = 0 : i64, kind = #tpu.reduction_kind<sum>} : vector<16xi1> -> vector<16xi32>
      %slice3A_354 = vector.extract_strided_slice %all_reduce_population_count3A_353 {offsets = [0], sizes = [1], strides = [1]} : vector<16xi32> to vector<1xi32>
      %squeeze3A_355 = vector.extract %slice3A_354[0] : i32 from vector<1xi32>
      %add3A_356 = arith.addi %add3A_244, %squeeze3A_355 : i32
      %jit3A_357 = arith.constant 0 : i32
      %broadcast_in_dim3A_358 = vector.broadcast %jit3A_357 : i32 to vector<16xi32>
      %select_n3A_359 = arith.select %lt3A_352, %add3A_347, %broadcast_in_dim3A_358 : vector<16xi1>, vector<16xi32>
      %reduce_max3A_360 = arith.constant true
      %reduce_max3A_361 = vector.broadcast %reduce_max3A_360 : i1 to vector<16xi1>
      %reduce_max3A_362 = arith.constant -2147483648 : i32
      %reduce_max3A_363 = vector.broadcast %reduce_max3A_362 : i32 to vector<16xi32>
      %reduce_max3A_364 = arith.xori %select_n3A_359, %reduce_max3A_363 : vector<16xi32>
      %reduce_max3A_365 = tpu.scan <max>, %reduce_max3A_364 masked %reduce_max3A_361 : vector<16xi32>, vector<16xi1> -> vector<16xi32>
      %reduce_max3A_366 = arith.xori %reduce_max3A_365, %reduce_max3A_363 : vector<16xi32>
      %reduce_max3A_367 = vector.extract %reduce_max3A_366[15] : i32 from vector<16xi32>
      %max3A_368 = arith.maxsi %max3A_256, %reduce_max3A_367 : i32
      %add3A_369 = arith.constant 48 : i32
      %add3A_370 = vector.broadcast %add3A_369 : i32 to vector<16xi32>
      %add3A_371 = arith.addi %add3A_370, %iota3A : vector<16xi32>
      %shift_left3A_372 = arith.constant 4 : i32
      %shift_left3A_373 = vector.broadcast %shift_left3A_372 : i32 to vector<16xi32>
      %shift_left3A_374 = arith.shli %add3A_371, %shift_left3A_373 : vector<16xi32>
      %add3A_375 = arith.constant 0 : i32
      %add3A_376 = vector.broadcast %add3A_375 : i32 to vector<16xi32>
      %add3A_377 = arith.addi %shift_left3A_374, %add3A_376 : vector<16xi32>
      %gather3A_378 = tpu.vector_load_idx %arg8[%add3A_377] : memref<2048xi32, #tpu.memory_space<vmem>>[vector<16xi32>], vector<16xi32>,
      %add3A_379 = arith.addi %broadcast_in_dim3A_15, %gather3A_378 : vector<16xi32>
      %add3A_380 = arith.constant 1 : i32
      %add3A_381 = vector.broadcast %add3A_380 : i32 to vector<16xi32>
      %add3A_382 = arith.addi %shift_left3A_374, %add3A_381 : vector<16xi32>
      %gather3A_383 = tpu.vector_load_idx %arg8[%add3A_382] : memref<2048xi32, #tpu.memory_space<vmem>>[vector<16xi32>], vector<16xi32>,
      %add3A_384 = arith.addi %add3A_379, %gather3A_383 : vector<16xi32>
      %add3A_385 = arith.constant 2 : i32
      %add3A_386 = vector.broadcast %add3A_385 : i32 to vector<16xi32>
      %add3A_387 = arith.addi %shift_left3A_374, %add3A_386 : vector<16xi32>
      %gather3A_388 = tpu.vector_load_idx %arg8[%add3A_387] : memref<2048xi32, #tpu.memory_space<vmem>>[vector<16xi32>], vector<16xi32>,
      %add3A_389 = arith.addi %add3A_384, %gather3A_388 : vector<16xi32>
      %add3A_390 = arith.constant 3 : i32
      %add3A_391 = vector.broadcast %add3A_390 : i32 to vector<16xi32>
      %add3A_392 = arith.addi %shift_left3A_374, %add3A_391 : vector<16xi32>
      %gather3A_393 = tpu.vector_load_idx %arg8[%add3A_392] : memref<2048xi32, #tpu.memory_space<vmem>>[vector<16xi32>], vector<16xi32>,
      %add3A_394 = arith.addi %add3A_389, %gather3A_393 : vector<16xi32>
      %add3A_395 = arith.constant 4 : i32
      %add3A_396 = vector.broadcast %add3A_395 : i32 to vector<16xi32>
      %add3A_397 = arith.addi %shift_left3A_374, %add3A_396 : vector<16xi32>
      %gather3A_398 = tpu.vector_load_idx %arg8[%add3A_397] : memref<2048xi32, #tpu.memory_space<vmem>>[vector<16xi32>], vector<16xi32>,
      %add3A_399 = arith.addi %add3A_394, %gather3A_398 : vector<16xi32>
      %add3A_400 = arith.constant 5 : i32
      %add3A_401 = vector.broadcast %add3A_400 : i32 to vector<16xi32>
      %add3A_402 = arith.addi %shift_left3A_374, %add3A_401 : vector<16xi32>
      %gather3A_403 = tpu.vector_load_idx %arg8[%add3A_402] : memref<2048xi32, #tpu.memory_space<vmem>>[vector<16xi32>], vector<16xi32>,
      %add3A_404 = arith.addi %add3A_399, %gather3A_403 : vector<16xi32>
      %add3A_405 = arith.constant 6 : i32
      %add3A_406 = vector.broadcast %add3A_405 : i32 to vector<16xi32>
      %add3A_407 = arith.addi %shift_left3A_374, %add3A_406 : vector<16xi32>
      %gather3A_408 = tpu.vector_load_idx %arg8[%add3A_407] : memref<2048xi32, #tpu.memory_space<vmem>>[vector<16xi32>], vector<16xi32>,
      %add3A_409 = arith.addi %add3A_404, %gather3A_408 : vector<16xi32>
      %add3A_410 = arith.constant 7 : i32
      %add3A_411 = vector.broadcast %add3A_410 : i32 to vector<16xi32>
      %add3A_412 = arith.addi %shift_left3A_374, %add3A_411 : vector<16xi32>
      %gather3A_413 = tpu.vector_load_idx %arg8[%add3A_412] : memref<2048xi32, #tpu.memory_space<vmem>>[vector<16xi32>], vector<16xi32>,
      %add3A_414 = arith.addi %add3A_409, %gather3A_413 : vector<16xi32>
      %add3A_415 = arith.constant 8 : i32
      %add3A_416 = vector.broadcast %add3A_415 : i32 to vector<16xi32>
      %add3A_417 = arith.addi %shift_left3A_374, %add3A_416 : vector<16xi32>
      %gather3A_418 = tpu.vector_load_idx %arg8[%add3A_417] : memref<2048xi32, #tpu.memory_space<vmem>>[vector<16xi32>], vector<16xi32>,
      %add3A_419 = arith.addi %add3A_414, %gather3A_418 : vector<16xi32>
      %add3A_420 = arith.constant 9 : i32
      %add3A_421 = vector.broadcast %add3A_420 : i32 to vector<16xi32>
      %add3A_422 = arith.addi %shift_left3A_374, %add3A_421 : vector<16xi32>
      %gather3A_423 = tpu.vector_load_idx %arg8[%add3A_422] : memref<2048xi32, #tpu.memory_space<vmem>>[vector<16xi32>], vector<16xi32>,
      %add3A_424 = arith.addi %add3A_419, %gather3A_423 : vector<16xi32>
      %add3A_425 = arith.constant 10 : i32
      %add3A_426 = vector.broadcast %add3A_425 : i32 to vector<16xi32>
      %add3A_427 = arith.addi %shift_left3A_374, %add3A_426 : vector<16xi32>
      %gather3A_428 = tpu.vector_load_idx %arg8[%add3A_427] : memref<2048xi32, #tpu.memory_space<vmem>>[vector<16xi32>], vector<16xi32>,
      %add3A_429 = arith.addi %add3A_424, %gather3A_428 : vector<16xi32>
      %add3A_430 = arith.constant 11 : i32
      %add3A_431 = vector.broadcast %add3A_430 : i32 to vector<16xi32>
      %add3A_432 = arith.addi %shift_left3A_374, %add3A_431 : vector<16xi32>
      %gather3A_433 = tpu.vector_load_idx %arg8[%add3A_432] : memref<2048xi32, #tpu.memory_space<vmem>>[vector<16xi32>], vector<16xi32>,
      %add3A_434 = arith.addi %add3A_429, %gather3A_433 : vector<16xi32>
      %add3A_435 = arith.constant 12 : i32
      %add3A_436 = vector.broadcast %add3A_435 : i32 to vector<16xi32>
      %add3A_437 = arith.addi %shift_left3A_374, %add3A_436 : vector<16xi32>
      %gather3A_438 = tpu.vector_load_idx %arg8[%add3A_437] : memref<2048xi32, #tpu.memory_space<vmem>>[vector<16xi32>], vector<16xi32>,
      %add3A_439 = arith.addi %add3A_434, %gather3A_438 : vector<16xi32>
      %add3A_440 = arith.constant 13 : i32
      %add3A_441 = vector.broadcast %add3A_440 : i32 to vector<16xi32>
      %add3A_442 = arith.addi %shift_left3A_374, %add3A_441 : vector<16xi32>
      %gather3A_443 = tpu.vector_load_idx %arg8[%add3A_442] : memref<2048xi32, #tpu.memory_space<vmem>>[vector<16xi32>], vector<16xi32>,
      %add3A_444 = arith.addi %add3A_439, %gather3A_443 : vector<16xi32>
      %add3A_445 = arith.constant 14 : i32
      %add3A_446 = vector.broadcast %add3A_445 : i32 to vector<16xi32>
      %add3A_447 = arith.addi %shift_left3A_374, %add3A_446 : vector<16xi32>
      %gather3A_448 = tpu.vector_load_idx %arg8[%add3A_447] : memref<2048xi32, #tpu.memory_space<vmem>>[vector<16xi32>], vector<16xi32>,
      %add3A_449 = arith.addi %add3A_444, %gather3A_448 : vector<16xi32>
      %add3A_450 = arith.constant 15 : i32
      %add3A_451 = vector.broadcast %add3A_450 : i32 to vector<16xi32>
      %add3A_452 = arith.addi %shift_left3A_374, %add3A_451 : vector<16xi32>
      %gather3A_453 = tpu.vector_load_idx %arg8[%add3A_452] : memref<2048xi32, #tpu.memory_space<vmem>>[vector<16xi32>], vector<16xi32>,
      %add3A_454 = arith.addi %add3A_449, %gather3A_453 : vector<16xi32>
      %broadcast_in_dim3A_455 = arith.constant true
      %broadcast_in_dim3A_456 = vector.broadcast %broadcast_in_dim3A_455 : i1 to vector<16xi1>
      %masked_cumsum3A_457 = tpu.scan <sum>, %add3A_454 masked %broadcast_in_dim3A_456 : vector<16xi32>, vector<16xi1> -> vector<16xi32>
      %add3A_458 = vector.broadcast %squeeze3A_349 : i32 to vector<16xi32>
      %add3A_459 = arith.addi %masked_cumsum3A_457, %add3A_458 : vector<16xi32>
      %slice3A_460 = vector.extract_strided_slice %add3A_459 {offsets = [15], sizes = [1], strides = [1]} : vector<16xi32> to vector<1xi32>
      %squeeze3A_461 = vector.extract %slice3A_460[0] : i32 from vector<1xi32>
      %lt3A_462 = arith.constant 128 : i32
      %lt3A_463 = vector.broadcast %lt3A_462 : i32 to vector<16xi32>
      %lt3A_464 = arith.cmpi slt, %add3A_459, %lt3A_463 : vector<16xi32>
      %all_reduce_population_count3A_465 = tpu.all_reduce %lt3A_464 {dim = 0 : i64, kind = #tpu.reduction_kind<sum>} : vector<16xi1> -> vector<16xi32>
      %slice3A_466 = vector.extract_strided_slice %all_reduce_population_count3A_465 {offsets = [0], sizes = [1], strides = [1]} : vector<16xi32> to vector<1xi32>
      %squeeze3A_467 = vector.extract %slice3A_466[0] : i32 from vector<1xi32>
      %add3A_468 = arith.addi %add3A_356, %squeeze3A_467 : i32
      %jit3A_469 = arith.constant 0 : i32
      %broadcast_in_dim3A_470 = vector.broadcast %jit3A_469 : i32 to vector<16xi32>
      %select_n3A_471 = arith.select %lt3A_464, %add3A_459, %broadcast_in_dim3A_470 : vector<16xi1>, vector<16xi32>
      %reduce_max3A_472 = arith.constant true
      %reduce_max3A_473 = vector.broadcast %reduce_max3A_472 : i1 to vector<16xi1>
      %reduce_max3A_474 = arith.constant -2147483648 : i32
      %reduce_max3A_475 = vector.broadcast %reduce_max3A_474 : i32 to vector<16xi32>
      %reduce_max3A_476 = arith.xori %select_n3A_471, %reduce_max3A_475 : vector<16xi32>
      %reduce_max3A_477 = tpu.scan <max>, %reduce_max3A_476 masked %reduce_max3A_473 : vector<16xi32>, vector<16xi1> -> vector<16xi32>
      %reduce_max3A_478 = arith.xori %reduce_max3A_477, %reduce_max3A_475 : vector<16xi32>
      %reduce_max3A_479 = vector.extract %reduce_max3A_478[15] : i32 from vector<16xi32>
      %max3A_480 = arith.maxsi %max3A_368, %reduce_max3A_479 : i32
      %add3A_481 = arith.constant 64 : i32
      %add3A_482 = vector.broadcast %add3A_481 : i32 to vector<16xi32>
      %add3A_483 = arith.addi %add3A_482, %iota3A : vector<16xi32>
      %shift_left3A_484 = arith.constant 4 : i32
      %shift_left3A_485 = vector.broadcast %shift_left3A_484 : i32 to vector<16xi32>
      %shift_left3A_486 = arith.shli %add3A_483, %shift_left3A_485 : vector<16xi32>
      %add3A_487 = arith.constant 0 : i32
      %add3A_488 = vector.broadcast %add3A_487 : i32 to vector<16xi32>
      %add3A_489 = arith.addi %shift_left3A_486, %add3A_488 : vector<16xi32>
      %gather3A_490 = tpu.vector_load_idx %arg8[%add3A_489] : memref<2048xi32, #tpu.memory_space<vmem>>[vector<16xi32>], vector<16xi32>,
      %add3A_491 = arith.addi %broadcast_in_dim3A_15, %gather3A_490 : vector<16xi32>
      %add3A_492 = arith.constant 1 : i32
      %add3A_493 = vector.broadcast %add3A_492 : i32 to vector<16xi32>
      %add3A_494 = arith.addi %shift_left3A_486, %add3A_493 : vector<16xi32>
      %gather3A_495 = tpu.vector_load_idx %arg8[%add3A_494] : memref<2048xi32, #tpu.memory_space<vmem>>[vector<16xi32>], vector<16xi32>,
      %add3A_496 = arith.addi %add3A_491, %gather3A_495 : vector<16xi32>
      %add3A_497 = arith.constant 2 : i32
      %add3A_498 = vector.broadcast %add3A_497 : i32 to vector<16xi32>
      %add3A_499 = arith.addi %shift_left3A_486, %add3A_498 : vector<16xi32>
      %gather3A_500 = tpu.vector_load_idx %arg8[%add3A_499] : memref<2048xi32, #tpu.memory_space<vmem>>[vector<16xi32>], vector<16xi32>,
      %add3A_501 = arith.addi %add3A_496, %gather3A_500 : vector<16xi32>
      %add3A_502 = arith.constant 3 : i32
      %add3A_503 = vector.broadcast %add3A_502 : i32 to vector<16xi32>
      %add3A_504 = arith.addi %shift_left3A_486, %add3A_503 : vector<16xi32>
      %gather3A_505 = tpu.vector_load_idx %arg8[%add3A_504] : memref<2048xi32, #tpu.memory_space<vmem>>[vector<16xi32>], vector<16xi32>,
      %add3A_506 = arith.addi %add3A_501, %gather3A_505 : vector<16xi32>
      %add3A_507 = arith.constant 4 : i32
      %add3A_508 = vector.broadcast %add3A_507 : i32 to vector<16xi32>
      %add3A_509 = arith.addi %shift_left3A_486, %add3A_508 : vector<16xi32>
      %gather3A_510 = tpu.vector_load_idx %arg8[%add3A_509] : memref<2048xi32, #tpu.memory_space<vmem>>[vector<16xi32>], vector<16xi32>,
      %add3A_511 = arith.addi %add3A_506, %gather3A_510 : vector<16xi32>
      %add3A_512 = arith.constant 5 : i32
      %add3A_513 = vector.broadcast %add3A_512 : i32 to vector<16xi32>
      %add3A_514 = arith.addi %shift_left3A_486, %add3A_513 : vector<16xi32>
      %gather3A_515 = tpu.vector_load_idx %arg8[%add3A_514] : memref<2048xi32, #tpu.memory_space<vmem>>[vector<16xi32>], vector<16xi32>,
      %add3A_516 = arith.addi %add3A_511, %gather3A_515 : vector<16xi32>
      %add3A_517 = arith.constant 6 : i32
      %add3A_518 = vector.broadcast %add3A_517 : i32 to vector<16xi32>
      %add3A_519 = arith.addi %shift_left3A_486, %add3A_518 : vector<16xi32>
      %gather3A_520 = tpu.vector_load_idx %arg8[%add3A_519] : memref<2048xi32, #tpu.memory_space<vmem>>[vector<16xi32>], vector<16xi32>,
      %add3A_521 = arith.addi %add3A_516, %gather3A_520 : vector<16xi32>
      %add3A_522 = arith.constant 7 : i32
      %add3A_523 = vector.broadcast %add3A_522 : i32 to vector<16xi32>
      %add3A_524 = arith.addi %shift_left3A_486, %add3A_523 : vector<16xi32>
      %gather3A_525 = tpu.vector_load_idx %arg8[%add3A_524] : memref<2048xi32, #tpu.memory_space<vmem>>[vector<16xi32>], vector<16xi32>,
      %add3A_526 = arith.addi %add3A_521, %gather3A_525 : vector<16xi32>
      %add3A_527 = arith.constant 8 : i32
      %add3A_528 = vector.broadcast %add3A_527 : i32 to vector<16xi32>
      %add3A_529 = arith.addi %shift_left3A_486, %add3A_528 : vector<16xi32>
      %gather3A_530 = tpu.vector_load_idx %arg8[%add3A_529] : memref<2048xi32, #tpu.memory_space<vmem>>[vector<16xi32>], vector<16xi32>,
      %add3A_531 = arith.addi %add3A_526, %gather3A_530 : vector<16xi32>
      %add3A_532 = arith.constant 9 : i32
      %add3A_533 = vector.broadcast %add3A_532 : i32 to vector<16xi32>
      %add3A_534 = arith.addi %shift_left3A_486, %add3A_533 : vector<16xi32>
      %gather3A_535 = tpu.vector_load_idx %arg8[%add3A_534] : memref<2048xi32, #tpu.memory_space<vmem>>[vector<16xi32>], vector<16xi32>,
      %add3A_536 = arith.addi %add3A_531, %gather3A_535 : vector<16xi32>
      %add3A_537 = arith.constant 10 : i32
      %add3A_538 = vector.broadcast %add3A_537 : i32 to vector<16xi32>
      %add3A_539 = arith.addi %shift_left3A_486, %add3A_538 : vector<16xi32>
      %gather3A_540 = tpu.vector_load_idx %arg8[%add3A_539] : memref<2048xi32, #tpu.memory_space<vmem>>[vector<16xi32>], vector<16xi32>,
      %add3A_541 = arith.addi %add3A_536, %gather3A_540 : vector<16xi32>
      %add3A_542 = arith.constant 11 : i32
      %add3A_543 = vector.broadcast %add3A_542 : i32 to vector<16xi32>
      %add3A_544 = arith.addi %shift_left3A_486, %add3A_543 : vector<16xi32>
      %gather3A_545 = tpu.vector_load_idx %arg8[%add3A_544] : memref<2048xi32, #tpu.memory_space<vmem>>[vector<16xi32>], vector<16xi32>,
      %add3A_546 = arith.addi %add3A_541, %gather3A_545 : vector<16xi32>
      %add3A_547 = arith.constant 12 : i32
      %add3A_548 = vector.broadcast %add3A_547 : i32 to vector<16xi32>
      %add3A_549 = arith.addi %shift_left3A_486, %add3A_548 : vector<16xi32>
      %gather3A_550 = tpu.vector_load_idx %arg8[%add3A_549] : memref<2048xi32, #tpu.memory_space<vmem>>[vector<16xi32>], vector<16xi32>,
      %add3A_551 = arith.addi %add3A_546, %gather3A_550 : vector<16xi32>
      %add3A_552 = arith.constant 13 : i32
      %add3A_553 = vector.broadcast %add3A_552 : i32 to vector<16xi32>
      %add3A_554 = arith.addi %shift_left3A_486, %add3A_553 : vector<16xi32>
      %gather3A_555 = tpu.vector_load_idx %arg8[%add3A_554] : memref<2048xi32, #tpu.memory_space<vmem>>[vector<16xi32>], vector<16xi32>,
      %add3A_556 = arith.addi %add3A_551, %gather3A_555 : vector<16xi32>
      %add3A_557 = arith.constant 14 : i32
      %add3A_558 = vector.broadcast %add3A_557 : i32 to vector<16xi32>
      %add3A_559 = arith.addi %shift_left3A_486, %add3A_558 : vector<16xi32>
      %gather3A_560 = tpu.vector_load_idx %arg8[%add3A_559] : memref<2048xi32, #tpu.memory_space<vmem>>[vector<16xi32>], vector<16xi32>,
      %add3A_561 = arith.addi %add3A_556, %gather3A_560 : vector<16xi32>
      %add3A_562 = arith.constant 15 : i32
      %add3A_563 = vector.broadcast %add3A_562 : i32 to vector<16xi32>
      %add3A_564 = arith.addi %shift_left3A_486, %add3A_563 : vector<16xi32>
      %gather3A_565 = tpu.vector_load_idx %arg8[%add3A_564] : memref<2048xi32, #tpu.memory_space<vmem>>[vector<16xi32>], vector<16xi32>,
      %add3A_566 = arith.addi %add3A_561, %gather3A_565 : vector<16xi32>
      %broadcast_in_dim3A_567 = arith.constant true
      %broadcast_in_dim3A_568 = vector.broadcast %broadcast_in_dim3A_567 : i1 to vector<16xi1>
      %masked_cumsum3A_569 = tpu.scan <sum>, %add3A_566 masked %broadcast_in_dim3A_568 : vector<16xi32>, vector<16xi1> -> vector<16xi32>
      %add3A_570 = vector.broadcast %squeeze3A_461 : i32 to vector<16xi32>
      %add3A_571 = arith.addi %masked_cumsum3A_569, %add3A_570 : vector<16xi32>
      %slice3A_572 = vector.extract_strided_slice %add3A_571 {offsets = [15], sizes = [1], strides = [1]} : vector<16xi32> to vector<1xi32>
      %squeeze3A_573 = vector.extract %slice3A_572[0] : i32 from vector<1xi32>
      %lt3A_574 = arith.constant 128 : i32
      %lt3A_575 = vector.broadcast %lt3A_574 : i32 to vector<16xi32>
      %lt3A_576 = arith.cmpi slt, %add3A_571, %lt3A_575 : vector<16xi32>
      %all_reduce_population_count3A_577 = tpu.all_reduce %lt3A_576 {dim = 0 : i64, kind = #tpu.reduction_kind<sum>} : vector<16xi1> -> vector<16xi32>
      %slice3A_578 = vector.extract_strided_slice %all_reduce_population_count3A_577 {offsets = [0], sizes = [1], strides = [1]} : vector<16xi32> to vector<1xi32>
      %squeeze3A_579 = vector.extract %slice3A_578[0] : i32 from vector<1xi32>
      %add3A_580 = arith.addi %add3A_468, %squeeze3A_579 : i32
      %jit3A_581 = arith.constant 0 : i32
      %broadcast_in_dim3A_582 = vector.broadcast %jit3A_581 : i32 to vector<16xi32>
      %select_n3A_583 = arith.select %lt3A_576, %add3A_571, %broadcast_in_dim3A_582 : vector<16xi1>, vector<16xi32>
      %reduce_max3A_584 = arith.constant true
      %reduce_max3A_585 = vector.broadcast %reduce_max3A_584 : i1 to vector<16xi1>
      %reduce_max3A_586 = arith.constant -2147483648 : i32
      %reduce_max3A_587 = vector.broadcast %reduce_max3A_586 : i32 to vector<16xi32>
      %reduce_max3A_588 = arith.xori %select_n3A_583, %reduce_max3A_587 : vector<16xi32>
      %reduce_max3A_589 = tpu.scan <max>, %reduce_max3A_588 masked %reduce_max3A_585 : vector<16xi32>, vector<16xi1> -> vector<16xi32>
      %reduce_max3A_590 = arith.xori %reduce_max3A_589, %reduce_max3A_587 : vector<16xi32>
      %reduce_max3A_591 = vector.extract %reduce_max3A_590[15] : i32 from vector<16xi32>
      %max3A_592 = arith.maxsi %max3A_480, %reduce_max3A_591 : i32
      %add3A_593 = arith.constant 80 : i32
      %add3A_594 = vector.broadcast %add3A_593 : i32 to vector<16xi32>
      %add3A_595 = arith.addi %add3A_594, %iota3A : vector<16xi32>
      %shift_left3A_596 = arith.constant 4 : i32
      %shift_left3A_597 = vector.broadcast %shift_left3A_596 : i32 to vector<16xi32>
      %shift_left3A_598 = arith.shli %add3A_595, %shift_left3A_597 : vector<16xi32>
      %add3A_599 = arith.constant 0 : i32
      %add3A_600 = vector.broadcast %add3A_599 : i32 to vector<16xi32>
      %add3A_601 = arith.addi %shift_left3A_598, %add3A_600 : vector<16xi32>
      %gather3A_602 = tpu.vector_load_idx %arg8[%add3A_601] : memref<2048xi32, #tpu.memory_space<vmem>>[vector<16xi32>], vector<16xi32>,
      %add3A_603 = arith.addi %broadcast_in_dim3A_15, %gather3A_602 : vector<16xi32>
      %add3A_604 = arith.constant 1 : i32
      %add3A_605 = vector.broadcast %add3A_604 : i32 to vector<16xi32>
      %add3A_606 = arith.addi %shift_left3A_598, %add3A_605 : vector<16xi32>
      %gather3A_607 = tpu.vector_load_idx %arg8[%add3A_606] : memref<2048xi32, #tpu.memory_space<vmem>>[vector<16xi32>], vector<16xi32>,
      %add3A_608 = arith.addi %add3A_603, %gather3A_607 : vector<16xi32>
      %add3A_609 = arith.constant 2 : i32
      %add3A_610 = vector.broadcast %add3A_609 : i32 to vector<16xi32>
      %add3A_611 = arith.addi %shift_left3A_598, %add3A_610 : vector<16xi32>
      %gather3A_612 = tpu.vector_load_idx %arg8[%add3A_611] : memref<2048xi32, #tpu.memory_space<vmem>>[vector<16xi32>], vector<16xi32>,
      %add3A_613 = arith.addi %add3A_608, %gather3A_612 : vector<16xi32>
      %add3A_614 = arith.constant 3 : i32
      %add3A_615 = vector.broadcast %add3A_614 : i32 to vector<16xi32>
      %add3A_616 = arith.addi %shift_left3A_598, %add3A_615 : vector<16xi32>
      %gather3A_617 = tpu.vector_load_idx %arg8[%add3A_616] : memref<2048xi32, #tpu.memory_space<vmem>>[vector<16xi32>], vector<16xi32>,
      %add3A_618 = arith.addi %add3A_613, %gather3A_617 : vector<16xi32>
      %add3A_619 = arith.constant 4 : i32
      %add3A_620 = vector.broadcast %add3A_619 : i32 to vector<16xi32>
      %add3A_621 = arith.addi %shift_left3A_598, %add3A_620 : vector<16xi32>
      %gather3A_622 = tpu.vector_load_idx %arg8[%add3A_621] : memref<2048xi32, #tpu.memory_space<vmem>>[vector<16xi32>], vector<16xi32>,
      %add3A_623 = arith.addi %add3A_618, %gather3A_622 : vector<16xi32>
      %add3A_624 = arith.constant 5 : i32
      %add3A_625 = vector.broadcast %add3A_624 : i32 to vector<16xi32>
      %add3A_626 = arith.addi %shift_left3A_598, %add3A_625 : vector<16xi32>
      %gather3A_627 = tpu.vector_load_idx %arg8[%add3A_626] : memref<2048xi32, #tpu.memory_space<vmem>>[vector<16xi32>], vector<16xi32>,
      %add3A_628 = arith.addi %add3A_623, %gather3A_627 : vector<16xi32>
      %add3A_629 = arith.constant 6 : i32
      %add3A_630 = vector.broadcast %add3A_629 : i32 to vector<16xi32>
      %add3A_631 = arith.addi %shift_left3A_598, %add3A_630 : vector<16xi32>
      %gather3A_632 = tpu.vector_load_idx %arg8[%add3A_631] : memref<2048xi32, #tpu.memory_space<vmem>>[vector<16xi32>], vector<16xi32>,
      %add3A_633 = arith.addi %add3A_628, %gather3A_632 : vector<16xi32>
      %add3A_634 = arith.constant 7 : i32
      %add3A_635 = vector.broadcast %add3A_634 : i32 to vector<16xi32>
      %add3A_636 = arith.addi %shift_left3A_598, %add3A_635 : vector<16xi32>
      %gather3A_637 = tpu.vector_load_idx %arg8[%add3A_636] : memref<2048xi32, #tpu.memory_space<vmem>>[vector<16xi32>], vector<16xi32>,
      %add3A_638 = arith.addi %add3A_633, %gather3A_637 : vector<16xi32>
      %add3A_639 = arith.constant 8 : i32
      %add3A_640 = vector.broadcast %add3A_639 : i32 to vector<16xi32>
      %add3A_641 = arith.addi %shift_left3A_598, %add3A_640 : vector<16xi32>
      %gather3A_642 = tpu.vector_load_idx %arg8[%add3A_641] : memref<2048xi32, #tpu.memory_space<vmem>>[vector<16xi32>], vector<16xi32>,
      %add3A_643 = arith.addi %add3A_638, %gather3A_642 : vector<16xi32>
      %add3A_644 = arith.constant 9 : i32
      %add3A_645 = vector.broadcast %add3A_644 : i32 to vector<16xi32>
      %add3A_646 = arith.addi %shift_left3A_598, %add3A_645 : vector<16xi32>
      %gather3A_647 = tpu.vector_load_idx %arg8[%add3A_646] : memref<2048xi32, #tpu.memory_space<vmem>>[vector<16xi32>], vector<16xi32>,
      %add3A_648 = arith.addi %add3A_643, %gather3A_647 : vector<16xi32>
      %add3A_649 = arith.constant 10 : i32
      %add3A_650 = vector.broadcast %add3A_649 : i32 to vector<16xi32>
      %add3A_651 = arith.addi %shift_left3A_598, %add3A_650 : vector<16xi32>
      %gather3A_652 = tpu.vector_load_idx %arg8[%add3A_651] : memref<2048xi32, #tpu.memory_space<vmem>>[vector<16xi32>], vector<16xi32>,
      %add3A_653 = arith.addi %add3A_648, %gather3A_652 : vector<16xi32>
      %add3A_654 = arith.constant 11 : i32
      %add3A_655 = vector.broadcast %add3A_654 : i32 to vector<16xi32>
      %add3A_656 = arith.addi %shift_left3A_598, %add3A_655 : vector<16xi32>
      %gather3A_657 = tpu.vector_load_idx %arg8[%add3A_656] : memref<2048xi32, #tpu.memory_space<vmem>>[vector<16xi32>], vector<16xi32>,
      %add3A_658 = arith.addi %add3A_653, %gather3A_657 : vector<16xi32>
      %add3A_659 = arith.constant 12 : i32
      %add3A_660 = vector.broadcast %add3A_659 : i32 to vector<16xi32>
      %add3A_661 = arith.addi %shift_left3A_598, %add3A_660 : vector<16xi32>
      %gather3A_662 = tpu.vector_load_idx %arg8[%add3A_661] : memref<2048xi32, #tpu.memory_space<vmem>>[vector<16xi32>], vector<16xi32>,
      %add3A_663 = arith.addi %add3A_658, %gather3A_662 : vector<16xi32>
      %add3A_664 = arith.constant 13 : i32
      %add3A_665 = vector.broadcast %add3A_664 : i32 to vector<16xi32>
      %add3A_666 = arith.addi %shift_left3A_598, %add3A_665 : vector<16xi32>
      %gather3A_667 = tpu.vector_load_idx %arg8[%add3A_666] : memref<2048xi32, #tpu.memory_space<vmem>>[vector<16xi32>], vector<16xi32>,
      %add3A_668 = arith.addi %add3A_663, %gather3A_667 : vector<16xi32>
      %add3A_669 = arith.constant 14 : i32
      %add3A_670 = vector.broadcast %add3A_669 : i32 to vector<16xi32>
      %add3A_671 = arith.addi %shift_left3A_598, %add3A_670 : vector<16xi32>
      %gather3A_672 = tpu.vector_load_idx %arg8[%add3A_671] : memref<2048xi32, #tpu.memory_space<vmem>>[vector<16xi32>], vector<16xi32>,
      %add3A_673 = arith.addi %add3A_668, %gather3A_672 : vector<16xi32>
      %add3A_674 = arith.constant 15 : i32
      %add3A_675 = vector.broadcast %add3A_674 : i32 to vector<16xi32>
      %add3A_676 = arith.addi %shift_left3A_598, %add3A_675 : vector<16xi32>
      %gather3A_677 = tpu.vector_load_idx %arg8[%add3A_676] : memref<2048xi32, #tpu.memory_space<vmem>>[vector<16xi32>], vector<16xi32>,
      %add3A_678 = arith.addi %add3A_673, %gather3A_677 : vector<16xi32>
      %broadcast_in_dim3A_679 = arith.constant true
      %broadcast_in_dim3A_680 = vector.broadcast %broadcast_in_dim3A_679 : i1 to vector<16xi1>
      %masked_cumsum3A_681 = tpu.scan <sum>, %add3A_678 masked %broadcast_in_dim3A_680 : vector<16xi32>, vector<16xi1> -> vector<16xi32>
      %add3A_682 = vector.broadcast %squeeze3A_573 : i32 to vector<16xi32>
      %add3A_683 = arith.addi %masked_cumsum3A_681, %add3A_682 : vector<16xi32>
      %slice3A_684 = vector.extract_strided_slice %add3A_683 {offsets = [15], sizes = [1], strides = [1]} : vector<16xi32> to vector<1xi32>
      %squeeze3A_685 = vector.extract %slice3A_684[0] : i32 from vector<1xi32>
      %lt3A_686 = arith.constant 128 : i32
      %lt3A_687 = vector.broadcast %lt3A_686 : i32 to vector<16xi32>
      %lt3A_688 = arith.cmpi slt, %add3A_683, %lt3A_687 : vector<16xi32>
      %all_reduce_population_count3A_689 = tpu.all_reduce %lt3A_688 {dim = 0 : i64, kind = #tpu.reduction_kind<sum>} : vector<16xi1> -> vector<16xi32>
      %slice3A_690 = vector.extract_strided_slice %all_reduce_population_count3A_689 {offsets = [0], sizes = [1], strides = [1]} : vector<16xi32> to vector<1xi32>
      %squeeze3A_691 = vector.extract %slice3A_690[0] : i32 from vector<1xi32>
      %add3A_692 = arith.addi %add3A_580, %squeeze3A_691 : i32
      %jit3A_693 = arith.constant 0 : i32
      %broadcast_in_dim3A_694 = vector.broadcast %jit3A_693 : i32 to vector<16xi32>
      %select_n3A_695 = arith.select %lt3A_688, %add3A_683, %broadcast_in_dim3A_694 : vector<16xi1>, vector<16xi32>
      %reduce_max3A_696 = arith.constant true
      %reduce_max3A_697 = vector.broadcast %reduce_max3A_696 : i1 to vector<16xi1>
      %reduce_max3A_698 = arith.constant -2147483648 : i32
      %reduce_max3A_699 = vector.broadcast %reduce_max3A_698 : i32 to vector<16xi32>
      %reduce_max3A_700 = arith.xori %select_n3A_695, %reduce_max3A_699 : vector<16xi32>
      %reduce_max3A_701 = tpu.scan <max>, %reduce_max3A_700 masked %reduce_max3A_697 : vector<16xi32>, vector<16xi1> -> vector<16xi32>
      %reduce_max3A_702 = arith.xori %reduce_max3A_701, %reduce_max3A_699 : vector<16xi32>
      %reduce_max3A_703 = vector.extract %reduce_max3A_702[15] : i32 from vector<16xi32>
      %max3A_704 = arith.maxsi %max3A_592, %reduce_max3A_703 : i32
      %add3A_705 = arith.constant 96 : i32
      %add3A_706 = vector.broadcast %add3A_705 : i32 to vector<16xi32>
      %add3A_707 = arith.addi %add3A_706, %iota3A : vector<16xi32>
      %shift_left3A_708 = arith.constant 4 : i32
      %shift_left3A_709 = vector.broadcast %shift_left3A_708 : i32 to vector<16xi32>
      %shift_left3A_710 = arith.shli %add3A_707, %shift_left3A_709 : vector<16xi32>
      %add3A_711 = arith.constant 0 : i32
      %add3A_712 = vector.broadcast %add3A_711 : i32 to vector<16xi32>
      %add3A_713 = arith.addi %shift_left3A_710, %add3A_712 : vector<16xi32>
      %gather3A_714 = tpu.vector_load_idx %arg8[%add3A_713] : memref<2048xi32, #tpu.memory_space<vmem>>[vector<16xi32>], vector<16xi32>,
      %add3A_715 = arith.addi %broadcast_in_dim3A_15, %gather3A_714 : vector<16xi32>
      %add3A_716 = arith.constant 1 : i32
      %add3A_717 = vector.broadcast %add3A_716 : i32 to vector<16xi32>
      %add3A_718 = arith.addi %shift_left3A_710, %add3A_717 : vector<16xi32>
      %gather3A_719 = tpu.vector_load_idx %arg8[%add3A_718] : memref<2048xi32, #tpu.memory_space<vmem>>[vector<16xi32>], vector<16xi32>,
      %add3A_720 = arith.addi %add3A_715, %gather3A_719 : vector<16xi32>
      %add3A_721 = arith.constant 2 : i32
      %add3A_722 = vector.broadcast %add3A_721 : i32 to vector<16xi32>
      %add3A_723 = arith.addi %shift_left3A_710, %add3A_722 : vector<16xi32>
      %gather3A_724 = tpu.vector_load_idx %arg8[%add3A_723] : memref<2048xi32, #tpu.memory_space<vmem>>[vector<16xi32>], vector<16xi32>,
      %add3A_725 = arith.addi %add3A_720, %gather3A_724 : vector<16xi32>
      %add3A_726 = arith.constant 3 : i32
      %add3A_727 = vector.broadcast %add3A_726 : i32 to vector<16xi32>
      %add3A_728 = arith.addi %shift_left3A_710, %add3A_727 : vector<16xi32>
      %gather3A_729 = tpu.vector_load_idx %arg8[%add3A_728] : memref<2048xi32, #tpu.memory_space<vmem>>[vector<16xi32>], vector<16xi32>,
      %add3A_730 = arith.addi %add3A_725, %gather3A_729 : vector<16xi32>
      %add3A_731 = arith.constant 4 : i32
      %add3A_732 = vector.broadcast %add3A_731 : i32 to vector<16xi32>
      %add3A_733 = arith.addi %shift_left3A_710, %add3A_732 : vector<16xi32>
      %gather3A_734 = tpu.vector_load_idx %arg8[%add3A_733] : memref<2048xi32, #tpu.memory_space<vmem>>[vector<16xi32>], vector<16xi32>,
      %add3A_735 = arith.addi %add3A_730, %gather3A_734 : vector<16xi32>
      %add3A_736 = arith.constant 5 : i32
      %add3A_737 = vector.broadcast %add3A_736 : i32 to vector<16xi32>
      %add3A_738 = arith.addi %shift_left3A_710, %add3A_737 : vector<16xi32>
      %gather3A_739 = tpu.vector_load_idx %arg8[%add3A_738] : memref<2048xi32, #tpu.memory_space<vmem>>[vector<16xi32>], vector<16xi32>,
      %add3A_740 = arith.addi %add3A_735, %gather3A_739 : vector<16xi32>
      %add3A_741 = arith.constant 6 : i32
      %add3A_742 = vector.broadcast %add3A_741 : i32 to vector<16xi32>
      %add3A_743 = arith.addi %shift_left3A_710, %add3A_742 : vector<16xi32>
      %gather3A_744 = tpu.vector_load_idx %arg8[%add3A_743] : memref<2048xi32, #tpu.memory_space<vmem>>[vector<16xi32>], vector<16xi32>,
      %add3A_745 = arith.addi %add3A_740, %gather3A_744 : vector<16xi32>
      %add3A_746 = arith.constant 7 : i32
      %add3A_747 = vector.broadcast %add3A_746 : i32 to vector<16xi32>
      %add3A_748 = arith.addi %shift_left3A_710, %add3A_747 : vector<16xi32>
      %gather3A_749 = tpu.vector_load_idx %arg8[%add3A_748] : memref<2048xi32, #tpu.memory_space<vmem>>[vector<16xi32>], vector<16xi32>,
      %add3A_750 = arith.addi %add3A_745, %gather3A_749 : vector<16xi32>
      %add3A_751 = arith.constant 8 : i32
      %add3A_752 = vector.broadcast %add3A_751 : i32 to vector<16xi32>
      %add3A_753 = arith.addi %shift_left3A_710, %add3A_752 : vector<16xi32>
      %gather3A_754 = tpu.vector_load_idx %arg8[%add3A_753] : memref<2048xi32, #tpu.memory_space<vmem>>[vector<16xi32>], vector<16xi32>,
      %add3A_755 = arith.addi %add3A_750, %gather3A_754 : vector<16xi32>
      %add3A_756 = arith.constant 9 : i32
      %add3A_757 = vector.broadcast %add3A_756 : i32 to vector<16xi32>
      %add3A_758 = arith.addi %shift_left3A_710, %add3A_757 : vector<16xi32>
      %gather3A_759 = tpu.vector_load_idx %arg8[%add3A_758] : memref<2048xi32, #tpu.memory_space<vmem>>[vector<16xi32>], vector<16xi32>,
      %add3A_760 = arith.addi %add3A_755, %gather3A_759 : vector<16xi32>
      %add3A_761 = arith.constant 10 : i32
      %add3A_762 = vector.broadcast %add3A_761 : i32 to vector<16xi32>
      %add3A_763 = arith.addi %shift_left3A_710, %add3A_762 : vector<16xi32>
      %gather3A_764 = tpu.vector_load_idx %arg8[%add3A_763] : memref<2048xi32, #tpu.memory_space<vmem>>[vector<16xi32>], vector<16xi32>,
      %add3A_765 = arith.addi %add3A_760, %gather3A_764 : vector<16xi32>
      %add3A_766 = arith.constant 11 : i32
      %add3A_767 = vector.broadcast %add3A_766 : i32 to vector<16xi32>
      %add3A_768 = arith.addi %shift_left3A_710, %add3A_767 : vector<16xi32>
      %gather3A_769 = tpu.vector_load_idx %arg8[%add3A_768] : memref<2048xi32, #tpu.memory_space<vmem>>[vector<16xi32>], vector<16xi32>,
      %add3A_770 = arith.addi %add3A_765, %gather3A_769 : vector<16xi32>
      %add3A_771 = arith.constant 12 : i32
      %add3A_772 = vector.broadcast %add3A_771 : i32 to vector<16xi32>
      %add3A_773 = arith.addi %shift_left3A_710, %add3A_772 : vector<16xi32>
      %gather3A_774 = tpu.vector_load_idx %arg8[%add3A_773] : memref<2048xi32, #tpu.memory_space<vmem>>[vector<16xi32>], vector<16xi32>,
      %add3A_775 = arith.addi %add3A_770, %gather3A_774 : vector<16xi32>
      %add3A_776 = arith.constant 13 : i32
      %add3A_777 = vector.broadcast %add3A_776 : i32 to vector<16xi32>
      %add3A_778 = arith.addi %shift_left3A_710, %add3A_777 : vector<16xi32>
      %gather3A_779 = tpu.vector_load_idx %arg8[%add3A_778] : memref<2048xi32, #tpu.memory_space<vmem>>[vector<16xi32>], vector<16xi32>,
      %add3A_780 = arith.addi %add3A_775, %gather3A_779 : vector<16xi32>
      %add3A_781 = arith.constant 14 : i32
      %add3A_782 = vector.broadcast %add3A_781 : i32 to vector<16xi32>
      %add3A_783 = arith.addi %shift_left3A_710, %add3A_782 : vector<16xi32>
      %gather3A_784 = tpu.vector_load_idx %arg8[%add3A_783] : memref<2048xi32, #tpu.memory_space<vmem>>[vector<16xi32>], vector<16xi32>,
      %add3A_785 = arith.addi %add3A_780, %gather3A_784 : vector<16xi32>
      %add3A_786 = arith.constant 15 : i32
      %add3A_787 = vector.broadcast %add3A_786 : i32 to vector<16xi32>
      %add3A_788 = arith.addi %shift_left3A_710, %add3A_787 : vector<16xi32>
      %gather3A_789 = tpu.vector_load_idx %arg8[%add3A_788] : memref<2048xi32, #tpu.memory_space<vmem>>[vector<16xi32>], vector<16xi32>,
      %add3A_790 = arith.addi %add3A_785, %gather3A_789 : vector<16xi32>
      %broadcast_in_dim3A_791 = arith.constant true
      %broadcast_in_dim3A_792 = vector.broadcast %broadcast_in_dim3A_791 : i1 to vector<16xi1>
      %masked_cumsum3A_793 = tpu.scan <sum>, %add3A_790 masked %broadcast_in_dim3A_792 : vector<16xi32>, vector<16xi1> -> vector<16xi32>
      %add3A_794 = vector.broadcast %squeeze3A_685 : i32 to vector<16xi32>
      %add3A_795 = arith.addi %masked_cumsum3A_793, %add3A_794 : vector<16xi32>
      %slice3A_796 = vector.extract_strided_slice %add3A_795 {offsets = [15], sizes = [1], strides = [1]} : vector<16xi32> to vector<1xi32>
      %squeeze3A_797 = vector.extract %slice3A_796[0] : i32 from vector<1xi32>
      %lt3A_798 = arith.constant 128 : i32
      %lt3A_799 = vector.broadcast %lt3A_798 : i32 to vector<16xi32>
      %lt3A_800 = arith.cmpi slt, %add3A_795, %lt3A_799 : vector<16xi32>
      %all_reduce_population_count3A_801 = tpu.all_reduce %lt3A_800 {dim = 0 : i64, kind = #tpu.reduction_kind<sum>} : vector<16xi1> -> vector<16xi32>
      %slice3A_802 = vector.extract_strided_slice %all_reduce_population_count3A_801 {offsets = [0], sizes = [1], strides = [1]} : vector<16xi32> to vector<1xi32>
      %squeeze3A_803 = vector.extract %slice3A_802[0] : i32 from vector<1xi32>
      %add3A_804 = arith.addi %add3A_692, %squeeze3A_803 : i32
      %jit3A_805 = arith.constant 0 : i32
      %broadcast_in_dim3A_806 = vector.broadcast %jit3A_805 : i32 to vector<16xi32>
      %select_n3A_807 = arith.select %lt3A_800, %add3A_795, %broadcast_in_dim3A_806 : vector<16xi1>, vector<16xi32>
      %reduce_max3A_808 = arith.constant true
      %reduce_max3A_809 = vector.broadcast %reduce_max3A_808 : i1 to vector<16xi1>
      %reduce_max3A_810 = arith.constant -2147483648 : i32
      %reduce_max3A_811 = vector.broadcast %reduce_max3A_810 : i32 to vector<16xi32>
      %reduce_max3A_812 = arith.xori %select_n3A_807, %reduce_max3A_811 : vector<16xi32>
      %reduce_max3A_813 = tpu.scan <max>, %reduce_max3A_812 masked %reduce_max3A_809 : vector<16xi32>, vector<16xi1> -> vector<16xi32>
      %reduce_max3A_814 = arith.xori %reduce_max3A_813, %reduce_max3A_811 : vector<16xi32>
      %reduce_max3A_815 = vector.extract %reduce_max3A_814[15] : i32 from vector<16xi32>
      %max3A_816 = arith.maxsi %max3A_704, %reduce_max3A_815 : i32
      %add3A_817 = arith.constant 112 : i32
      %add3A_818 = vector.broadcast %add3A_817 : i32 to vector<16xi32>
      %add3A_819 = arith.addi %add3A_818, %iota3A : vector<16xi32>
      %shift_left3A_820 = arith.constant 4 : i32
      %shift_left3A_821 = vector.broadcast %shift_left3A_820 : i32 to vector<16xi32>
      %shift_left3A_822 = arith.shli %add3A_819, %shift_left3A_821 : vector<16xi32>
      %add3A_823 = arith.constant 0 : i32
      %add3A_824 = vector.broadcast %add3A_823 : i32 to vector<16xi32>
      %add3A_825 = arith.addi %shift_left3A_822, %add3A_824 : vector<16xi32>
      %gather3A_826 = tpu.vector_load_idx %arg8[%add3A_825] : memref<2048xi32, #tpu.memory_space<vmem>>[vector<16xi32>], vector<16xi32>,
      %add3A_827 = arith.addi %broadcast_in_dim3A_15, %gather3A_826 : vector<16xi32>
      %add3A_828 = arith.constant 1 : i32
      %add3A_829 = vector.broadcast %add3A_828 : i32 to vector<16xi32>
      %add3A_830 = arith.addi %shift_left3A_822, %add3A_829 : vector<16xi32>
      %gather3A_831 = tpu.vector_load_idx %arg8[%add3A_830] : memref<2048xi32, #tpu.memory_space<vmem>>[vector<16xi32>], vector<16xi32>,
      %add3A_832 = arith.addi %add3A_827, %gather3A_831 : vector<16xi32>
      %add3A_833 = arith.constant 2 : i32
      %add3A_834 = vector.broadcast %add3A_833 : i32 to vector<16xi32>
      %add3A_835 = arith.addi %shift_left3A_822, %add3A_834 : vector<16xi32>
      %gather3A_836 = tpu.vector_load_idx %arg8[%add3A_835] : memref<2048xi32, #tpu.memory_space<vmem>>[vector<16xi32>], vector<16xi32>,
      %add3A_837 = arith.addi %add3A_832, %gather3A_836 : vector<16xi32>
      %add3A_838 = arith.constant 3 : i32
      %add3A_839 = vector.broadcast %add3A_838 : i32 to vector<16xi32>
      %add3A_840 = arith.addi %shift_left3A_822, %add3A_839 : vector<16xi32>
      %gather3A_841 = tpu.vector_load_idx %arg8[%add3A_840] : memref<2048xi32, #tpu.memory_space<vmem>>[vector<16xi32>], vector<16xi32>,
      %add3A_842 = arith.addi %add3A_837, %gather3A_841 : vector<16xi32>
      %add3A_843 = arith.constant 4 : i32
      %add3A_844 = vector.broadcast %add3A_843 : i32 to vector<16xi32>
      %add3A_845 = arith.addi %shift_left3A_822, %add3A_844 : vector<16xi32>
      %gather3A_846 = tpu.vector_load_idx %arg8[%add3A_845] : memref<2048xi32, #tpu.memory_space<vmem>>[vector<16xi32>], vector<16xi32>,
      %add3A_847 = arith.addi %add3A_842, %gather3A_846 : vector<16xi32>
      %add3A_848 = arith.constant 5 : i32
      %add3A_849 = vector.broadcast %add3A_848 : i32 to vector<16xi32>
      %add3A_850 = arith.addi %shift_left3A_822, %add3A_849 : vector<16xi32>
      %gather3A_851 = tpu.vector_load_idx %arg8[%add3A_850] : memref<2048xi32, #tpu.memory_space<vmem>>[vector<16xi32>], vector<16xi32>,
      %add3A_852 = arith.addi %add3A_847, %gather3A_851 : vector<16xi32>
      %add3A_853 = arith.constant 6 : i32
      %add3A_854 = vector.broadcast %add3A_853 : i32 to vector<16xi32>
      %add3A_855 = arith.addi %shift_left3A_822, %add3A_854 : vector<16xi32>
      %gather3A_856 = tpu.vector_load_idx %arg8[%add3A_855] : memref<2048xi32, #tpu.memory_space<vmem>>[vector<16xi32>], vector<16xi32>,
      %add3A_857 = arith.addi %add3A_852, %gather3A_856 : vector<16xi32>
      %add3A_858 = arith.constant 7 : i32
      %add3A_859 = vector.broadcast %add3A_858 : i32 to vector<16xi32>
      %add3A_860 = arith.addi %shift_left3A_822, %add3A_859 : vector<16xi32>
      %gather3A_861 = tpu.vector_load_idx %arg8[%add3A_860] : memref<2048xi32, #tpu.memory_space<vmem>>[vector<16xi32>], vector<16xi32>,
      %add3A_862 = arith.addi %add3A_857, %gather3A_861 : vector<16xi32>
      %add3A_863 = arith.constant 8 : i32
      %add3A_864 = vector.broadcast %add3A_863 : i32 to vector<16xi32>
      %add3A_865 = arith.addi %shift_left3A_822, %add3A_864 : vector<16xi32>
      %gather3A_866 = tpu.vector_load_idx %arg8[%add3A_865] : memref<2048xi32, #tpu.memory_space<vmem>>[vector<16xi32>], vector<16xi32>,
      %add3A_867 = arith.addi %add3A_862, %gather3A_866 : vector<16xi32>
      %add3A_868 = arith.constant 9 : i32
      %add3A_869 = vector.broadcast %add3A_868 : i32 to vector<16xi32>
      %add3A_870 = arith.addi %shift_left3A_822, %add3A_869 : vector<16xi32>
      %gather3A_871 = tpu.vector_load_idx %arg8[%add3A_870] : memref<2048xi32, #tpu.memory_space<vmem>>[vector<16xi32>], vector<16xi32>,
      %add3A_872 = arith.addi %add3A_867, %gather3A_871 : vector<16xi32>
      %add3A_873 = arith.constant 10 : i32
      %add3A_874 = vector.broadcast %add3A_873 : i32 to vector<16xi32>
      %add3A_875 = arith.addi %shift_left3A_822, %add3A_874 : vector<16xi32>
      %gather3A_876 = tpu.vector_load_idx %arg8[%add3A_875] : memref<2048xi32, #tpu.memory_space<vmem>>[vector<16xi32>], vector<16xi32>,
      %add3A_877 = arith.addi %add3A_872, %gather3A_876 : vector<16xi32>
      %add3A_878 = arith.constant 11 : i32
      %add3A_879 = vector.broadcast %add3A_878 : i32 to vector<16xi32>
      %add3A_880 = arith.addi %shift_left3A_822, %add3A_879 : vector<16xi32>
      %gather3A_881 = tpu.vector_load_idx %arg8[%add3A_880] : memref<2048xi32, #tpu.memory_space<vmem>>[vector<16xi32>], vector<16xi32>,
      %add3A_882 = arith.addi %add3A_877, %gather3A_881 : vector<16xi32>
      %add3A_883 = arith.constant 12 : i32
      %add3A_884 = vector.broadcast %add3A_883 : i32 to vector<16xi32>
      %add3A_885 = arith.addi %shift_left3A_822, %add3A_884 : vector<16xi32>
      %gather3A_886 = tpu.vector_load_idx %arg8[%add3A_885] : memref<2048xi32, #tpu.memory_space<vmem>>[vector<16xi32>], vector<16xi32>,
      %add3A_887 = arith.addi %add3A_882, %gather3A_886 : vector<16xi32>
      %add3A_888 = arith.constant 13 : i32
      %add3A_889 = vector.broadcast %add3A_888 : i32 to vector<16xi32>
      %add3A_890 = arith.addi %shift_left3A_822, %add3A_889 : vector<16xi32>
      %gather3A_891 = tpu.vector_load_idx %arg8[%add3A_890] : memref<2048xi32, #tpu.memory_space<vmem>>[vector<16xi32>], vector<16xi32>,
      %add3A_892 = arith.addi %add3A_887, %gather3A_891 : vector<16xi32>
      %add3A_893 = arith.constant 14 : i32
      %add3A_894 = vector.broadcast %add3A_893 : i32 to vector<16xi32>
      %add3A_895 = arith.addi %shift_left3A_822, %add3A_894 : vector<16xi32>
      %gather3A_896 = tpu.vector_load_idx %arg8[%add3A_895] : memref<2048xi32, #tpu.memory_space<vmem>>[vector<16xi32>], vector<16xi32>,
      %add3A_897 = arith.addi %add3A_892, %gather3A_896 : vector<16xi32>
      %add3A_898 = arith.constant 15 : i32
      %add3A_899 = vector.broadcast %add3A_898 : i32 to vector<16xi32>
      %add3A_900 = arith.addi %shift_left3A_822, %add3A_899 : vector<16xi32>
      %gather3A_901 = tpu.vector_load_idx %arg8[%add3A_900] : memref<2048xi32, #tpu.memory_space<vmem>>[vector<16xi32>], vector<16xi32>,
      %add3A_902 = arith.addi %add3A_897, %gather3A_901 : vector<16xi32>
      %broadcast_in_dim3A_903 = arith.constant true
      %broadcast_in_dim3A_904 = vector.broadcast %broadcast_in_dim3A_903 : i1 to vector<16xi1>
      %masked_cumsum3A_905 = tpu.scan <sum>, %add3A_902 masked %broadcast_in_dim3A_904 : vector<16xi32>, vector<16xi1> -> vector<16xi32>
      %add3A_906 = vector.broadcast %squeeze3A_797 : i32 to vector<16xi32>
      %add3A_907 = arith.addi %masked_cumsum3A_905, %add3A_906 : vector<16xi32>
      %slice3A_908 = vector.extract_strided_slice %add3A_907 {offsets = [15], sizes = [1], strides = [1]} : vector<16xi32> to vector<1xi32>
      %squeeze3A_909 = vector.extract %slice3A_908[0] : i32 from vector<1xi32>
      %lt3A_910 = arith.constant 128 : i32
      %lt3A_911 = vector.broadcast %lt3A_910 : i32 to vector<16xi32>
      %lt3A_912 = arith.cmpi slt, %add3A_907, %lt3A_911 : vector<16xi32>
      %all_reduce_population_count3A_913 = tpu.all_reduce %lt3A_912 {dim = 0 : i64, kind = #tpu.reduction_kind<sum>} : vector<16xi1> -> vector<16xi32>
      %slice3A_914 = vector.extract_strided_slice %all_reduce_population_count3A_913 {offsets = [0], sizes = [1], strides = [1]} : vector<16xi32> to vector<1xi32>
      %squeeze3A_915 = vector.extract %slice3A_914[0] : i32 from vector<1xi32>
      %add3A_916 = arith.addi %add3A_804, %squeeze3A_915 : i32
      %jit3A_917 = arith.constant 0 : i32
      %broadcast_in_dim3A_918 = vector.broadcast %jit3A_917 : i32 to vector<16xi32>
      %select_n3A_919 = arith.select %lt3A_912, %add3A_907, %broadcast_in_dim3A_918 : vector<16xi1>, vector<16xi32>
      %reduce_max3A_920 = arith.constant true
      %reduce_max3A_921 = vector.broadcast %reduce_max3A_920 : i1 to vector<16xi1>
      %reduce_max3A_922 = arith.constant -2147483648 : i32
      %reduce_max3A_923 = vector.broadcast %reduce_max3A_922 : i32 to vector<16xi32>
      %reduce_max3A_924 = arith.xori %select_n3A_919, %reduce_max3A_923 : vector<16xi32>
      %reduce_max3A_925 = tpu.scan <max>, %reduce_max3A_924 masked %reduce_max3A_921 : vector<16xi32>, vector<16xi1> -> vector<16xi32>
      %reduce_max3A_926 = arith.xori %reduce_max3A_925, %reduce_max3A_923 : vector<16xi32>
      %reduce_max3A_927 = vector.extract %reduce_max3A_926[15] : i32 from vector<16xi32>
      %max3A_928 = arith.maxsi %max3A_816, %reduce_max3A_927 : i32
      %mul3A_929 = arith.constant 4 : i32
      %mul3A_930 = vector.broadcast %mul3A_929 : i32 to vector<16xi32>
      %mul3A_931 = arith.muli %iota3A, %mul3A_930 : vector<16xi32>
      %add3A_932 = arith.constant 0 : i32
      %add3A_933 = vector.broadcast %add3A_932 : i32 to vector<16xi32>
      %add3A_934 = arith.addi %mul3A_931, %add3A_933 : vector<16xi32>
      %mul3A_935 = arith.constant 512 : i32
      %mul3A_936 = vector.broadcast %mul3A_935 : i32 to vector<16xi32>
      %mul3A_937 = arith.muli %add3A_934, %mul3A_936 : vector<16xi32>
      %mul3A_938 = arith.constant 4 : i32
      %mul3A_939 = vector.broadcast %mul3A_938 : i32 to vector<16xi32>
      %mul3A_940 = arith.muli %iota3A, %mul3A_939 : vector<16xi32>
      %add3A_941 = arith.constant 1 : i32
      %add3A_942 = vector.broadcast %add3A_941 : i32 to vector<16xi32>
      %add3A_943 = arith.addi %mul3A_940, %add3A_942 : vector<16xi32>
      %mul3A_944 = arith.constant 512 : i32
      %mul3A_945 = vector.broadcast %mul3A_944 : i32 to vector<16xi32>
      %mul3A_946 = arith.muli %add3A_943, %mul3A_945 : vector<16xi32>
      %mul3A_947 = arith.constant 4 : i32
      %mul3A_948 = vector.broadcast %mul3A_947 : i32 to vector<16xi32>
      %mul3A_949 = arith.muli %iota3A, %mul3A_948 : vector<16xi32>
      %add3A_950 = arith.constant 2 : i32
      %add3A_951 = vector.broadcast %add3A_950 : i32 to vector<16xi32>
      %add3A_952 = arith.addi %mul3A_949, %add3A_951 : vector<16xi32>
      %mul3A_953 = arith.constant 512 : i32
      %mul3A_954 = vector.broadcast %mul3A_953 : i32 to vector<16xi32>
      %mul3A_955 = arith.muli %add3A_952, %mul3A_954 : vector<16xi32>
      %mul3A_956 = arith.constant 4 : i32
      %mul3A_957 = vector.broadcast %mul3A_956 : i32 to vector<16xi32>
      %mul3A_958 = arith.muli %iota3A, %mul3A_957 : vector<16xi32>
      %add3A_959 = arith.constant 3 : i32
      %add3A_960 = vector.broadcast %add3A_959 : i32 to vector<16xi32>
      %add3A_961 = arith.addi %mul3A_958, %add3A_960 : vector<16xi32>
      %mul3A_962 = arith.constant 512 : i32
      %mul3A_963 = vector.broadcast %mul3A_962 : i32 to vector<16xi32>
      %mul3A_964 = arith.muli %add3A_961, %mul3A_963 : vector<16xi32>
      %parallel_loop3A_965 = arith.constant 0 : i32
      %parallel_loop3A_966 = arith.constant 512 : i32
      %parallel_loop3A_967 = arith.constant 1 : i32
      %parallel_loop3A_968:4 = scf.for %parallel_loop3A_1005 = %parallel_loop3A_965 to %parallel_loop3A_966 step %parallel_loop3A_967 iter_args(%parallel_loop3A_1006 = %broadcast_in_dim3A_15, %parallel_loop3A_1007 = %broadcast_in_dim3A_15, %parallel_loop3A_1008 = %broadcast_in_dim3A_15, %parallel_loop3A_1009 = %broadcast_in_dim3A_15) -> (vector<16xi32>, vector<16xi32>, vector<16xi32>, vector<16xi32>)  : i32 {
        %parallel_loop3A_1010 = arith.constant 4 : i32
        %parallel_loop3A_1011 = arith.muli %parallel_loop3A_1005, %parallel_loop3A_1010 : i32
        %parallel_loop3A_1012 = arith.constant 0 : i32
        %parallel_loop3A_1013 = arith.addi %parallel_loop3A_1011, %parallel_loop3A_1012 : i32
        %parallel_loop3A_1014 = arith.constant 16 : i32
        %parallel_loop3A_1015 = arith.muli %parallel_loop3A_1013, %parallel_loop3A_1014 : i32
        %parallel_loop3A_1016 = arith.index_cast %parallel_loop3A_1015 : i32 to index
        %parallel_loop3A_1017 = tpu.vector_load %arg5[%parallel_loop3A_1016] {strides = array<i32>} : memref<32768xf32, #tpu.memory_space<vmem>>, vector<16xf32>,
        %parallel_loop3A_1018 = arith.constant 0.000000e+00 : f32
        %parallel_loop3A_1019 = arith.constant 1.000000e+00 : f32
        %parallel_loop3A_1020 = vector.broadcast %parallel_loop3A_1018 : f32 to vector<16xf32>
        %parallel_loop3A_1021 = arith.maximumf %parallel_loop3A_1020, %parallel_loop3A_1017 : vector<16xf32>
        %parallel_loop3A_1022 = vector.broadcast %parallel_loop3A_1019 : f32 to vector<16xf32>
        %parallel_loop3A_1023 = arith.minimumf %parallel_loop3A_1022, %parallel_loop3A_1021 : vector<16xf32>
        %parallel_loop3A_1024 = arith.constant 1.000000e+00 : f32
        %parallel_loop3A_1025 = vector.broadcast %parallel_loop3A_1024 : f32 to vector<16xf32>
        %parallel_loop3A_1026 = arith.subf %parallel_loop3A_1025, %parallel_loop3A_1023 : vector<16xf32>
        %parallel_loop3A_1027 = vector.bitcast %parallel_loop3A_1026 : vector<16xf32> to vector<16xi32>
        %parallel_loop3A_1028 = arith.constant 23 : i32
        %parallel_loop3A_1029 = vector.broadcast %parallel_loop3A_1028 : i32 to vector<16xi32>
        %parallel_loop3A_1030 = arith.shrsi %parallel_loop3A_1027, %parallel_loop3A_1029 : vector<16xi32>
        %parallel_loop3A_1031 = vector.broadcast %add3A_916 : i32 to vector<16xi32>
        %parallel_loop3A_1032 = arith.cmpi eq, %parallel_loop3A_1030, %parallel_loop3A_1031 : vector<16xi32>
        %parallel_loop3A_1033 = arith.addi %mul3A_937, %parallel_loop3A_1006 : vector<16xi32>
        tpu.vector_store_idx %arg6[%parallel_loop3A_1033], %parallel_loop3A_1023 masked %parallel_loop3A_1032 : memref<32768xf32, #tpu.memory_space<vmem>>[vector<16xi32>], vector<16xf32>, vector<16xi1>
        %parallel_loop3A_1034 = arith.constant 1 : i32
        %parallel_loop3A_1035 = arith.constant 0 : i32
        %parallel_loop3A_1036 = vector.broadcast %parallel_loop3A_1034 : i32 to vector<16xi32>
        %parallel_loop3A_1037 = vector.broadcast %parallel_loop3A_1035 : i32 to vector<16xi32>
        %parallel_loop3A_1038 = arith.select %parallel_loop3A_1032, %parallel_loop3A_1036, %parallel_loop3A_1037 : vector<16xi1>, vector<16xi32>
        %parallel_loop3A_1039 = arith.addi %parallel_loop3A_1006, %parallel_loop3A_1038 : vector<16xi32>
        %parallel_loop3A_1040 = arith.constant 4 : i32
        %parallel_loop3A_1041 = arith.muli %parallel_loop3A_1005, %parallel_loop3A_1040 : i32
        %parallel_loop3A_1042 = arith.constant 1 : i32
        %parallel_loop3A_1043 = arith.addi %parallel_loop3A_1041, %parallel_loop3A_1042 : i32
        %parallel_loop3A_1044 = arith.constant 16 : i32
        %parallel_loop3A_1045 = arith.muli %parallel_loop3A_1043, %parallel_loop3A_1044 : i32
        %parallel_loop3A_1046 = arith.index_cast %parallel_loop3A_1045 : i32 to index
        %parallel_loop3A_1047 = tpu.vector_load %arg5[%parallel_loop3A_1046] {strides = array<i32>} : memref<32768xf32, #tpu.memory_space<vmem>>, vector<16xf32>,
        %parallel_loop3A_1048 = arith.constant 0.000000e+00 : f32
        %parallel_loop3A_1049 = arith.constant 1.000000e+00 : f32
        %parallel_loop3A_1050 = vector.broadcast %parallel_loop3A_1048 : f32 to vector<16xf32>
        %parallel_loop3A_1051 = arith.maximumf %parallel_loop3A_1050, %parallel_loop3A_1047 : vector<16xf32>
        %parallel_loop3A_1052 = vector.broadcast %parallel_loop3A_1049 : f32 to vector<16xf32>
        %parallel_loop3A_1053 = arith.minimumf %parallel_loop3A_1052, %parallel_loop3A_1051 : vector<16xf32>
        %parallel_loop3A_1054 = arith.constant 1.000000e+00 : f32
        %parallel_loop3A_1055 = vector.broadcast %parallel_loop3A_1054 : f32 to vector<16xf32>
        %parallel_loop3A_1056 = arith.subf %parallel_loop3A_1055, %parallel_loop3A_1053 : vector<16xf32>
        %parallel_loop3A_1057 = vector.bitcast %parallel_loop3A_1056 : vector<16xf32> to vector<16xi32>
        %parallel_loop3A_1058 = arith.constant 23 : i32
        %parallel_loop3A_1059 = vector.broadcast %parallel_loop3A_1058 : i32 to vector<16xi32>
        %parallel_loop3A_1060 = arith.shrsi %parallel_loop3A_1057, %parallel_loop3A_1059 : vector<16xi32>
        %parallel_loop3A_1061 = vector.broadcast %add3A_916 : i32 to vector<16xi32>
        %parallel_loop3A_1062 = arith.cmpi eq, %parallel_loop3A_1060, %parallel_loop3A_1061 : vector<16xi32>
        %parallel_loop3A_1063 = arith.addi %mul3A_946, %parallel_loop3A_1007 : vector<16xi32>
        tpu.vector_store_idx %arg6[%parallel_loop3A_1063], %parallel_loop3A_1053 masked %parallel_loop3A_1062 : memref<32768xf32, #tpu.memory_space<vmem>>[vector<16xi32>], vector<16xf32>, vector<16xi1>
        %parallel_loop3A_1064 = arith.constant 1 : i32
        %parallel_loop3A_1065 = arith.constant 0 : i32
        %parallel_loop3A_1066 = vector.broadcast %parallel_loop3A_1064 : i32 to vector<16xi32>
        %parallel_loop3A_1067 = vector.broadcast %parallel_loop3A_1065 : i32 to vector<16xi32>
        %parallel_loop3A_1068 = arith.select %parallel_loop3A_1062, %parallel_loop3A_1066, %parallel_loop3A_1067 : vector<16xi1>, vector<16xi32>
        %parallel_loop3A_1069 = arith.addi %parallel_loop3A_1007, %parallel_loop3A_1068 : vector<16xi32>
        %parallel_loop3A_1070 = arith.constant 4 : i32
        %parallel_loop3A_1071 = arith.muli %parallel_loop3A_1005, %parallel_loop3A_1070 : i32
        %parallel_loop3A_1072 = arith.constant 2 : i32
        %parallel_loop3A_1073 = arith.addi %parallel_loop3A_1071, %parallel_loop3A_1072 : i32
        %parallel_loop3A_1074 = arith.constant 16 : i32
        %parallel_loop3A_1075 = arith.muli %parallel_loop3A_1073, %parallel_loop3A_1074 : i32
        %parallel_loop3A_1076 = arith.index_cast %parallel_loop3A_1075 : i32 to index
        %parallel_loop3A_1077 = tpu.vector_load %arg5[%parallel_loop3A_1076] {strides = array<i32>} : memref<32768xf32, #tpu.memory_space<vmem>>, vector<16xf32>,
        %parallel_loop3A_1078 = arith.constant 0.000000e+00 : f32
        %parallel_loop3A_1079 = arith.constant 1.000000e+00 : f32
        %parallel_loop3A_1080 = vector.broadcast %parallel_loop3A_1078 : f32 to vector<16xf32>
        %parallel_loop3A_1081 = arith.maximumf %parallel_loop3A_1080, %parallel_loop3A_1077 : vector<16xf32>
        %parallel_loop3A_1082 = vector.broadcast %parallel_loop3A_1079 : f32 to vector<16xf32>
        %parallel_loop3A_1083 = arith.minimumf %parallel_loop3A_1082, %parallel_loop3A_1081 : vector<16xf32>
        %parallel_loop3A_1084 = arith.constant 1.000000e+00 : f32
        %parallel_loop3A_1085 = vector.broadcast %parallel_loop3A_1084 : f32 to vector<16xf32>
        %parallel_loop3A_1086 = arith.subf %parallel_loop3A_1085, %parallel_loop3A_1083 : vector<16xf32>
        %parallel_loop3A_1087 = vector.bitcast %parallel_loop3A_1086 : vector<16xf32> to vector<16xi32>
        %parallel_loop3A_1088 = arith.constant 23 : i32
        %parallel_loop3A_1089 = vector.broadcast %parallel_loop3A_1088 : i32 to vector<16xi32>
        %parallel_loop3A_1090 = arith.shrsi %parallel_loop3A_1087, %parallel_loop3A_1089 : vector<16xi32>
        %parallel_loop3A_1091 = vector.broadcast %add3A_916 : i32 to vector<16xi32>
        %parallel_loop3A_1092 = arith.cmpi eq, %parallel_loop3A_1090, %parallel_loop3A_1091 : vector<16xi32>
        %parallel_loop3A_1093 = arith.addi %mul3A_955, %parallel_loop3A_1008 : vector<16xi32>
        tpu.vector_store_idx %arg6[%parallel_loop3A_1093], %parallel_loop3A_1083 masked %parallel_loop3A_1092 : memref<32768xf32, #tpu.memory_space<vmem>>[vector<16xi32>], vector<16xf32>, vector<16xi1>
        %parallel_loop3A_1094 = arith.constant 1 : i32
        %parallel_loop3A_1095 = arith.constant 0 : i32
        %parallel_loop3A_1096 = vector.broadcast %parallel_loop3A_1094 : i32 to vector<16xi32>
        %parallel_loop3A_1097 = vector.broadcast %parallel_loop3A_1095 : i32 to vector<16xi32>
        %parallel_loop3A_1098 = arith.select %parallel_loop3A_1092, %parallel_loop3A_1096, %parallel_loop3A_1097 : vector<16xi1>, vector<16xi32>
        %parallel_loop3A_1099 = arith.addi %parallel_loop3A_1008, %parallel_loop3A_1098 : vector<16xi32>
        %parallel_loop3A_1100 = arith.constant 4 : i32
        %parallel_loop3A_1101 = arith.muli %parallel_loop3A_1005, %parallel_loop3A_1100 : i32
        %parallel_loop3A_1102 = arith.constant 3 : i32
        %parallel_loop3A_1103 = arith.addi %parallel_loop3A_1101, %parallel_loop3A_1102 : i32
        %parallel_loop3A_1104 = arith.constant 16 : i32
        %parallel_loop3A_1105 = arith.muli %parallel_loop3A_1103, %parallel_loop3A_1104 : i32
        %parallel_loop3A_1106 = arith.index_cast %parallel_loop3A_1105 : i32 to index
        %parallel_loop3A_1107 = tpu.vector_load %arg5[%parallel_loop3A_1106] {strides = array<i32>} : memref<32768xf32, #tpu.memory_space<vmem>>, vector<16xf32>,
        %parallel_loop3A_1108 = arith.constant 0.000000e+00 : f32
        %parallel_loop3A_1109 = arith.constant 1.000000e+00 : f32
        %parallel_loop3A_1110 = vector.broadcast %parallel_loop3A_1108 : f32 to vector<16xf32>
        %parallel_loop3A_1111 = arith.maximumf %parallel_loop3A_1110, %parallel_loop3A_1107 : vector<16xf32>
        %parallel_loop3A_1112 = vector.broadcast %parallel_loop3A_1109 : f32 to vector<16xf32>
        %parallel_loop3A_1113 = arith.minimumf %parallel_loop3A_1112, %parallel_loop3A_1111 : vector<16xf32>
        %parallel_loop3A_1114 = arith.constant 1.000000e+00 : f32
        %parallel_loop3A_1115 = vector.broadcast %parallel_loop3A_1114 : f32 to vector<16xf32>
        %parallel_loop3A_1116 = arith.subf %parallel_loop3A_1115, %parallel_loop3A_1113 : vector<16xf32>
        %parallel_loop3A_1117 = vector.bitcast %parallel_loop3A_1116 : vector<16xf32> to vector<16xi32>
        %parallel_loop3A_1118 = arith.constant 23 : i32
        %parallel_loop3A_1119 = vector.broadcast %parallel_loop3A_1118 : i32 to vector<16xi32>
        %parallel_loop3A_1120 = arith.shrsi %parallel_loop3A_1117, %parallel_loop3A_1119 : vector<16xi32>
        %parallel_loop3A_1121 = vector.broadcast %add3A_916 : i32 to vector<16xi32>
        %parallel_loop3A_1122 = arith.cmpi eq, %parallel_loop3A_1120, %parallel_loop3A_1121 : vector<16xi32>
        %parallel_loop3A_1123 = arith.addi %mul3A_964, %parallel_loop3A_1009 : vector<16xi32>
        tpu.vector_store_idx %arg6[%parallel_loop3A_1123], %parallel_loop3A_1113 masked %parallel_loop3A_1122 : memref<32768xf32, #tpu.memory_space<vmem>>[vector<16xi32>], vector<16xf32>, vector<16xi1>
        %parallel_loop3A_1124 = arith.constant 1 : i32
        %parallel_loop3A_1125 = arith.constant 0 : i32
        %parallel_loop3A_1126 = vector.broadcast %parallel_loop3A_1124 : i32 to vector<16xi32>
        %parallel_loop3A_1127 = vector.broadcast %parallel_loop3A_1125 : i32 to vector<16xi32>
        %parallel_loop3A_1128 = arith.select %parallel_loop3A_1122, %parallel_loop3A_1126, %parallel_loop3A_1127 : vector<16xi1>, vector<16xi32>
        %parallel_loop3A_1129 = arith.addi %parallel_loop3A_1009, %parallel_loop3A_1128 : vector<16xi32>
        scf.yield %parallel_loop3A_1039, %parallel_loop3A_1069, %parallel_loop3A_1099, %parallel_loop3A_1129 : vector<16xi32>, vector<16xi32>, vector<16xi32>, vector<16xi32>
      } {sc.loop_unroll_factor = 2 : i64, sc.parallel_access}
      %max3A_969 = arith.maxsi %parallel_loop3A_968#0, %parallel_loop3A_968#1 : vector<16xi32>
      %max3A_970 = arith.maxsi %parallel_loop3A_968#2, %parallel_loop3A_968#3 : vector<16xi32>
      %max3A_971 = arith.maxsi %max3A_969, %max3A_970 : vector<16xi32>
      %reduce_max3A_972 = arith.constant true
      %reduce_max3A_973 = vector.broadcast %reduce_max3A_972 : i1 to vector<16xi1>
      %reduce_max3A_974 = arith.constant -2147483648 : i32
      %reduce_max3A_975 = vector.broadcast %reduce_max3A_974 : i32 to vector<16xi32>
      %reduce_max3A_976 = arith.xori %max3A_971, %reduce_max3A_975 : vector<16xi32>
      %reduce_max3A_977 = tpu.scan <max>, %reduce_max3A_976 masked %reduce_max3A_973 : vector<16xi32>, vector<16xi1> -> vector<16xi32>
      %reduce_max3A_978 = arith.xori %reduce_max3A_977, %reduce_max3A_975 : vector<16xi32>
      %reduce_max3A_979 = vector.extract %reduce_max3A_978[15] : i32 from vector<16xi32>
      %add3A_980 = arith.addi %parallel_loop3A_968#0, %parallel_loop3A_968#1 : vector<16xi32>
      %add3A_981 = arith.addi %add3A_980, %parallel_loop3A_968#2 : vector<16xi32>
      %add3A_982 = arith.addi %add3A_981, %parallel_loop3A_968#3 : vector<16xi32>
      %reduce_sum3A_983 = arith.constant true
      %reduce_sum3A_984 = vector.broadcast %reduce_sum3A_983 : i1 to vector<16xi1>
      %reduce_sum3A_985 = tpu.scan <sum>, %add3A_982 masked %reduce_sum3A_984 : vector<16xi32>, vector<16xi1> -> vector<16xi32>
      %reduce_sum3A_986 = vector.extract %reduce_sum3A_985[15] : i32 from vector<16xi32>
      %add3A_987 = arith.addi %max3A_928, %reduce_sum3A_986 : i32
      %while3A = arith.constant 0 : i32
      %while3A_988 = arith.constant 1065353217 : i32
      %while3A_989 = arith.constant 0 : i32
      %while3A_990:4 = scf.while (%while3A_1005 = %while3A, %while3A_1006 = %while3A_988, %while3A_1007 = %add3A_987, %while3A_1008 = %while3A_989) : (i32, i32, i32, i32) -> (i32, i32, i32, i32) {
        %sub3A_1009 = arith.subi %while3A_1006, %while3A_1005 : i32
        %gt3A_1010 = arith.constant 1 : i32
        %gt3A_1011 = arith.cmpi sgt, %sub3A_1009, %gt3A_1010 : i32
        scf.condition(%gt3A_1011) %while3A_1005, %while3A_1006, %while3A_1007, %while3A_1008 : i32, i32, i32, i32
      } do {
      ^bb0(%while3A_1005: i32, %while3A_1006: i32, %while3A_1007: i32, %while3A_1008: i32):
        %add3A_1009 = arith.addi %while3A_1005, %while3A_1006 : i32
        %shift_right_arithmetic3A = arith.constant 1 : i32
        %shift_right_arithmetic3A_1010 = arith.shrsi %add3A_1009, %shift_right_arithmetic3A : i32
        %while3A_1011 = arith.constant 0 : i32
        %while3A_1012 = arith.subi %reduce_max3A_979, %while3A_1011 : i32
        %while3A_1013 = arith.addi %while3A_1011, %while3A_1012 : i32
        %while3A_1014 = arith.constant 1 : i32
        %while3A_1015 = arith.divsi %while3A_1012, %while3A_1014 : i32
        %while3A_1016 = arith.muli %while3A_1015, %while3A_1014 : i32
        %while3A_1017 = arith.addi %while3A_1011, %while3A_1016 : i32
        %while3A_1018 = arith.constant 1 : i32
        %while3A_1019 = scf.for %while3A_1032 = %while3A_1011 to %while3A_1017 step %while3A_1018 iter_args(%while3A_1033 = %broadcast_in_dim3A_15) -> (vector<16xi32>)  : i32 {
          %add3A_1034 = vector.broadcast %while3A_1032 : i32 to vector<16xi32>
          %add3A_1035 = arith.addi %mul3A_937, %add3A_1034 : vector<16xi32>
          %gather3A_1036 = tpu.vector_load_idx %arg6[%add3A_1035] : memref<32768xf32, #tpu.memory_space<vmem>>[vector<16xi32>], vector<16xf32>,
          %bitcast3A = vector.bitcast %gather3A_1036 : vector<16xf32> to vector<16xi32>
          %lt3A_1037 = vector.broadcast %while3A_1032 : i32 to vector<16xi32>
          %lt3A_1038 = arith.cmpi slt, %lt3A_1037, %parallel_loop3A_968#0 : vector<16xi32>
          %ge3A_1039 = vector.broadcast %shift_right_arithmetic3A_1010 : i32 to vector<16xi32>
          %ge3A_1040 = arith.cmpi sge, %bitcast3A, %ge3A_1039 : vector<16xi32>
          %and3A_1041 = arith.andi %lt3A_1038, %ge3A_1040 : vector<16xi1>
          %jit3A_1042 = arith.constant 1 : i32
          %jit3A_1043 = arith.constant 0 : i32
          %broadcast_in_dim3A_1044 = vector.broadcast %jit3A_1042 : i32 to vector<16xi32>
          %broadcast_in_dim3A_1045 = vector.broadcast %jit3A_1043 : i32 to vector<16xi32>
          %select_n3A_1046 = arith.select %and3A_1041, %broadcast_in_dim3A_1044, %broadcast_in_dim3A_1045 : vector<16xi1>, vector<16xi32>
          %add3A_1047 = arith.addi %while3A_1033, %select_n3A_1046 : vector<16xi32>
          %add3A_1048 = vector.broadcast %while3A_1032 : i32 to vector<16xi32>
          %add3A_1049 = arith.addi %mul3A_946, %add3A_1048 : vector<16xi32>
          %gather3A_1050 = tpu.vector_load_idx %arg6[%add3A_1049] : memref<32768xf32, #tpu.memory_space<vmem>>[vector<16xi32>], vector<16xf32>,
          %bitcast3A_1051 = vector.bitcast %gather3A_1050 : vector<16xf32> to vector<16xi32>
          %lt3A_1052 = vector.broadcast %while3A_1032 : i32 to vector<16xi32>
          %lt3A_1053 = arith.cmpi slt, %lt3A_1052, %parallel_loop3A_968#1 : vector<16xi32>
          %ge3A_1054 = vector.broadcast %shift_right_arithmetic3A_1010 : i32 to vector<16xi32>
          %ge3A_1055 = arith.cmpi sge, %bitcast3A_1051, %ge3A_1054 : vector<16xi32>
          %and3A_1056 = arith.andi %lt3A_1053, %ge3A_1055 : vector<16xi1>
          %jit3A_1057 = arith.constant 1 : i32
          %jit3A_1058 = arith.constant 0 : i32
          %broadcast_in_dim3A_1059 = vector.broadcast %jit3A_1057 : i32 to vector<16xi32>
          %broadcast_in_dim3A_1060 = vector.broadcast %jit3A_1058 : i32 to vector<16xi32>
          %select_n3A_1061 = arith.select %and3A_1056, %broadcast_in_dim3A_1059, %broadcast_in_dim3A_1060 : vector<16xi1>, vector<16xi32>
          %add3A_1062 = arith.addi %add3A_1047, %select_n3A_1061 : vector<16xi32>
          %add3A_1063 = vector.broadcast %while3A_1032 : i32 to vector<16xi32>
          %add3A_1064 = arith.addi %mul3A_955, %add3A_1063 : vector<16xi32>
          %gather3A_1065 = tpu.vector_load_idx %arg6[%add3A_1064] : memref<32768xf32, #tpu.memory_space<vmem>>[vector<16xi32>], vector<16xf32>,
          %bitcast3A_1066 = vector.bitcast %gather3A_1065 : vector<16xf32> to vector<16xi32>
          %lt3A_1067 = vector.broadcast %while3A_1032 : i32 to vector<16xi32>
          %lt3A_1068 = arith.cmpi slt, %lt3A_1067, %parallel_loop3A_968#2 : vector<16xi32>
          %ge3A_1069 = vector.broadcast %shift_right_arithmetic3A_1010 : i32 to vector<16xi32>
          %ge3A_1070 = arith.cmpi sge, %bitcast3A_1066, %ge3A_1069 : vector<16xi32>
          %and3A_1071 = arith.andi %lt3A_1068, %ge3A_1070 : vector<16xi1>
          %jit3A_1072 = arith.constant 1 : i32
          %jit3A_1073 = arith.constant 0 : i32
          %broadcast_in_dim3A_1074 = vector.broadcast %jit3A_1072 : i32 to vector<16xi32>
          %broadcast_in_dim3A_1075 = vector.broadcast %jit3A_1073 : i32 to vector<16xi32>
          %select_n3A_1076 = arith.select %and3A_1071, %broadcast_in_dim3A_1074, %broadcast_in_dim3A_1075 : vector<16xi1>, vector<16xi32>
          %add3A_1077 = arith.addi %add3A_1062, %select_n3A_1076 : vector<16xi32>
          %add3A_1078 = vector.broadcast %while3A_1032 : i32 to vector<16xi32>
          %add3A_1079 = arith.addi %mul3A_964, %add3A_1078 : vector<16xi32>
          %gather3A_1080 = tpu.vector_load_idx %arg6[%add3A_1079] : memref<32768xf32, #tpu.memory_space<vmem>>[vector<16xi32>], vector<16xf32>,
          %bitcast3A_1081 = vector.bitcast %gather3A_1080 : vector<16xf32> to vector<16xi32>
          %lt3A_1082 = vector.broadcast %while3A_1032 : i32 to vector<16xi32>
          %lt3A_1083 = arith.cmpi slt, %lt3A_1082, %parallel_loop3A_968#3 : vector<16xi32>
          %ge3A_1084 = vector.broadcast %shift_right_arithmetic3A_1010 : i32 to vector<16xi32>
          %ge3A_1085 = arith.cmpi sge, %bitcast3A_1081, %ge3A_1084 : vector<16xi32>
          %and3A_1086 = arith.andi %lt3A_1083, %ge3A_1085 : vector<16xi1>
          %jit3A_1087 = arith.constant 1 : i32
          %jit3A_1088 = arith.constant 0 : i32
          %broadcast_in_dim3A_1089 = vector.broadcast %jit3A_1087 : i32 to vector<16xi32>
          %broadcast_in_dim3A_1090 = vector.broadcast %jit3A_1088 : i32 to vector<16xi32>
          %select_n3A_1091 = arith.select %and3A_1086, %broadcast_in_dim3A_1089, %broadcast_in_dim3A_1090 : vector<16xi1>, vector<16xi32>
          %add3A_1092 = arith.addi %add3A_1077, %select_n3A_1091 : vector<16xi32>
          scf.yield %add3A_1092 : vector<16xi32>
        }
        %while3A_1020 = arith.constant 1 : i32
        %while3A_1021 = scf.for %while3A_1032 = %while3A_1017 to %while3A_1013 step %while3A_1020 iter_args(%while3A_1033 = %while3A_1019) -> (vector<16xi32>)  : i32 {
          %add3A_1034 = vector.broadcast %while3A_1032 : i32 to vector<16xi32>
          %add3A_1035 = arith.addi %mul3A_937, %add3A_1034 : vector<16xi32>
          %gather3A_1036 = tpu.vector_load_idx %arg6[%add3A_1035] : memref<32768xf32, #tpu.memory_space<vmem>>[vector<16xi32>], vector<16xf32>,
          %bitcast3A = vector.bitcast %gather3A_1036 : vector<16xf32> to vector<16xi32>
          %lt3A_1037 = vector.broadcast %while3A_1032 : i32 to vector<16xi32>
          %lt3A_1038 = arith.cmpi slt, %lt3A_1037, %parallel_loop3A_968#0 : vector<16xi32>
          %ge3A_1039 = vector.broadcast %shift_right_arithmetic3A_1010 : i32 to vector<16xi32>
          %ge3A_1040 = arith.cmpi sge, %bitcast3A, %ge3A_1039 : vector<16xi32>
          %and3A_1041 = arith.andi %lt3A_1038, %ge3A_1040 : vector<16xi1>
          %jit3A_1042 = arith.constant 1 : i32
          %jit3A_1043 = arith.constant 0 : i32
          %broadcast_in_dim3A_1044 = vector.broadcast %jit3A_1042 : i32 to vector<16xi32>
          %broadcast_in_dim3A_1045 = vector.broadcast %jit3A_1043 : i32 to vector<16xi32>
          %select_n3A_1046 = arith.select %and3A_1041, %broadcast_in_dim3A_1044, %broadcast_in_dim3A_1045 : vector<16xi1>, vector<16xi32>
          %add3A_1047 = arith.addi %while3A_1033, %select_n3A_1046 : vector<16xi32>
          %add3A_1048 = vector.broadcast %while3A_1032 : i32 to vector<16xi32>
          %add3A_1049 = arith.addi %mul3A_946, %add3A_1048 : vector<16xi32>
          %gather3A_1050 = tpu.vector_load_idx %arg6[%add3A_1049] : memref<32768xf32, #tpu.memory_space<vmem>>[vector<16xi32>], vector<16xf32>,
          %bitcast3A_1051 = vector.bitcast %gather3A_1050 : vector<16xf32> to vector<16xi32>
          %lt3A_1052 = vector.broadcast %while3A_1032 : i32 to vector<16xi32>
          %lt3A_1053 = arith.cmpi slt, %lt3A_1052, %parallel_loop3A_968#1 : vector<16xi32>
          %ge3A_1054 = vector.broadcast %shift_right_arithmetic3A_1010 : i32 to vector<16xi32>
          %ge3A_1055 = arith.cmpi sge, %bitcast3A_1051, %ge3A_1054 : vector<16xi32>
          %and3A_1056 = arith.andi %lt3A_1053, %ge3A_1055 : vector<16xi1>
          %jit3A_1057 = arith.constant 1 : i32
          %jit3A_1058 = arith.constant 0 : i32
          %broadcast_in_dim3A_1059 = vector.broadcast %jit3A_1057 : i32 to vector<16xi32>
          %broadcast_in_dim3A_1060 = vector.broadcast %jit3A_1058 : i32 to vector<16xi32>
          %select_n3A_1061 = arith.select %and3A_1056, %broadcast_in_dim3A_1059, %broadcast_in_dim3A_1060 : vector<16xi1>, vector<16xi32>
          %add3A_1062 = arith.addi %add3A_1047, %select_n3A_1061 : vector<16xi32>
          %add3A_1063 = vector.broadcast %while3A_1032 : i32 to vector<16xi32>
          %add3A_1064 = arith.addi %mul3A_955, %add3A_1063 : vector<16xi32>
          %gather3A_1065 = tpu.vector_load_idx %arg6[%add3A_1064] : memref<32768xf32, #tpu.memory_space<vmem>>[vector<16xi32>], vector<16xf32>,
          %bitcast3A_1066 = vector.bitcast %gather3A_1065 : vector<16xf32> to vector<16xi32>
          %lt3A_1067 = vector.broadcast %while3A_1032 : i32 to vector<16xi32>
          %lt3A_1068 = arith.cmpi slt, %lt3A_1067, %parallel_loop3A_968#2 : vector<16xi32>
          %ge3A_1069 = vector.broadcast %shift_right_arithmetic3A_1010 : i32 to vector<16xi32>
          %ge3A_1070 = arith.cmpi sge, %bitcast3A_1066, %ge3A_1069 : vector<16xi32>
          %and3A_1071 = arith.andi %lt3A_1068, %ge3A_1070 : vector<16xi1>
          %jit3A_1072 = arith.constant 1 : i32
          %jit3A_1073 = arith.constant 0 : i32
          %broadcast_in_dim3A_1074 = vector.broadcast %jit3A_1072 : i32 to vector<16xi32>
          %broadcast_in_dim3A_1075 = vector.broadcast %jit3A_1073 : i32 to vector<16xi32>
          %select_n3A_1076 = arith.select %and3A_1071, %broadcast_in_dim3A_1074, %broadcast_in_dim3A_1075 : vector<16xi1>, vector<16xi32>
          %add3A_1077 = arith.addi %add3A_1062, %select_n3A_1076 : vector<16xi32>
          %add3A_1078 = vector.broadcast %while3A_1032 : i32 to vector<16xi32>
          %add3A_1079 = arith.addi %mul3A_964, %add3A_1078 : vector<16xi32>
          %gather3A_1080 = tpu.vector_load_idx %arg6[%add3A_1079] : memref<32768xf32, #tpu.memory_space<vmem>>[vector<16xi32>], vector<16xf32>,
          %bitcast3A_1081 = vector.bitcast %gather3A_1080 : vector<16xf32> to vector<16xi32>
          %lt3A_1082 = vector.broadcast %while3A_1032 : i32 to vector<16xi32>
          %lt3A_1083 = arith.cmpi slt, %lt3A_1082, %parallel_loop3A_968#3 : vector<16xi32>
          %ge3A_1084 = vector.broadcast %shift_right_arithmetic3A_1010 : i32 to vector<16xi32>
          %ge3A_1085 = arith.cmpi sge, %bitcast3A_1081, %ge3A_1084 : vector<16xi32>
          %and3A_1086 = arith.andi %lt3A_1083, %ge3A_1085 : vector<16xi1>
          %jit3A_1087 = arith.constant 1 : i32
          %jit3A_1088 = arith.constant 0 : i32
          %broadcast_in_dim3A_1089 = vector.broadcast %jit3A_1087 : i32 to vector<16xi32>
          %broadcast_in_dim3A_1090 = vector.broadcast %jit3A_1088 : i32 to vector<16xi32>
          %select_n3A_1091 = arith.select %and3A_1086, %broadcast_in_dim3A_1089, %broadcast_in_dim3A_1090 : vector<16xi1>, vector<16xi32>
          %add3A_1092 = arith.addi %add3A_1077, %select_n3A_1091 : vector<16xi32>
          scf.yield %add3A_1092 : vector<16xi32>
        }
        %reduce_sum3A_1022 = arith.constant true
        %reduce_sum3A_1023 = vector.broadcast %reduce_sum3A_1022 : i1 to vector<16xi1>
        %reduce_sum3A_1024 = tpu.scan <sum>, %while3A_1021 masked %reduce_sum3A_1023 : vector<16xi32>, vector<16xi1> -> vector<16xi32>
        %reduce_sum3A_1025 = vector.extract %reduce_sum3A_1024[15] : i32 from vector<16xi32>
        %add3A_1026 = arith.addi %reduce_sum3A_1025, %max3A_928 : i32
        %ge3A = arith.constant 128 : i32
        %ge3A_1027 = arith.cmpi sge, %add3A_1026, %ge3A : i32
        %select_n3A_1028 = arith.select %ge3A_1027, %shift_right_arithmetic3A_1010, %while3A_1005 : i32
        %select_n3A_1029 = arith.select %ge3A_1027, %while3A_1006, %shift_right_arithmetic3A_1010 : i32
        %select_n3A_1030 = arith.select %ge3A_1027, %add3A_1026, %while3A_1007 : i32
        %select_n3A_1031 = arith.select %ge3A_1027, %while3A_1008, %add3A_1026 : i32
        scf.yield %select_n3A_1028, %select_n3A_1029, %select_n3A_1030, %select_n3A_1031 : i32, i32, i32, i32
      }
      %sub3A = arith.constant 128 : i32
      %sub3A_991 = arith.subi %sub3A, %while3A_990#3 : i32
      %gt3A = arith.cmpf ogt, %reduce_sum3A_39, %mul3A_6 : f32
      %eq3A = arith.constant 128 : i32
      %eq3A_992 = arith.cmpi eq, %while3A_990#2, %eq3A : i32
      %and3A = arith.andi %gt3A, %eq3A_992 : i1
      %convert_element_type3A_993 = arith.extui %and3A : i1 to i32
      %cond3A_994 = arith.constant 0 : i32
      %cond3A_995 = arith.cmpi ne, %convert_element_type3A_993, %cond3A_994 : i32
      scf.if %cond3A_995 {
        %parallel_loop3A_1005 = arith.constant 0 : i32
        %parallel_loop3A_1006 = arith.constant 512 : i32
        %parallel_loop3A_1007 = arith.constant 1 : i32
        scf.for %parallel_loop3A_1008 = %parallel_loop3A_1005 to %parallel_loop3A_1006 step %parallel_loop3A_1007  : i32 {
          %parallel_loop3A_1009 = arith.constant 4 : i32
          %parallel_loop3A_1010 = arith.muli %parallel_loop3A_1008, %parallel_loop3A_1009 : i32
          %parallel_loop3A_1011 = arith.constant 0 : i32
          %parallel_loop3A_1012 = arith.addi %parallel_loop3A_1010, %parallel_loop3A_1011 : i32
          %parallel_loop3A_1013 = arith.constant 16 : i32
          %parallel_loop3A_1014 = arith.muli %parallel_loop3A_1012, %parallel_loop3A_1013 : i32
          %parallel_loop3A_1015 = arith.index_cast %parallel_loop3A_1014 : i32 to index
          %parallel_loop3A_1016 = tpu.vector_load %arg5[%parallel_loop3A_1015] {strides = array<i32>} : memref<32768xf32, #tpu.memory_space<vmem>>, vector<16xf32>,
          %parallel_loop3A_1017 = arith.constant 0.000000e+00 : f32
          %parallel_loop3A_1018 = arith.constant 1.000000e+00 : f32
          %parallel_loop3A_1019 = vector.broadcast %parallel_loop3A_1017 : f32 to vector<16xf32>
          %parallel_loop3A_1020 = arith.maximumf %parallel_loop3A_1019, %parallel_loop3A_1016 : vector<16xf32>
          %parallel_loop3A_1021 = vector.broadcast %parallel_loop3A_1018 : f32 to vector<16xf32>
          %parallel_loop3A_1022 = arith.minimumf %parallel_loop3A_1021, %parallel_loop3A_1020 : vector<16xf32>
          %parallel_loop3A_1023 = vector.bitcast %parallel_loop3A_1022 : vector<16xf32> to vector<16xi32>
          %parallel_loop3A_1024 = vector.broadcast %while3A_990#0 : i32 to vector<16xi32>
          %parallel_loop3A_1025 = arith.cmpi sge, %parallel_loop3A_1023, %parallel_loop3A_1024 : vector<16xi32>
          %parallel_loop3A_1026 = arith.constant 0.000000e+00 : f32
          %parallel_loop3A_1027 = vector.broadcast %parallel_loop3A_1026 : f32 to vector<16xf32>
          %parallel_loop3A_1028 = arith.select %parallel_loop3A_1025, %parallel_loop3A_1022, %parallel_loop3A_1027 : vector<16xi1>, vector<16xf32>
          %parallel_loop3A_1029 = arith.index_cast %parallel_loop3A_1014 : i32 to index
          %parallel_loop3A_1030 = tpu.vector_load %arg6[%parallel_loop3A_1029] {strides = array<i32>} : memref<32768xf32, #tpu.memory_space<vmem>>, vector<16xf32>,
          tpu.vector_store %arg6[%parallel_loop3A_1029], %parallel_loop3A_1028 {strides = array<i32>} : memref<32768xf32, #tpu.memory_space<vmem>>, vector<16xf32>,
          %parallel_loop3A_1031 = arith.constant 4 : i32
          %parallel_loop3A_1032 = arith.muli %parallel_loop3A_1008, %parallel_loop3A_1031 : i32
          %parallel_loop3A_1033 = arith.constant 1 : i32
          %parallel_loop3A_1034 = arith.addi %parallel_loop3A_1032, %parallel_loop3A_1033 : i32
          %parallel_loop3A_1035 = arith.constant 16 : i32
          %parallel_loop3A_1036 = arith.muli %parallel_loop3A_1034, %parallel_loop3A_1035 : i32
          %parallel_loop3A_1037 = arith.index_cast %parallel_loop3A_1036 : i32 to index
          %parallel_loop3A_1038 = tpu.vector_load %arg5[%parallel_loop3A_1037] {strides = array<i32>} : memref<32768xf32, #tpu.memory_space<vmem>>, vector<16xf32>,
          %parallel_loop3A_1039 = arith.constant 0.000000e+00 : f32
          %parallel_loop3A_1040 = arith.constant 1.000000e+00 : f32
          %parallel_loop3A_1041 = vector.broadcast %parallel_loop3A_1039 : f32 to vector<16xf32>
          %parallel_loop3A_1042 = arith.maximumf %parallel_loop3A_1041, %parallel_loop3A_1038 : vector<16xf32>
          %parallel_loop3A_1043 = vector.broadcast %parallel_loop3A_1040 : f32 to vector<16xf32>
          %parallel_loop3A_1044 = arith.minimumf %parallel_loop3A_1043, %parallel_loop3A_1042 : vector<16xf32>
          %parallel_loop3A_1045 = vector.bitcast %parallel_loop3A_1044 : vector<16xf32> to vector<16xi32>
          %parallel_loop3A_1046 = vector.broadcast %while3A_990#0 : i32 to vector<16xi32>
          %parallel_loop3A_1047 = arith.cmpi sge, %parallel_loop3A_1045, %parallel_loop3A_1046 : vector<16xi32>
          %parallel_loop3A_1048 = arith.constant 0.000000e+00 : f32
          %parallel_loop3A_1049 = vector.broadcast %parallel_loop3A_1048 : f32 to vector<16xf32>
          %parallel_loop3A_1050 = arith.select %parallel_loop3A_1047, %parallel_loop3A_1044, %parallel_loop3A_1049 : vector<16xi1>, vector<16xf32>
          %parallel_loop3A_1051 = arith.index_cast %parallel_loop3A_1036 : i32 to index
          %parallel_loop3A_1052 = tpu.vector_load %arg6[%parallel_loop3A_1051] {strides = array<i32>} : memref<32768xf32, #tpu.memory_space<vmem>>, vector<16xf32>,
          tpu.vector_store %arg6[%parallel_loop3A_1051], %parallel_loop3A_1050 {strides = array<i32>} : memref<32768xf32, #tpu.memory_space<vmem>>, vector<16xf32>,
          %parallel_loop3A_1053 = arith.constant 4 : i32
          %parallel_loop3A_1054 = arith.muli %parallel_loop3A_1008, %parallel_loop3A_1053 : i32
          %parallel_loop3A_1055 = arith.constant 2 : i32
          %parallel_loop3A_1056 = arith.addi %parallel_loop3A_1054, %parallel_loop3A_1055 : i32
          %parallel_loop3A_1057 = arith.constant 16 : i32
          %parallel_loop3A_1058 = arith.muli %parallel_loop3A_1056, %parallel_loop3A_1057 : i32
          %parallel_loop3A_1059 = arith.index_cast %parallel_loop3A_1058 : i32 to index
          %parallel_loop3A_1060 = tpu.vector_load %arg5[%parallel_loop3A_1059] {strides = array<i32>} : memref<32768xf32, #tpu.memory_space<vmem>>, vector<16xf32>,
          %parallel_loop3A_1061 = arith.constant 0.000000e+00 : f32
          %parallel_loop3A_1062 = arith.constant 1.000000e+00 : f32
          %parallel_loop3A_1063 = vector.broadcast %parallel_loop3A_1061 : f32 to vector<16xf32>
          %parallel_loop3A_1064 = arith.maximumf %parallel_loop3A_1063, %parallel_loop3A_1060 : vector<16xf32>
          %parallel_loop3A_1065 = vector.broadcast %parallel_loop3A_1062 : f32 to vector<16xf32>
          %parallel_loop3A_1066 = arith.minimumf %parallel_loop3A_1065, %parallel_loop3A_1064 : vector<16xf32>
          %parallel_loop3A_1067 = vector.bitcast %parallel_loop3A_1066 : vector<16xf32> to vector<16xi32>
          %parallel_loop3A_1068 = vector.broadcast %while3A_990#0 : i32 to vector<16xi32>
          %parallel_loop3A_1069 = arith.cmpi sge, %parallel_loop3A_1067, %parallel_loop3A_1068 : vector<16xi32>
          %parallel_loop3A_1070 = arith.constant 0.000000e+00 : f32
          %parallel_loop3A_1071 = vector.broadcast %parallel_loop3A_1070 : f32 to vector<16xf32>
          %parallel_loop3A_1072 = arith.select %parallel_loop3A_1069, %parallel_loop3A_1066, %parallel_loop3A_1071 : vector<16xi1>, vector<16xf32>
          %parallel_loop3A_1073 = arith.index_cast %parallel_loop3A_1058 : i32 to index
          %parallel_loop3A_1074 = tpu.vector_load %arg6[%parallel_loop3A_1073] {strides = array<i32>} : memref<32768xf32, #tpu.memory_space<vmem>>, vector<16xf32>,
          tpu.vector_store %arg6[%parallel_loop3A_1073], %parallel_loop3A_1072 {strides = array<i32>} : memref<32768xf32, #tpu.memory_space<vmem>>, vector<16xf32>,
          %parallel_loop3A_1075 = arith.constant 4 : i32
          %parallel_loop3A_1076 = arith.muli %parallel_loop3A_1008, %parallel_loop3A_1075 : i32
          %parallel_loop3A_1077 = arith.constant 3 : i32
          %parallel_loop3A_1078 = arith.addi %parallel_loop3A_1076, %parallel_loop3A_1077 : i32
          %parallel_loop3A_1079 = arith.constant 16 : i32
          %parallel_loop3A_1080 = arith.muli %parallel_loop3A_1078, %parallel_loop3A_1079 : i32
          %parallel_loop3A_1081 = arith.index_cast %parallel_loop3A_1080 : i32 to index
          %parallel_loop3A_1082 = tpu.vector_load %arg5[%parallel_loop3A_1081] {strides = array<i32>} : memref<32768xf32, #tpu.memory_space<vmem>>, vector<16xf32>,
          %parallel_loop3A_1083 = arith.constant 0.000000e+00 : f32
          %parallel_loop3A_1084 = arith.constant 1.000000e+00 : f32
          %parallel_loop3A_1085 = vector.broadcast %parallel_loop3A_1083 : f32 to vector<16xf32>
          %parallel_loop3A_1086 = arith.maximumf %parallel_loop3A_1085, %parallel_loop3A_1082 : vector<16xf32>
          %parallel_loop3A_1087 = vector.broadcast %parallel_loop3A_1084 : f32 to vector<16xf32>
          %parallel_loop3A_1088 = arith.minimumf %parallel_loop3A_1087, %parallel_loop3A_1086 : vector<16xf32>
          %parallel_loop3A_1089 = vector.bitcast %parallel_loop3A_1088 : vector<16xf32> to vector<16xi32>
          %parallel_loop3A_1090 = vector.broadcast %while3A_990#0 : i32 to vector<16xi32>
          %parallel_loop3A_1091 = arith.cmpi sge, %parallel_loop3A_1089, %parallel_loop3A_1090 : vector<16xi32>
          %parallel_loop3A_1092 = arith.constant 0.000000e+00 : f32
          %parallel_loop3A_1093 = vector.broadcast %parallel_loop3A_1092 : f32 to vector<16xf32>
          %parallel_loop3A_1094 = arith.select %parallel_loop3A_1091, %parallel_loop3A_1088, %parallel_loop3A_1093 : vector<16xi1>, vector<16xf32>
          %parallel_loop3A_1095 = arith.index_cast %parallel_loop3A_1080 : i32 to index
          %parallel_loop3A_1096 = tpu.vector_load %arg6[%parallel_loop3A_1095] {strides = array<i32>} : memref<32768xf32, #tpu.memory_space<vmem>>, vector<16xf32>,
          tpu.vector_store %arg6[%parallel_loop3A_1095], %parallel_loop3A_1094 {strides = array<i32>} : memref<32768xf32, #tpu.memory_space<vmem>>, vector<16xf32>,
        } {sc.loop_unroll_factor = 2 : i64, sc.parallel_access}
      } else {
      }
      %ne3A = arith.constant 128 : i32
      %ne3A_996 = arith.cmpi ne, %while3A_990#2, %ne3A : i32
      %and3A_997 = arith.andi %gt3A, %ne3A_996 : i1
      %convert_element_type3A_998 = arith.extui %and3A_997 : i1 to i32
      %cond3A_999 = arith.constant 0 : i32
      %cond3A_1000 = arith.cmpi ne, %convert_element_type3A_998, %cond3A_999 : i32
      scf.if %cond3A_1000 {
        %scan3A = arith.constant 0 : i32
        %scan3A_1005 = arith.constant 2048 : i32
        %scan3A_1006 = arith.addi %scan3A, %scan3A_1005 : i32
        %scan3A_1007 = arith.constant 1 : i32
        %scan3A_1008 = scf.for %scan3A_1046 = %scan3A to %scan3A_1006 step %scan3A_1007 iter_args(%scan3A_1047 = %broadcast_in_dim3A_15) -> (vector<16xi32>)  : i32 {
          %mul3A_1048 = arith.constant 16 : i32
          %mul3A_1049 = arith.muli %scan3A_1046, %mul3A_1048 : i32
          %get3A_1050 = arith.index_cast %mul3A_1049 : i32 to index
          %get3A_1051 = tpu.vector_load %arg5[%get3A_1050] {strides = array<i32>} : memref<32768xf32, #tpu.memory_space<vmem>>, vector<16xf32>,
          %jit3A_1052 = arith.constant 0.000000e+00 : f32
          %jit3A_1053 = arith.constant 1.000000e+00 : f32
          %max3A_1054 = vector.broadcast %jit3A_1052 : f32 to vector<16xf32>
          %max3A_1055 = arith.maximumf %max3A_1054, %get3A_1051 : vector<16xf32>
          %min3A = vector.broadcast %jit3A_1053 : f32 to vector<16xf32>
          %min3A_1056 = arith.minimumf %min3A, %max3A_1055 : vector<16xf32>
          %bitcast3A_1057 = vector.bitcast %min3A_1056 : vector<16xf32> to vector<16xi32>
          %eq3A_1058 = vector.broadcast %while3A_990#0 : i32 to vector<16xi32>
          %eq3A_1059 = arith.cmpi eq, %bitcast3A_1057, %eq3A_1058 : vector<16xi32>
          %jit3A_1060 = arith.constant 1 : i32
          %jit3A_1061 = arith.constant 0 : i32
          %broadcast_in_dim3A_1062 = vector.broadcast %jit3A_1060 : i32 to vector<16xi32>
          %broadcast_in_dim3A_1063 = vector.broadcast %jit3A_1061 : i32 to vector<16xi32>
          %select_n3A_1064 = arith.select %eq3A_1059, %broadcast_in_dim3A_1062, %broadcast_in_dim3A_1063 : vector<16xi1>, vector<16xi32>
          %broadcast_in_dim3A_1065 = arith.constant true
          %broadcast_in_dim3A_1066 = vector.broadcast %broadcast_in_dim3A_1065 : i1 to vector<16xi1>
          %masked_cumsum3A_1067 = tpu.scan <sum>, %select_n3A_1064 masked %broadcast_in_dim3A_1066 : vector<16xi32>, vector<16xi1> -> vector<16xi32>
          %add3A_1068 = arith.addi %scan3A_1047, %masked_cumsum3A_1067 : vector<16xi32>
          %sub3A_1069 = arith.constant 1 : i32
          %sub3A_1070 = vector.broadcast %sub3A_1069 : i32 to vector<16xi32>
          %sub3A_1071 = arith.subi %add3A_1068, %sub3A_1070 : vector<16xi32>
          %mul3A_1072 = arith.constant 16 : i32
          %mul3A_1073 = arith.muli %scan3A_1046, %mul3A_1072 : i32
          %add3A_1074 = vector.broadcast %mul3A_1073 : i32 to vector<16xi32>
          %add3A_1075 = arith.addi %add3A_1074, %iota3A : vector<16xi32>
          %lt3A_1076 = arith.constant 128 : i32
          %lt3A_1077 = vector.broadcast %lt3A_1076 : i32 to vector<16xi32>
          %lt3A_1078 = arith.cmpi slt, %sub3A_1071, %lt3A_1077 : vector<16xi32>
          %and3A_1079 = arith.andi %eq3A_1059, %lt3A_1078 : vector<16xi1>
          tpu.vector_store_idx %arg7[%sub3A_1071], %add3A_1075 masked %and3A_1079 : memref<144xi32, #tpu.memory_space<vmem>>[vector<16xi32>], vector<16xi32>, vector<16xi1>
          %gt3A_1080 = vector.broadcast %while3A_990#0 : i32 to vector<16xi32>
          %gt3A_1081 = arith.cmpi sgt, %bitcast3A_1057, %gt3A_1080 : vector<16xi32>
          %jit3A_1082 = arith.constant 0.000000e+00 : f32
          %broadcast_in_dim3A_1083 = vector.broadcast %jit3A_1082 : f32 to vector<16xf32>
          %select_n3A_1084 = arith.select %gt3A_1081, %min3A_1056, %broadcast_in_dim3A_1083 : vector<16xi1>, vector<16xf32>
          %mul3A_1085 = arith.constant 16 : i32
          %mul3A_1086 = arith.muli %scan3A_1046, %mul3A_1085 : i32
          %swap3A = arith.index_cast %mul3A_1086 : i32 to index
          %swap3A_1087 = tpu.vector_load %arg6[%swap3A] {strides = array<i32>} : memref<32768xf32, #tpu.memory_space<vmem>>, vector<16xf32>,
          tpu.vector_store %arg6[%swap3A], %select_n3A_1084 {strides = array<i32>} : memref<32768xf32, #tpu.memory_space<vmem>>, vector<16xf32>,
          %all_reduce_population_count3A_1088 = tpu.all_reduce %eq3A_1059 {dim = 0 : i64, kind = #tpu.reduction_kind<sum>} : vector<16xi1> -> vector<16xi32>
          %add3A_1089 = arith.addi %scan3A_1047, %all_reduce_population_count3A_1088 : vector<16xi32>
          scf.yield %add3A_1089 : vector<16xi32>
        }
        %scan3A_1009 = arith.constant 2048 : i32
        %broadcast_in_dim3A_1010 = vector.broadcast %while3A_990#0 : i32 to vector<16xi32>
        %bitcast3A = vector.bitcast %broadcast_in_dim3A_1010 : vector<16xi32> to vector<16xf32>
        %add3A_1011 = arith.constant 16 : i32
        %add3A_1012 = arith.addi %sub3A_991, %add3A_1011 : i32
        %sub3A_1013 = arith.constant 1 : i32
        %sub3A_1014 = arith.subi %add3A_1012, %sub3A_1013 : i32
        %jit3A_1015 = arith.constant 16 : i32
        %div3A = arith.divsi %sub3A_1014, %jit3A_1015 : i32
        %sign3A = arith.constant 0 : i32
        %sign3A_1016 = arith.cmpi sgt, %sub3A_1014, %sign3A : i32
        %sign3A_1017 = arith.extui %sign3A_1016 : i1 to i32
        %sign3A_1018 = arith.constant 0 : i32
        %sign3A_1019 = arith.cmpi slt, %sub3A_1014, %sign3A_1018 : i32
        %sign3A_1020 = arith.extui %sign3A_1019 : i1 to i32
        %sign3A_1021 = arith.subi %sign3A_1017, %sign3A_1020 : i32
        %sign3A_1022 = arith.constant 0 : i32
        %sign3A_1023 = arith.cmpi sgt, %jit3A_1015, %sign3A_1022 : i32
        %sign3A_1024 = arith.extui %sign3A_1023 : i1 to i32
        %sign3A_1025 = arith.constant 0 : i32
        %sign3A_1026 = arith.cmpi slt, %jit3A_1015, %sign3A_1025 : i32
        %sign3A_1027 = arith.extui %sign3A_1026 : i1 to i32
        %sign3A_1028 = arith.subi %sign3A_1024, %sign3A_1027 : i32
        %ne3A_1029 = arith.cmpi ne, %sign3A_1021, %sign3A_1028 : i32
        %rem3A = arith.remsi %sub3A_1014, %jit3A_1015 : i32
        %ne3A_1030 = arith.constant 0 : i32
        %ne3A_1031 = arith.cmpi ne, %rem3A, %ne3A_1030 : i32
        %and3A_1032 = arith.andi %ne3A_1029, %ne3A_1031 : i1
        %sub3A_1033 = arith.constant 1 : i32
        %sub3A_1034 = arith.subi %div3A, %sub3A_1033 : i32
        %select_n3A_1035 = arith.select %and3A_1032, %sub3A_1034, %div3A : i32
        %while3A_1036 = arith.constant 0 : i32
        %while3A_1037 = arith.constant 0 : i32
        %while3A_1038 = arith.subi %select_n3A_1035, %while3A_1037 : i32
        %while3A_1039 = arith.addi %while3A_1037, %while3A_1038 : i32
        %while3A_1040 = arith.constant 1 : i32
        %while3A_1041 = arith.divsi %while3A_1038, %while3A_1040 : i32
        %while3A_1042 = arith.muli %while3A_1041, %while3A_1040 : i32
        %while3A_1043 = arith.addi %while3A_1037, %while3A_1042 : i32
        %while3A_1044 = arith.constant 1 : i32
        scf.for %while3A_1046 = %while3A_1037 to %while3A_1043 step %while3A_1044  : i32 {
          %mul3A_1047 = arith.constant 16 : i32
          %mul3A_1048 = arith.muli %while3A_1046, %mul3A_1047 : i32
          %get3A_1049 = arith.index_cast %mul3A_1048 : i32 to index
          %get3A_1050 = tpu.vector_load %arg7[%get3A_1049] {strides = array<i32>} : memref<144xi32, #tpu.memory_space<vmem>>, vector<16xi32>,
          %mul3A_1051 = arith.constant 16 : i32
          %mul3A_1052 = arith.muli %while3A_1046, %mul3A_1051 : i32
          %add3A_1053 = vector.broadcast %mul3A_1052 : i32 to vector<16xi32>
          %add3A_1054 = arith.addi %add3A_1053, %iota3A : vector<16xi32>
          %lt3A_1055 = vector.broadcast %sub3A_991 : i32 to vector<16xi32>
          %lt3A_1056 = arith.cmpi slt, %add3A_1054, %lt3A_1055 : vector<16xi32>
          tpu.vector_store_idx %arg6[%get3A_1050], %bitcast3A masked %lt3A_1056 : memref<32768xf32, #tpu.memory_space<vmem>>[vector<16xi32>], vector<16xf32>, vector<16xi1>
        }
        %while3A_1045 = arith.constant 1 : i32
        scf.for %while3A_1046 = %while3A_1043 to %while3A_1039 step %while3A_1045  : i32 {
          %mul3A_1047 = arith.constant 16 : i32
          %mul3A_1048 = arith.muli %while3A_1046, %mul3A_1047 : i32
          %get3A_1049 = arith.index_cast %mul3A_1048 : i32 to index
          %get3A_1050 = tpu.vector_load %arg7[%get3A_1049] {strides = array<i32>} : memref<144xi32, #tpu.memory_space<vmem>>, vector<16xi32>,
          %mul3A_1051 = arith.constant 16 : i32
          %mul3A_1052 = arith.muli %while3A_1046, %mul3A_1051 : i32
          %add3A_1053 = vector.broadcast %mul3A_1052 : i32 to vector<16xi32>
          %add3A_1054 = arith.addi %add3A_1053, %iota3A : vector<16xi32>
          %lt3A_1055 = vector.broadcast %sub3A_991 : i32 to vector<16xi32>
          %lt3A_1056 = arith.cmpi slt, %add3A_1054, %lt3A_1055 : vector<16xi32>
          tpu.vector_store_idx %arg6[%get3A_1050], %bitcast3A masked %lt3A_1056 : memref<32768xf32, #tpu.memory_space<vmem>>[vector<16xi32>], vector<16xf32>, vector<16xi1>
        }
      } else {
      }
      %not3A = arith.constant true
      %not3A_1001 = arith.xori %gt3A, %not3A : i1
      %convert_element_type3A_1002 = arith.extui %not3A_1001 : i1 to i32
      %cond3A_1003 = arith.constant 0 : i32
      %cond3A_1004 = arith.cmpi ne, %convert_element_type3A_1002, %cond3A_1003 : i32
      scf.if %cond3A_1004 {
        %parallel_loop3A_1005 = arith.constant 0 : i32
        %parallel_loop3A_1006 = arith.constant 512 : i32
        %parallel_loop3A_1007 = arith.constant 1 : i32
        scf.for %parallel_loop3A_1008 = %parallel_loop3A_1005 to %parallel_loop3A_1006 step %parallel_loop3A_1007  : i32 {
          %parallel_loop3A_1009 = arith.constant 4 : i32
          %parallel_loop3A_1010 = arith.muli %parallel_loop3A_1008, %parallel_loop3A_1009 : i32
          %parallel_loop3A_1011 = arith.constant 0 : i32
          %parallel_loop3A_1012 = arith.addi %parallel_loop3A_1010, %parallel_loop3A_1011 : i32
          %parallel_loop3A_1013 = arith.constant 16 : i32
          %parallel_loop3A_1014 = arith.muli %parallel_loop3A_1012, %parallel_loop3A_1013 : i32
          %parallel_loop3A_1015 = arith.index_cast %parallel_loop3A_1014 : i32 to index
          %parallel_loop3A_1016 = tpu.vector_load %arg5[%parallel_loop3A_1015] {strides = array<i32>} : memref<32768xf32, #tpu.memory_space<vmem>>, vector<16xf32>,
          %parallel_loop3A_1017 = arith.constant 0.000000e+00 : f32
          %parallel_loop3A_1018 = arith.constant 1.000000e+00 : f32
          %parallel_loop3A_1019 = vector.broadcast %parallel_loop3A_1017 : f32 to vector<16xf32>
          %parallel_loop3A_1020 = arith.maximumf %parallel_loop3A_1019, %parallel_loop3A_1016 : vector<16xf32>
          %parallel_loop3A_1021 = vector.broadcast %parallel_loop3A_1018 : f32 to vector<16xf32>
          %parallel_loop3A_1022 = arith.minimumf %parallel_loop3A_1021, %parallel_loop3A_1020 : vector<16xf32>
          %parallel_loop3A_1023 = arith.index_cast %parallel_loop3A_1014 : i32 to index
          %parallel_loop3A_1024 = tpu.vector_load %arg6[%parallel_loop3A_1023] {strides = array<i32>} : memref<32768xf32, #tpu.memory_space<vmem>>, vector<16xf32>,
          tpu.vector_store %arg6[%parallel_loop3A_1023], %parallel_loop3A_1022 {strides = array<i32>} : memref<32768xf32, #tpu.memory_space<vmem>>, vector<16xf32>,
          %parallel_loop3A_1025 = arith.constant 4 : i32
          %parallel_loop3A_1026 = arith.muli %parallel_loop3A_1008, %parallel_loop3A_1025 : i32
          %parallel_loop3A_1027 = arith.constant 1 : i32
          %parallel_loop3A_1028 = arith.addi %parallel_loop3A_1026, %parallel_loop3A_1027 : i32
          %parallel_loop3A_1029 = arith.constant 16 : i32
          %parallel_loop3A_1030 = arith.muli %parallel_loop3A_1028, %parallel_loop3A_1029 : i32
          %parallel_loop3A_1031 = arith.index_cast %parallel_loop3A_1030 : i32 to index
          %parallel_loop3A_1032 = tpu.vector_load %arg5[%parallel_loop3A_1031] {strides = array<i32>} : memref<32768xf32, #tpu.memory_space<vmem>>, vector<16xf32>,
          %parallel_loop3A_1033 = arith.constant 0.000000e+00 : f32
          %parallel_loop3A_1034 = arith.constant 1.000000e+00 : f32
          %parallel_loop3A_1035 = vector.broadcast %parallel_loop3A_1033 : f32 to vector<16xf32>
          %parallel_loop3A_1036 = arith.maximumf %parallel_loop3A_1035, %parallel_loop3A_1032 : vector<16xf32>
          %parallel_loop3A_1037 = vector.broadcast %parallel_loop3A_1034 : f32 to vector<16xf32>
          %parallel_loop3A_1038 = arith.minimumf %parallel_loop3A_1037, %parallel_loop3A_1036 : vector<16xf32>
          %parallel_loop3A_1039 = arith.index_cast %parallel_loop3A_1030 : i32 to index
          %parallel_loop3A_1040 = tpu.vector_load %arg6[%parallel_loop3A_1039] {strides = array<i32>} : memref<32768xf32, #tpu.memory_space<vmem>>, vector<16xf32>,
          tpu.vector_store %arg6[%parallel_loop3A_1039], %parallel_loop3A_1038 {strides = array<i32>} : memref<32768xf32, #tpu.memory_space<vmem>>, vector<16xf32>,
          %parallel_loop3A_1041 = arith.constant 4 : i32
          %parallel_loop3A_1042 = arith.muli %parallel_loop3A_1008, %parallel_loop3A_1041 : i32
          %parallel_loop3A_1043 = arith.constant 2 : i32
          %parallel_loop3A_1044 = arith.addi %parallel_loop3A_1042, %parallel_loop3A_1043 : i32
          %parallel_loop3A_1045 = arith.constant 16 : i32
          %parallel_loop3A_1046 = arith.muli %parallel_loop3A_1044, %parallel_loop3A_1045 : i32
          %parallel_loop3A_1047 = arith.index_cast %parallel_loop3A_1046 : i32 to index
          %parallel_loop3A_1048 = tpu.vector_load %arg5[%parallel_loop3A_1047] {strides = array<i32>} : memref<32768xf32, #tpu.memory_space<vmem>>, vector<16xf32>,
          %parallel_loop3A_1049 = arith.constant 0.000000e+00 : f32
          %parallel_loop3A_1050 = arith.constant 1.000000e+00 : f32
          %parallel_loop3A_1051 = vector.broadcast %parallel_loop3A_1049 : f32 to vector<16xf32>
          %parallel_loop3A_1052 = arith.maximumf %parallel_loop3A_1051, %parallel_loop3A_1048 : vector<16xf32>
          %parallel_loop3A_1053 = vector.broadcast %parallel_loop3A_1050 : f32 to vector<16xf32>
          %parallel_loop3A_1054 = arith.minimumf %parallel_loop3A_1053, %parallel_loop3A_1052 : vector<16xf32>
          %parallel_loop3A_1055 = arith.index_cast %parallel_loop3A_1046 : i32 to index
          %parallel_loop3A_1056 = tpu.vector_load %arg6[%parallel_loop3A_1055] {strides = array<i32>} : memref<32768xf32, #tpu.memory_space<vmem>>, vector<16xf32>,
          tpu.vector_store %arg6[%parallel_loop3A_1055], %parallel_loop3A_1054 {strides = array<i32>} : memref<32768xf32, #tpu.memory_space<vmem>>, vector<16xf32>,
          %parallel_loop3A_1057 = arith.constant 4 : i32
          %parallel_loop3A_1058 = arith.muli %parallel_loop3A_1008, %parallel_loop3A_1057 : i32
          %parallel_loop3A_1059 = arith.constant 3 : i32
          %parallel_loop3A_1060 = arith.addi %parallel_loop3A_1058, %parallel_loop3A_1059 : i32
          %parallel_loop3A_1061 = arith.constant 16 : i32
          %parallel_loop3A_1062 = arith.muli %parallel_loop3A_1060, %parallel_loop3A_1061 : i32
          %parallel_loop3A_1063 = arith.index_cast %parallel_loop3A_1062 : i32 to index
          %parallel_loop3A_1064 = tpu.vector_load %arg5[%parallel_loop3A_1063] {strides = array<i32>} : memref<32768xf32, #tpu.memory_space<vmem>>, vector<16xf32>,
          %parallel_loop3A_1065 = arith.constant 0.000000e+00 : f32
          %parallel_loop3A_1066 = arith.constant 1.000000e+00 : f32
          %parallel_loop3A_1067 = vector.broadcast %parallel_loop3A_1065 : f32 to vector<16xf32>
          %parallel_loop3A_1068 = arith.maximumf %parallel_loop3A_1067, %parallel_loop3A_1064 : vector<16xf32>
          %parallel_loop3A_1069 = vector.broadcast %parallel_loop3A_1066 : f32 to vector<16xf32>
          %parallel_loop3A_1070 = arith.minimumf %parallel_loop3A_1069, %parallel_loop3A_1068 : vector<16xf32>
          %parallel_loop3A_1071 = arith.index_cast %parallel_loop3A_1062 : i32 to index
          %parallel_loop3A_1072 = tpu.vector_load %arg6[%parallel_loop3A_1071] {strides = array<i32>} : memref<32768xf32, #tpu.memory_space<vmem>>, vector<16xf32>,
          tpu.vector_store %arg6[%parallel_loop3A_1071], %parallel_loop3A_1070 {strides = array<i32>} : memref<32768xf32, #tpu.memory_space<vmem>>, vector<16xf32>,
        } {sc.loop_unroll_factor = 2 : i64, sc.parallel_access}
      } else {
      }
      "tpu.region"() ({
        %run_scoped3A = tpu.sem_alloc : memref<!tpu.dma_semaphore, #tpu.memory_space<semaphore_mem>>
        %dma_start3A = arith.constant 0 : i32
        %dma_start3A_1005 = tpu.memref_slice %arg4[%add3A_10, %dma_start3A] : memref<32x32768xf32, #tpu.memory_space<hbm>> -> memref<1x32768xf32, #tpu.memory_space<hbm>>
        %dma_start3A_1006 = tpu.memref_squeeze %dma_start3A_1005 : memref<1x32768xf32, #tpu.memory_space<hbm>> -> memref<32768xf32, #tpu.memory_space<hbm>>
        %dma_start3A_1007 = arith.constant 0 : i32
        %dma_start3A_1008 = tpu.memref_slice %arg4[%add3A_10, %dma_start3A_1007] : memref<32x32768xf32, #tpu.memory_space<hbm>> -> memref<1x32768xf32, #tpu.memory_space<hbm>>
        %dma_start3A_1009 = tpu.memref_squeeze %dma_start3A_1008 : memref<1x32768xf32, #tpu.memory_space<hbm>> -> memref<32768xf32, #tpu.memory_space<hbm>>
        tpu.enqueue_dma source(%arg6 : memref<32768xf32, #tpu.memory_space<vmem>>) target(%dma_start3A_1009 : memref<32768xf32, #tpu.memory_space<hbm>>) target_semaphore(%run_scoped3A : memref<!tpu.dma_semaphore, #tpu.memory_space<semaphore_mem>>)
        %dma_wait3A = arith.constant 0 : i32
        %dma_wait3A_1010 = tpu.memref_slice %arg4[%add3A_10, %dma_wait3A] : memref<32x32768xf32, #tpu.memory_space<hbm>> -> memref<1x32768xf32, #tpu.memory_space<hbm>>
        %dma_wait3A_1011 = tpu.memref_squeeze %dma_wait3A_1010 : memref<1x32768xf32, #tpu.memory_space<hbm>> -> memref<32768xf32, #tpu.memory_space<hbm>>
        %dma_wait3A_1012 = arith.constant 0 : i32
        %dma_wait3A_1013 = tpu.memref_slice %arg4[%add3A_10, %dma_wait3A_1012] : memref<32x32768xf32, #tpu.memory_space<hbm>> -> memref<1x32768xf32, #tpu.memory_space<hbm>>
        %dma_wait3A_1014 = tpu.memref_squeeze %dma_wait3A_1013 : memref<1x32768xf32, #tpu.memory_space<hbm>> -> memref<32768xf32, #tpu.memory_space<hbm>>
        tpu.wait_dma2 semaphore(%run_scoped3A : memref<!tpu.dma_semaphore, #tpu.memory_space<semaphore_mem>>) src(%arg6 : memref<32768xf32, #tpu.memory_space<vmem>>) dst(%dma_wait3A_1014 : memref<32768xf32, #tpu.memory_space<hbm>>)
        tpu.yield
      }) : () -> ()
    } else {
    }
    return
  }
}

module attributes {stable_mosaic.version = 14 : i64} {
  func.func @_tc_body(%arg0: i32, %arg1: memref<1x1xf32, #tpu.memory_space<smem>>, %arg2: memref<16x32768xf32, #tpu.memory_space<vmem>>, %arg3: memref<16x32768xf32, #tpu.memory_space<vmem>>) attributes {dimension_semantics = [#tpu.dimension_semantics<arbitrary>], iteration_bounds = array<i64: 2>, scalar_prefetch = 0 : i64, scratch_operands = 0 : i64, tpu.core_type = #tpu.core_type<tc>, window_params = [{transform_indices = @transform_0, window_bounds = array<i64: 1, 1>}, {transform_indices = @transform_1, window_bounds = array<i64: 16, 32768>}, {transform_indices = @transform_2, window_bounds = array<i64: 16, 32768>}]} {
    %get3A = arith.constant 0 : index
    %get3A_0 = arith.constant 0 : index
    %get3A_1 = vector.load %arg2[%get3A, %get3A_0] : memref<16x32768xf32, #tpu.memory_space<vmem>>, vector<16x32768xf32>
    %jit3A = arith.constant 0.000000e+00 : f32
    %jit3A_2 = arith.constant 1.000000e+00 : f32
    %max3A = vector.broadcast %jit3A : f32 to vector<16x32768xf32>
    %max3A_3 = arith.maximumf %max3A, %get3A_1 : vector<16x32768xf32>
    %min3A = vector.broadcast %jit3A_2 : f32 to vector<16x32768xf32>
    %min3A_4 = arith.minimumf %min3A, %max3A_3 : vector<16x32768xf32>
    %slice3A = vector.extract_strided_slice %min3A_4 {offsets = [0, 0], sizes = [16, 16384], strides = [1, 1]} : vector<16x32768xf32> to vector<16x16384xf32>
    %slice3A_5 = vector.extract_strided_slice %min3A_4 {offsets = [0, 16384], sizes = [16, 16384], strides = [1, 1]} : vector<16x32768xf32> to vector<16x16384xf32>
    %add3A = arith.addf %slice3A, %slice3A_5 : vector<16x16384xf32>
    %slice3A_6 = vector.extract_strided_slice %add3A {offsets = [0, 0], sizes = [16, 8192], strides = [1, 1]} : vector<16x16384xf32> to vector<16x8192xf32>
    %slice3A_7 = vector.extract_strided_slice %add3A {offsets = [0, 8192], sizes = [16, 8192], strides = [1, 1]} : vector<16x16384xf32> to vector<16x8192xf32>
    %add3A_8 = arith.addf %slice3A_6, %slice3A_7 : vector<16x8192xf32>
    %slice3A_9 = vector.extract_strided_slice %add3A_8 {offsets = [0, 0], sizes = [16, 4096], strides = [1, 1]} : vector<16x8192xf32> to vector<16x4096xf32>
    %slice3A_10 = vector.extract_strided_slice %add3A_8 {offsets = [0, 4096], sizes = [16, 4096], strides = [1, 1]} : vector<16x8192xf32> to vector<16x4096xf32>
    %add3A_11 = arith.addf %slice3A_9, %slice3A_10 : vector<16x4096xf32>
    %slice3A_12 = vector.extract_strided_slice %add3A_11 {offsets = [0, 0], sizes = [16, 2048], strides = [1, 1]} : vector<16x4096xf32> to vector<16x2048xf32>
    %slice3A_13 = vector.extract_strided_slice %add3A_11 {offsets = [0, 2048], sizes = [16, 2048], strides = [1, 1]} : vector<16x4096xf32> to vector<16x2048xf32>
    %add3A_14 = arith.addf %slice3A_12, %slice3A_13 : vector<16x2048xf32>
    %slice3A_15 = vector.extract_strided_slice %add3A_14 {offsets = [0, 0], sizes = [16, 1024], strides = [1, 1]} : vector<16x2048xf32> to vector<16x1024xf32>
    %slice3A_16 = vector.extract_strided_slice %add3A_14 {offsets = [0, 1024], sizes = [16, 1024], strides = [1, 1]} : vector<16x2048xf32> to vector<16x1024xf32>
    %add3A_17 = arith.addf %slice3A_15, %slice3A_16 : vector<16x1024xf32>
    %slice3A_18 = vector.extract_strided_slice %add3A_17 {offsets = [0, 0], sizes = [16, 512], strides = [1, 1]} : vector<16x1024xf32> to vector<16x512xf32>
    %slice3A_19 = vector.extract_strided_slice %add3A_17 {offsets = [0, 512], sizes = [16, 512], strides = [1, 1]} : vector<16x1024xf32> to vector<16x512xf32>
    %add3A_20 = arith.addf %slice3A_18, %slice3A_19 : vector<16x512xf32>
    %slice3A_21 = vector.extract_strided_slice %add3A_20 {offsets = [0, 0], sizes = [16, 256], strides = [1, 1]} : vector<16x512xf32> to vector<16x256xf32>
    %slice3A_22 = vector.extract_strided_slice %add3A_20 {offsets = [0, 256], sizes = [16, 256], strides = [1, 1]} : vector<16x512xf32> to vector<16x256xf32>
    %add3A_23 = arith.addf %slice3A_21, %slice3A_22 : vector<16x256xf32>
    %slice3A_24 = vector.extract_strided_slice %add3A_23 {offsets = [0, 0], sizes = [16, 128], strides = [1, 1]} : vector<16x256xf32> to vector<16x128xf32>
    %slice3A_25 = vector.extract_strided_slice %add3A_23 {offsets = [0, 128], sizes = [16, 128], strides = [1, 1]} : vector<16x256xf32> to vector<16x128xf32>
    %add3A_26 = arith.addf %slice3A_24, %slice3A_25 : vector<16x128xf32>
    %reduce_sum3A = arith.constant dense<0.000000e+00> : vector<16xf32>
    %reduce_sum3A_27 = vector.multi_reduction <add>, %add3A_26, %reduce_sum3A [1] : vector<16x128xf32> to vector<16xf32>
    %broadcast_in_dim3A = vector.shape_cast %reduce_sum3A_27 : vector<16xf32> to vector<16x1xf32>
    %bitcast_convert_type3A = tpu.bitcast %min3A_4 : vector<16x32768xf32> -> vector<16x32768xi32>
    %broadcast_in_dim3A_28 = arith.constant 0 : i32
    %broadcast_in_dim3A_29 = vector.broadcast %broadcast_in_dim3A_28 : i32 to vector<16x1xi32>
    %broadcast_in_dim3A_30 = arith.constant 1065353217 : i32
    %broadcast_in_dim3A_31 = vector.broadcast %broadcast_in_dim3A_30 : i32 to vector<16x1xi32>
    %scan3A = arith.constant 0 : i32
    %scan3A_32 = arith.constant 31 : i32
    %scan3A_33 = arith.addi %scan3A, %scan3A_32 : i32
    %scan3A_34 = arith.constant 1 : i32
    %scan3A_35:2 = scf.for %scan3A_128 = %scan3A to %scan3A_33 step %scan3A_34 iter_args(%scan3A_129 = %broadcast_in_dim3A_29, %scan3A_130 = %broadcast_in_dim3A_31) -> (vector<16x1xi32>, vector<16x1xi32>)  : i32 {
      %add3A_131 = arith.addi %scan3A_129, %scan3A_130 : vector<16x1xi32>
      %shift_right_arithmetic3A = arith.constant 1 : i32
      %shift_right_arithmetic3A_132 = vector.broadcast %shift_right_arithmetic3A : i32 to vector<16x1xi32>
      %shift_right_arithmetic3A_133 = arith.shrsi %add3A_131, %shift_right_arithmetic3A_132 : vector<16x1xi32>
      %ge3A_134 = vector.broadcast %shift_right_arithmetic3A_133 : vector<16x1xi32> to vector<16x32768xi32>
      %ge3A_135 = arith.cmpi sge, %bitcast_convert_type3A, %ge3A_134 : vector<16x32768xi32>
      %convert_element_type3A_136 = arith.extui %ge3A_135 : vector<16x32768xi1> to vector<16x32768xi32>
      %slice3A_137 = vector.extract_strided_slice %convert_element_type3A_136 {offsets = [0, 0], sizes = [16, 16384], strides = [1, 1]} : vector<16x32768xi32> to vector<16x16384xi32>
      %slice3A_138 = vector.extract_strided_slice %convert_element_type3A_136 {offsets = [0, 16384], sizes = [16, 16384], strides = [1, 1]} : vector<16x32768xi32> to vector<16x16384xi32>
      %add3A_139 = arith.addi %slice3A_137, %slice3A_138 : vector<16x16384xi32>
      %slice3A_140 = vector.extract_strided_slice %add3A_139 {offsets = [0, 0], sizes = [16, 8192], strides = [1, 1]} : vector<16x16384xi32> to vector<16x8192xi32>
      %slice3A_141 = vector.extract_strided_slice %add3A_139 {offsets = [0, 8192], sizes = [16, 8192], strides = [1, 1]} : vector<16x16384xi32> to vector<16x8192xi32>
      %add3A_142 = arith.addi %slice3A_140, %slice3A_141 : vector<16x8192xi32>
      %slice3A_143 = vector.extract_strided_slice %add3A_142 {offsets = [0, 0], sizes = [16, 4096], strides = [1, 1]} : vector<16x8192xi32> to vector<16x4096xi32>
      %slice3A_144 = vector.extract_strided_slice %add3A_142 {offsets = [0, 4096], sizes = [16, 4096], strides = [1, 1]} : vector<16x8192xi32> to vector<16x4096xi32>
      %add3A_145 = arith.addi %slice3A_143, %slice3A_144 : vector<16x4096xi32>
      %slice3A_146 = vector.extract_strided_slice %add3A_145 {offsets = [0, 0], sizes = [16, 2048], strides = [1, 1]} : vector<16x4096xi32> to vector<16x2048xi32>
      %slice3A_147 = vector.extract_strided_slice %add3A_145 {offsets = [0, 2048], sizes = [16, 2048], strides = [1, 1]} : vector<16x4096xi32> to vector<16x2048xi32>
      %add3A_148 = arith.addi %slice3A_146, %slice3A_147 : vector<16x2048xi32>
      %slice3A_149 = vector.extract_strided_slice %add3A_148 {offsets = [0, 0], sizes = [16, 1024], strides = [1, 1]} : vector<16x2048xi32> to vector<16x1024xi32>
      %slice3A_150 = vector.extract_strided_slice %add3A_148 {offsets = [0, 1024], sizes = [16, 1024], strides = [1, 1]} : vector<16x2048xi32> to vector<16x1024xi32>
      %add3A_151 = arith.addi %slice3A_149, %slice3A_150 : vector<16x1024xi32>
      %slice3A_152 = vector.extract_strided_slice %add3A_151 {offsets = [0, 0], sizes = [16, 512], strides = [1, 1]} : vector<16x1024xi32> to vector<16x512xi32>
      %slice3A_153 = vector.extract_strided_slice %add3A_151 {offsets = [0, 512], sizes = [16, 512], strides = [1, 1]} : vector<16x1024xi32> to vector<16x512xi32>
      %add3A_154 = arith.addi %slice3A_152, %slice3A_153 : vector<16x512xi32>
      %slice3A_155 = vector.extract_strided_slice %add3A_154 {offsets = [0, 0], sizes = [16, 256], strides = [1, 1]} : vector<16x512xi32> to vector<16x256xi32>
      %slice3A_156 = vector.extract_strided_slice %add3A_154 {offsets = [0, 256], sizes = [16, 256], strides = [1, 1]} : vector<16x512xi32> to vector<16x256xi32>
      %add3A_157 = arith.addi %slice3A_155, %slice3A_156 : vector<16x256xi32>
      %slice3A_158 = vector.extract_strided_slice %add3A_157 {offsets = [0, 0], sizes = [16, 128], strides = [1, 1]} : vector<16x256xi32> to vector<16x128xi32>
      %slice3A_159 = vector.extract_strided_slice %add3A_157 {offsets = [0, 128], sizes = [16, 128], strides = [1, 1]} : vector<16x256xi32> to vector<16x128xi32>
      %add3A_160 = arith.addi %slice3A_158, %slice3A_159 : vector<16x128xi32>
      %reduce_sum3A_161 = arith.constant dense<0> : vector<16xi32>
      %reduce_sum3A_162 = vector.multi_reduction <add>, %add3A_160, %reduce_sum3A_161 [1] : vector<16x128xi32> to vector<16xi32>
      %broadcast_in_dim3A_163 = vector.shape_cast %reduce_sum3A_162 : vector<16xi32> to vector<16x1xi32>
      %ge3A_164 = arith.constant 128 : i32
      %ge3A_165 = vector.broadcast %ge3A_164 : i32 to vector<16x1xi32>
      %ge3A_166 = arith.cmpi sge, %broadcast_in_dim3A_163, %ge3A_165 : vector<16x1xi32>
      %select_n3A_167 = arith.select %ge3A_166, %shift_right_arithmetic3A_133, %scan3A_129 : vector<16x1xi1>, vector<16x1xi32>
      %select_n3A_168 = arith.select %ge3A_166, %scan3A_130, %shift_right_arithmetic3A_133 : vector<16x1xi1>, vector<16x1xi32>
      scf.yield %select_n3A_167, %select_n3A_168 : vector<16x1xi32>, vector<16x1xi32>
    }
    %eq3A = vector.broadcast %scan3A_35#0 : vector<16x1xi32> to vector<16x32768xi32>
    %eq3A_36 = arith.cmpi eq, %bitcast_convert_type3A, %eq3A : vector<16x32768xi32>
    %ge3A = vector.broadcast %scan3A_35#0 : vector<16x1xi32> to vector<16x32768xi32>
    %ge3A_37 = arith.cmpi sge, %bitcast_convert_type3A, %ge3A : vector<16x32768xi32>
    %convert_element_type3A = arith.extui %ge3A_37 : vector<16x32768xi1> to vector<16x32768xi32>
    %slice3A_38 = vector.extract_strided_slice %convert_element_type3A {offsets = [0, 0], sizes = [16, 16384], strides = [1, 1]} : vector<16x32768xi32> to vector<16x16384xi32>
    %slice3A_39 = vector.extract_strided_slice %convert_element_type3A {offsets = [0, 16384], sizes = [16, 16384], strides = [1, 1]} : vector<16x32768xi32> to vector<16x16384xi32>
    %add3A_40 = arith.addi %slice3A_38, %slice3A_39 : vector<16x16384xi32>
    %slice3A_41 = vector.extract_strided_slice %add3A_40 {offsets = [0, 0], sizes = [16, 8192], strides = [1, 1]} : vector<16x16384xi32> to vector<16x8192xi32>
    %slice3A_42 = vector.extract_strided_slice %add3A_40 {offsets = [0, 8192], sizes = [16, 8192], strides = [1, 1]} : vector<16x16384xi32> to vector<16x8192xi32>
    %add3A_43 = arith.addi %slice3A_41, %slice3A_42 : vector<16x8192xi32>
    %slice3A_44 = vector.extract_strided_slice %add3A_43 {offsets = [0, 0], sizes = [16, 4096], strides = [1, 1]} : vector<16x8192xi32> to vector<16x4096xi32>
    %slice3A_45 = vector.extract_strided_slice %add3A_43 {offsets = [0, 4096], sizes = [16, 4096], strides = [1, 1]} : vector<16x8192xi32> to vector<16x4096xi32>
    %add3A_46 = arith.addi %slice3A_44, %slice3A_45 : vector<16x4096xi32>
    %slice3A_47 = vector.extract_strided_slice %add3A_46 {offsets = [0, 0], sizes = [16, 2048], strides = [1, 1]} : vector<16x4096xi32> to vector<16x2048xi32>
    %slice3A_48 = vector.extract_strided_slice %add3A_46 {offsets = [0, 2048], sizes = [16, 2048], strides = [1, 1]} : vector<16x4096xi32> to vector<16x2048xi32>
    %add3A_49 = arith.addi %slice3A_47, %slice3A_48 : vector<16x2048xi32>
    %slice3A_50 = vector.extract_strided_slice %add3A_49 {offsets = [0, 0], sizes = [16, 1024], strides = [1, 1]} : vector<16x2048xi32> to vector<16x1024xi32>
    %slice3A_51 = vector.extract_strided_slice %add3A_49 {offsets = [0, 1024], sizes = [16, 1024], strides = [1, 1]} : vector<16x2048xi32> to vector<16x1024xi32>
    %add3A_52 = arith.addi %slice3A_50, %slice3A_51 : vector<16x1024xi32>
    %slice3A_53 = vector.extract_strided_slice %add3A_52 {offsets = [0, 0], sizes = [16, 512], strides = [1, 1]} : vector<16x1024xi32> to vector<16x512xi32>
    %slice3A_54 = vector.extract_strided_slice %add3A_52 {offsets = [0, 512], sizes = [16, 512], strides = [1, 1]} : vector<16x1024xi32> to vector<16x512xi32>
    %add3A_55 = arith.addi %slice3A_53, %slice3A_54 : vector<16x512xi32>
    %slice3A_56 = vector.extract_strided_slice %add3A_55 {offsets = [0, 0], sizes = [16, 256], strides = [1, 1]} : vector<16x512xi32> to vector<16x256xi32>
    %slice3A_57 = vector.extract_strided_slice %add3A_55 {offsets = [0, 256], sizes = [16, 256], strides = [1, 1]} : vector<16x512xi32> to vector<16x256xi32>
    %add3A_58 = arith.addi %slice3A_56, %slice3A_57 : vector<16x256xi32>
    %slice3A_59 = vector.extract_strided_slice %add3A_58 {offsets = [0, 0], sizes = [16, 128], strides = [1, 1]} : vector<16x256xi32> to vector<16x128xi32>
    %slice3A_60 = vector.extract_strided_slice %add3A_58 {offsets = [0, 128], sizes = [16, 128], strides = [1, 1]} : vector<16x256xi32> to vector<16x128xi32>
    %add3A_61 = arith.addi %slice3A_59, %slice3A_60 : vector<16x128xi32>
    %reduce_sum3A_62 = arith.constant dense<0> : vector<16xi32>
    %reduce_sum3A_63 = vector.multi_reduction <add>, %add3A_61, %reduce_sum3A_62 [1] : vector<16x128xi32> to vector<16xi32>
    %broadcast_in_dim3A_64 = vector.shape_cast %reduce_sum3A_63 : vector<16xi32> to vector<16x1xi32>
    %gt3A = vector.broadcast %scan3A_35#0 : vector<16x1xi32> to vector<16x32768xi32>
    %gt3A_65 = arith.cmpi sgt, %bitcast_convert_type3A, %gt3A : vector<16x32768xi32>
    %convert_element_type3A_66 = arith.extui %gt3A_65 : vector<16x32768xi1> to vector<16x32768xi32>
    %slice3A_67 = vector.extract_strided_slice %convert_element_type3A_66 {offsets = [0, 0], sizes = [16, 16384], strides = [1, 1]} : vector<16x32768xi32> to vector<16x16384xi32>
    %slice3A_68 = vector.extract_strided_slice %convert_element_type3A_66 {offsets = [0, 16384], sizes = [16, 16384], strides = [1, 1]} : vector<16x32768xi32> to vector<16x16384xi32>
    %add3A_69 = arith.addi %slice3A_67, %slice3A_68 : vector<16x16384xi32>
    %slice3A_70 = vector.extract_strided_slice %add3A_69 {offsets = [0, 0], sizes = [16, 8192], strides = [1, 1]} : vector<16x16384xi32> to vector<16x8192xi32>
    %slice3A_71 = vector.extract_strided_slice %add3A_69 {offsets = [0, 8192], sizes = [16, 8192], strides = [1, 1]} : vector<16x16384xi32> to vector<16x8192xi32>
    %add3A_72 = arith.addi %slice3A_70, %slice3A_71 : vector<16x8192xi32>
    %slice3A_73 = vector.extract_strided_slice %add3A_72 {offsets = [0, 0], sizes = [16, 4096], strides = [1, 1]} : vector<16x8192xi32> to vector<16x4096xi32>
    %slice3A_74 = vector.extract_strided_slice %add3A_72 {offsets = [0, 4096], sizes = [16, 4096], strides = [1, 1]} : vector<16x8192xi32> to vector<16x4096xi32>
    %add3A_75 = arith.addi %slice3A_73, %slice3A_74 : vector<16x4096xi32>
    %slice3A_76 = vector.extract_strided_slice %add3A_75 {offsets = [0, 0], sizes = [16, 2048], strides = [1, 1]} : vector<16x4096xi32> to vector<16x2048xi32>
    %slice3A_77 = vector.extract_strided_slice %add3A_75 {offsets = [0, 2048], sizes = [16, 2048], strides = [1, 1]} : vector<16x4096xi32> to vector<16x2048xi32>
    %add3A_78 = arith.addi %slice3A_76, %slice3A_77 : vector<16x2048xi32>
    %slice3A_79 = vector.extract_strided_slice %add3A_78 {offsets = [0, 0], sizes = [16, 1024], strides = [1, 1]} : vector<16x2048xi32> to vector<16x1024xi32>
    %slice3A_80 = vector.extract_strided_slice %add3A_78 {offsets = [0, 1024], sizes = [16, 1024], strides = [1, 1]} : vector<16x2048xi32> to vector<16x1024xi32>
    %add3A_81 = arith.addi %slice3A_79, %slice3A_80 : vector<16x1024xi32>
    %slice3A_82 = vector.extract_strided_slice %add3A_81 {offsets = [0, 0], sizes = [16, 512], strides = [1, 1]} : vector<16x1024xi32> to vector<16x512xi32>
    %slice3A_83 = vector.extract_strided_slice %add3A_81 {offsets = [0, 512], sizes = [16, 512], strides = [1, 1]} : vector<16x1024xi32> to vector<16x512xi32>
    %add3A_84 = arith.addi %slice3A_82, %slice3A_83 : vector<16x512xi32>
    %slice3A_85 = vector.extract_strided_slice %add3A_84 {offsets = [0, 0], sizes = [16, 256], strides = [1, 1]} : vector<16x512xi32> to vector<16x256xi32>
    %slice3A_86 = vector.extract_strided_slice %add3A_84 {offsets = [0, 256], sizes = [16, 256], strides = [1, 1]} : vector<16x512xi32> to vector<16x256xi32>
    %add3A_87 = arith.addi %slice3A_85, %slice3A_86 : vector<16x256xi32>
    %slice3A_88 = vector.extract_strided_slice %add3A_87 {offsets = [0, 0], sizes = [16, 128], strides = [1, 1]} : vector<16x256xi32> to vector<16x128xi32>
    %slice3A_89 = vector.extract_strided_slice %add3A_87 {offsets = [0, 128], sizes = [16, 128], strides = [1, 1]} : vector<16x256xi32> to vector<16x128xi32>
    %add3A_90 = arith.addi %slice3A_88, %slice3A_89 : vector<16x128xi32>
    %reduce_sum3A_91 = arith.constant dense<0> : vector<16xi32>
    %reduce_sum3A_92 = vector.multi_reduction <add>, %add3A_90, %reduce_sum3A_91 [1] : vector<16x128xi32> to vector<16xi32>
    %broadcast_in_dim3A_93 = vector.shape_cast %reduce_sum3A_92 : vector<16xi32> to vector<16x1xi32>
    %sub3A = arith.constant 128 : i32
    %sub3A_94 = vector.broadcast %sub3A : i32 to vector<16x1xi32>
    %sub3A_95 = arith.subi %sub3A_94, %broadcast_in_dim3A_93 : vector<16x1xi32>
    %iota3A = tpu.iota {dimensions = array<i32: 1>} : vector<16x32768xi32>
    %eq3A_96 = arith.constant 128 : i32
    %eq3A_97 = vector.broadcast %eq3A_96 : i32 to vector<16x1xi32>
    %eq3A_98 = arith.cmpi eq, %broadcast_in_dim3A_64, %eq3A_97 : vector<16x1xi32>
    %reduce_and3A = arith.constant 1.000000e+00 : f32
    %reduce_and3A_99 = arith.constant 0.000000e+00 : f32
    %reduce_and3A_100 = vector.broadcast %reduce_and3A : f32 to vector<16x1xf32>
    %reduce_and3A_101 = vector.broadcast %reduce_and3A_99 : f32 to vector<16x1xf32>
    %reduce_and3A_102 = arith.select %eq3A_98, %reduce_and3A_100, %reduce_and3A_101 : vector<16x1xi1>, vector<16x1xf32>
    %reduce_and3A_103 = vector.shape_cast %reduce_and3A_102 : vector<16x1xf32> to vector<1x16x1xf32>
    %reduce_and3A_104 = arith.constant dense<0x7F800000> : vector<1xf32>
    %reduce_and3A_105 = vector.multi_reduction <minimumf>, %reduce_and3A_103, %reduce_and3A_104 [1, 2] : vector<1x16x1xf32> to vector<1xf32>
    %reduce_and3A_106 = vector.shape_cast %reduce_and3A_105 : vector<1xf32> to vector<1x1x1xf32>
    %reduce_and3A_107 = vector.extract %reduce_and3A_106[0, 0, 0] : f32 from vector<1x1x1xf32>
    %reduce_and3A_108 = arith.constant 0.000000e+00 : f32
    %reduce_and3A_109 = arith.cmpf ogt, %reduce_and3A_107, %reduce_and3A_108 : f32
    %convert_element_type3A_110 = arith.extui %reduce_and3A_109 : i1 to i32
    %cond3A = arith.constant 0 : i32
    %cond3A_111 = arith.cmpi ne, %convert_element_type3A_110, %cond3A : i32
    %cond3A_112 = scf.if %cond3A_111 -> (vector<16x1xi32>) {
      %broadcast_in_dim3A_128 = arith.constant 32768 : i32
      %broadcast_in_dim3A_129 = vector.broadcast %broadcast_in_dim3A_128 : i32 to vector<16x1xi32>
      scf.yield %broadcast_in_dim3A_129 : vector<16x1xi32>
    } else {
      %broadcast_in_dim3A_128 = arith.constant 0 : i32
      %broadcast_in_dim3A_129 = vector.broadcast %broadcast_in_dim3A_128 : i32 to vector<16x1xi32>
      %broadcast_in_dim3A_130 = arith.constant 32768 : i32
      %broadcast_in_dim3A_131 = vector.broadcast %broadcast_in_dim3A_130 : i32 to vector<16x1xi32>
      %scan3A_132 = arith.constant 0 : i32
      %scan3A_133 = arith.constant 16 : i32
      %scan3A_134 = arith.addi %scan3A_132, %scan3A_133 : i32
      %scan3A_135 = arith.constant 1 : i32
      %scan3A_136:2 = scf.for %scan3A_137 = %scan3A_132 to %scan3A_134 step %scan3A_135 iter_args(%scan3A_138 = %broadcast_in_dim3A_129, %scan3A_139 = %broadcast_in_dim3A_131) -> (vector<16x1xi32>, vector<16x1xi32>)  : i32 {
        %add3A_140 = arith.addi %scan3A_138, %scan3A_139 : vector<16x1xi32>
        %shift_right_arithmetic3A = arith.constant 1 : i32
        %shift_right_arithmetic3A_141 = vector.broadcast %shift_right_arithmetic3A : i32 to vector<16x1xi32>
        %shift_right_arithmetic3A_142 = arith.shrsi %add3A_140, %shift_right_arithmetic3A_141 : vector<16x1xi32>
        %lt3A_143 = vector.broadcast %shift_right_arithmetic3A_142 : vector<16x1xi32> to vector<16x32768xi32>
        %lt3A_144 = arith.cmpi slt, %iota3A, %lt3A_143 : vector<16x32768xi32>
        %and3A_145 = arith.andi %eq3A_36, %lt3A_144 : vector<16x32768xi1>
        %convert_element_type3A_146 = arith.extui %and3A_145 : vector<16x32768xi1> to vector<16x32768xi32>
        %slice3A_147 = vector.extract_strided_slice %convert_element_type3A_146 {offsets = [0, 0], sizes = [16, 16384], strides = [1, 1]} : vector<16x32768xi32> to vector<16x16384xi32>
        %slice3A_148 = vector.extract_strided_slice %convert_element_type3A_146 {offsets = [0, 16384], sizes = [16, 16384], strides = [1, 1]} : vector<16x32768xi32> to vector<16x16384xi32>
        %add3A_149 = arith.addi %slice3A_147, %slice3A_148 : vector<16x16384xi32>
        %slice3A_150 = vector.extract_strided_slice %add3A_149 {offsets = [0, 0], sizes = [16, 8192], strides = [1, 1]} : vector<16x16384xi32> to vector<16x8192xi32>
        %slice3A_151 = vector.extract_strided_slice %add3A_149 {offsets = [0, 8192], sizes = [16, 8192], strides = [1, 1]} : vector<16x16384xi32> to vector<16x8192xi32>
        %add3A_152 = arith.addi %slice3A_150, %slice3A_151 : vector<16x8192xi32>
        %slice3A_153 = vector.extract_strided_slice %add3A_152 {offsets = [0, 0], sizes = [16, 4096], strides = [1, 1]} : vector<16x8192xi32> to vector<16x4096xi32>
        %slice3A_154 = vector.extract_strided_slice %add3A_152 {offsets = [0, 4096], sizes = [16, 4096], strides = [1, 1]} : vector<16x8192xi32> to vector<16x4096xi32>
        %add3A_155 = arith.addi %slice3A_153, %slice3A_154 : vector<16x4096xi32>
        %slice3A_156 = vector.extract_strided_slice %add3A_155 {offsets = [0, 0], sizes = [16, 2048], strides = [1, 1]} : vector<16x4096xi32> to vector<16x2048xi32>
        %slice3A_157 = vector.extract_strided_slice %add3A_155 {offsets = [0, 2048], sizes = [16, 2048], strides = [1, 1]} : vector<16x4096xi32> to vector<16x2048xi32>
        %add3A_158 = arith.addi %slice3A_156, %slice3A_157 : vector<16x2048xi32>
        %slice3A_159 = vector.extract_strided_slice %add3A_158 {offsets = [0, 0], sizes = [16, 1024], strides = [1, 1]} : vector<16x2048xi32> to vector<16x1024xi32>
        %slice3A_160 = vector.extract_strided_slice %add3A_158 {offsets = [0, 1024], sizes = [16, 1024], strides = [1, 1]} : vector<16x2048xi32> to vector<16x1024xi32>
        %add3A_161 = arith.addi %slice3A_159, %slice3A_160 : vector<16x1024xi32>
        %slice3A_162 = vector.extract_strided_slice %add3A_161 {offsets = [0, 0], sizes = [16, 512], strides = [1, 1]} : vector<16x1024xi32> to vector<16x512xi32>
        %slice3A_163 = vector.extract_strided_slice %add3A_161 {offsets = [0, 512], sizes = [16, 512], strides = [1, 1]} : vector<16x1024xi32> to vector<16x512xi32>
        %add3A_164 = arith.addi %slice3A_162, %slice3A_163 : vector<16x512xi32>
        %slice3A_165 = vector.extract_strided_slice %add3A_164 {offsets = [0, 0], sizes = [16, 256], strides = [1, 1]} : vector<16x512xi32> to vector<16x256xi32>
        %slice3A_166 = vector.extract_strided_slice %add3A_164 {offsets = [0, 256], sizes = [16, 256], strides = [1, 1]} : vector<16x512xi32> to vector<16x256xi32>
        %add3A_167 = arith.addi %slice3A_165, %slice3A_166 : vector<16x256xi32>
        %slice3A_168 = vector.extract_strided_slice %add3A_167 {offsets = [0, 0], sizes = [16, 128], strides = [1, 1]} : vector<16x256xi32> to vector<16x128xi32>
        %slice3A_169 = vector.extract_strided_slice %add3A_167 {offsets = [0, 128], sizes = [16, 128], strides = [1, 1]} : vector<16x256xi32> to vector<16x128xi32>
        %add3A_170 = arith.addi %slice3A_168, %slice3A_169 : vector<16x128xi32>
        %reduce_sum3A_171 = arith.constant dense<0> : vector<16xi32>
        %reduce_sum3A_172 = vector.multi_reduction <add>, %add3A_170, %reduce_sum3A_171 [1] : vector<16x128xi32> to vector<16xi32>
        %broadcast_in_dim3A_173 = vector.shape_cast %reduce_sum3A_172 : vector<16xi32> to vector<16x1xi32>
        %ge3A_174 = arith.cmpi sge, %broadcast_in_dim3A_173, %sub3A_95 : vector<16x1xi32>
        %select_n3A_175 = arith.select %ge3A_174, %scan3A_138, %shift_right_arithmetic3A_142 : vector<16x1xi1>, vector<16x1xi32>
        %select_n3A_176 = arith.select %ge3A_174, %shift_right_arithmetic3A_142, %scan3A_139 : vector<16x1xi1>, vector<16x1xi32>
        scf.yield %select_n3A_175, %select_n3A_176 : vector<16x1xi32>, vector<16x1xi32>
      }
      scf.yield %scan3A_136#1 : vector<16x1xi32>
    }
    %gt3A_113 = vector.broadcast %scan3A_35#0 : vector<16x1xi32> to vector<16x32768xi32>
    %gt3A_114 = arith.cmpi sgt, %bitcast_convert_type3A, %gt3A_113 : vector<16x32768xi32>
    %lt3A = vector.broadcast %cond3A_112 : vector<16x1xi32> to vector<16x32768xi32>
    %lt3A_115 = arith.cmpi slt, %iota3A, %lt3A : vector<16x32768xi32>
    %and3A = arith.andi %eq3A_36, %lt3A_115 : vector<16x32768xi1>
    %or3A = arith.ori %gt3A_114, %and3A : vector<16x32768xi1>
    %get3A_116 = arith.constant 0 : index
    %get3A_117 = arith.constant 0 : index
    %get3A_118 = memref.load %arg1[%get3A_116, %get3A_117] : memref<1x1xf32, #tpu.memory_space<smem>>
    %gt3A_119 = vector.broadcast %get3A_118 : f32 to vector<16x1xf32>
    %gt3A_120 = arith.cmpf ogt, %broadcast_in_dim3A, %gt3A_119 : vector<16x1xf32>
    %jit3A_121 = arith.constant 0.000000e+00 : f32
    %broadcast_in_dim3A_122 = vector.broadcast %jit3A_121 : f32 to vector<16x32768xf32>
    %select_n3A = arith.select %or3A, %min3A_4, %broadcast_in_dim3A_122 : vector<16x32768xi1>, vector<16x32768xf32>
    %broadcast_in_dim3A_123 = vector.shape_cast %gt3A_120 : vector<16x1xi1> to vector<16x1xi1>
    %broadcast_in_dim3A_124 = vector.broadcast %broadcast_in_dim3A_123 : vector<16x1xi1> to vector<16x32768xi1>
    %select_n3A_125 = arith.select %broadcast_in_dim3A_124, %select_n3A, %min3A_4 : vector<16x32768xi1>, vector<16x32768xf32>
    %swap3A = arith.constant 0 : index
    %swap3A_126 = arith.constant 0 : index
    %swap3A_127 = vector.load %arg3[%swap3A, %swap3A_126] : memref<16x32768xf32, #tpu.memory_space<vmem>>, vector<16x32768xf32>
    tpu.vector_store %arg3[%swap3A, %swap3A_126], %select_n3A_125 {strides = array<i32>} : memref<16x32768xf32, #tpu.memory_space<vmem>>, vector<16x32768xf32>,
    return
  }
  func.func @transform_0(%arg0: i32) -> (i32, i32) {
    %c0_i32 = arith.constant 0 : i32
    %c0_i32_0 = arith.constant 0 : i32
    %c0_i32_1 = arith.constant 0 : i32
    return %c0_i32, %c0_i32_0 : i32, i32
  }
  func.func @transform_1(%arg0: i32) -> (i32, i32) {
    %c0_i32 = arith.constant 0 : i32
    %c0_i32_0 = arith.constant 0 : i32
    return %arg0, %c0_i32 : i32, i32
  }
  func.func @transform_2(%arg0: i32) -> (i32, i32) {
    %c0_i32 = arith.constant 0 : i32
    %c0_i32_0 = arith.constant 0 : i32
    return %arg0, %c0_i32 : i32, i32
  }
}

</mosaic_0001>

<sc_bundles>
// kernel: kernel.4.cloned.1.call-start
scs
__scs_entry_jumppad:
0x0: {  	(pc) =	sbr.rel $0x88, $3  }
0x1: {  	(tag) =	ssettag $0x0;
	lr =	simm.s32 $0x1  }
0x2: {  	[smem:$0x3F9F] =	sst lr;
	_ =	strace $0xD0000000  }
0x3: {  	_ = 	snop  }
0x4: {  	_ = 	snop  }
0x5: {  	_ = 	snop  }
0x6: {  	_ = 	snop  }
0x7: {  	_ = 	snop  }
__scs_overlays_trampoline_lowered:
0x8: {  	[smem:$0x3FAE] =	sst s0  }
0x9: {  	[smem:$0x3FAF] =	sst s1  }
0xa: {  	[smem:$0x3FB0] =	sst s2  }
0xb: {  	[smem:$0x3FB1] =	sst s3  }
0xc: {  	[smem:$0x3FB2] =	sst s4  }
0xd: {  	[smem:$0x3FB3] =	sst s5  }
0xe: {  	[smem:$0x3FB4] =	sst s6  }
0xf: {  	[smem:$0x3FB5] =	sst s7  }
0x10: {  	[smem:$0x3FB6] =	sst s8  }
0x11: {  	[smem:$0x3FB7] =	sst s9;
	s0 =	simm.s32 @!p0 $0x0  }
0x12: {  	s1 =	sld [smem:$0x3F9D];
	s0 =	simm.s32 @p0 $0x1  }
0x13: {  	[smem:$0x3FB8] =	sst s0;
	s0 =	simm.s32 @!p1 $0x0  }
0x14: {  	s2 =	sld [smem:$0x3F9C];
	s0 =	simm.s32 @p1 $0x1  }
0x15: {  	[smem:$0x3FB9] =	sst s0;
	s0 =	simm.s32 @!p2 $0x0  }
0x16: {  	s3 =	sld [smem:$0x3FDB];
	s0 =	simm.s32 @p2 $0x1  }
0x17: {  	s4 =	simm.s32 $0x1BF5;
	[smem:$0x3FBB] =	sst s0  }
0x18: {  	s0 =	sld [smem:$0x3F9E];
	_ =	swait.ge [sflag:s4], $0x0  }
0x19: {  	s7 =	sld [smem:$0x3F9F]  }
0x1a: {  	s8 =	sadd.s32 $0xFFFFE003, lr  }
0x1b: {  	s9 =	sadd.s32 $0xFFFFFEF7, lr;
	s5 =	simm.s32 $0xFFFFFFFF;
	p2 =	slt.u32 s8, $0xFFFFF086  }
0x1c: {  	p1 =	slt.u32 s9, $0xF7A;
	s5 =	simm.s32 @!p2 $0x0  }
0x1d: {  	s5 =	simm.s32 @p1 $0x1;
	p0 =	seq.s32 s7, s2  }
0x1e: {  	s7 =	smul.u32 @!p0 $0xF7A, s2;
	p2 =	seq.s32 @!p0 s5, $0x0  }
0x1f: {  	s9 =	smul.u32 $0xF7A, s1;
	s8 =	simm.s32 @!p0 $0x1BF5;
	p2 =	por !p2, p0  }
0x20: {  	[sflag:s8] =	ssyncset.s32 @!p0 $0xFFFFF086;
	s6 =	sadd.s32 @!p0 s3, s7;
	s7 =	simm.s32 @!p0 $0x108  }
0x21: {  	s3 =	sadd.s32 s3, s9;
	s6 =	sadd.s32 @!p0 $0x88, s6;
	s7 =	simm.s32 @p2 $0x1082  }
0x22: {  	[simem:s7], [sflag:s8] =	dma.local @!p0 [hbm:s6], $0xF7A  }
0x23: {  	s9 =	sor.u32 $0xD0000000, s2;
	s6 =	simm.s32 $0x108;
	_ =	swait.ge @!p0 [sflag:s8], $0x0  }
0x24: {  	s3 =	sadd.s32 $0x88, s3;
	s6 =	simm.s32 @!p1 $0x1082;
	[sflag:s4] =	ssyncset.s32 $0xFFFFF086  }
0x25: {  	[simem:s6], [sflag:s4] =	dma.local [hbm:s3], $0xF7A  }
0x26: {  	[smem:$0x3F9F] =	sst s1;
	(tag) =	ssettag s2;
	_ =	strace s9  }
0x27: {  	s1 =	sld [smem:$0x3FAF]  }
0x28: {  	s2 =	sld [smem:$0x3FB0]  }
0x29: {  	s4 =	sld [smem:$0x3FB2]  }
0x2a: {  	p0 =	seq.s32 s5, $0x0;
	s5 =	sld [smem:$0x3FB3]  }
0x2b: {  	s6 =	sld [smem:$0x3FB4]  }
0x2c: {  	s7 =	sld [smem:$0x3FB5]  }
0x2d: {  	s3 =	simm.s32 $0x108;
	s8 =	sld [smem:$0x3FB6]  }
0x2e: {  	s3 =	simm.s32 @!p0 $0x1082;
	s9 =	sld [smem:$0x3FB7]  }
0x2f: {  	lr =	sadd.s32 s0, s3;
	s0 =	sld [smem:$0x3FAE]  }
0x30: {  	s3 =	sld [smem:$0x3FB1]  }
0x31: {  	[smem:$0x3FBA] =	sst s10  }
0x32: {  	s10 =	sld [smem:$0x3FB8];
	_ =	sdelay $0x3  }
0x33: {  	p0 =	seq.s32 s10, $0x1;
	s10 =	sld [smem:$0x3FBA];
	_ =	sdelay $0x3  }
0x34: {  	[smem:$0x3FBA] =	sst s10  }
0x35: {  	s10 =	sld [smem:$0x3FB9];
	_ =	sdelay $0x3  }
0x36: {  	p1 =	seq.s32 s10, $0x1;
	s10 =	sld [smem:$0x3FBA];
	_ =	sdelay $0x3  }
0x37: {  	[smem:$0x3FBA] =	sst s10  }
0x38: {  	s10 =	sld [smem:$0x3FBB]  }
0x39: {  	_ = 	snop;
	(pc) =	sbr.ind lr, $3  }
0x3a: {  	_ = 	snop  }
0x3b: {  	_ = 	snop  }
0x3c: {  	p2 =	seq.s32 s10, $0x1;
	s10 =	sld [smem:$0x3FBA]  }
0x3d: {  	_ =	shalt  }
0x3e: {  	_ =	shalt  }
0x3f: {  	_ =	shalt  }
0x40: {  	_ =	shalt  }
0x41: {  	_ =	shalt  }
0x42: {  	_ =	shalt  }
0x43: {  	_ =	shalt  }
0x44: {  	_ =	shalt  }
0x45: {  	_ =	shalt  }
0x46: {  	_ =	shalt  }
0x47: {  	_ =	shalt  }
0x48: {  	_ =	shalt  }
0x49: {  	_ =	shalt  }
0x4a: {  	_ =	shalt  }
0x4b: {  	_ =	shalt  }
0x4c: {  	_ =	shalt  }
0x4d: {  	_ =	shalt  }
0x4e: {  	_ =	shalt  }
0x4f: {  	_ =	shalt  }
0x50: {  	_ =	shalt  }
0x51: {  	_ =	shalt  }
0x52: {  	_ =	shalt  }
0x53: {  	_ =	shalt  }
0x54: {  	_ =	shalt  }
0x55: {  	_ =	shalt  }
0x56: {  	_ =	shalt  }
0x57: {  	_ =	shalt  }
0x58: {  	_ =	shalt  }
0x59: {  	_ =	shalt  }
0x5a: {  	_ =	shalt  }
0x5b: {  	_ =	shalt  }
0x5c: {  	_ =	shalt  }
0x5d: {  	_ =	shalt  }
0x5e: {  	_ =	shalt  }
0x5f: {  	_ =	shalt  }
0x60: {  	_ =	shalt  }
0x61: {  	_ =	shalt  }
0x62: {  	_ =	shalt  }
0x63: {  	_ =	shalt  }
0x64: {  	_ =	shalt  }
0x65: {  	_ =	shalt  }
0x66: {  	_ =	shalt  }
0x67: {  	_ =	shalt  }
0x68: {  	_ =	shalt  }
0x69: {  	_ =	shalt  }
0x6a: {  	_ =	shalt  }
0x6b: {  	_ =	shalt  }
0x6c: {  	_ =	shalt  }
0x6d: {  	_ =	shalt  }
0x6e: {  	_ =	shalt  }
0x6f: {  	_ =	shalt  }
0x70: {  	_ =	shalt  }
0x71: {  	_ =	shalt  }
0x72: {  	_ =	shalt  }
0x73: {  	_ =	shalt  }
0x74: {  	_ =	shalt  }
0x75: {  	_ =	shalt  }
0x76: {  	_ =	shalt  }
0x77: {  	_ =	shalt  }
0x78: {  	_ =	shalt  }
0x79: {  	_ =	shalt  }
0x7a: {  	_ =	shalt  }
0x7b: {  	_ =	shalt  }
0x7c: {  	_ =	shalt  }
0x7d: {  	_ =	shalt  }
0x7e: {  	_ =	shalt  }
0x7f: {  	_ =	shalt  }
0x80: {  	_ =	shalt  }
0x81: {  	_ =	shalt  }
0x82: {  	_ =	shalt  }
0x83: {  	_ =	shalt  }
0x84: {  	_ =	shalt  }
0x85: {  	_ =	shalt  }
0x86: {  	_ =	shalt  }
0x87: {  	_ =	shalt  }
.Lfunc_end0:
.L_simem_size_0:
called_computation_lowered:
.L_overlay_start_0:
0x88: {  	s2 =	sld [smem:$0x3FD9]  }
0x89: {  	s3 =	sld [smem:$0x3FFE];
	_ =	sdelay $0x1  }
0x8a: {  	s1 =	srdreg.scid  }
0x8b: {  	s0 =	sand.u32 $0x1, s1  }
0x8c: {  	s17 =	sshll.u32 s0, $0xA;
	s2 =	sadd.s32 s3, s2  }
0x8d: {  	s2 =	sadd.s32 s2, s17  }
0x8e: {  	[smem:$0x3FC6] =	sst s2  }
0x8f: {  	_ = 	snop  }
0x90: {  	s2 =	sld [smem:$0x3FD0];
	(tm) =	ssettm $0x1  }
0x91: {  	s18 =	sld [smem:$0x3FFB];
	_ =	sdelay $0x3  }
0x92: {  	_ =	strace s18  }
0x93: {  	s3 =	sld [smem:$0x3FFC];
	_ =	sdelay $0x3  }
0x94: {  	_ =	strace s3  }
0x95: {  	s3 =	sld [smem:$0x3FFD];
	_ =	sdelay $0x3  }
0x96: {  	_ =	strace s3  }
0x97: {  	_ =	strace $0x8FFFFFFF  }
0x98: {  	s19 =	sld [smem:$0x3FDB];
	_ =	sdelay $0x1  }
0x99: {  	s4 =	simm.s32 $_scs_section_size  }
0x9a: {  	s5 =	simm.s32 $_size__tile_overlayer_lowered;
	s6 =	simm.s32 $_tile_overlayer_lowered  }
0x9b: {  	s22 =	simm.s32 $0x1BFF;
	s21 =	sshll.u32 s6, $0x1;
	s3 =	sadd.s32 s4, s19  }
0x9c: {  	s7 =	simm.s32 $0x0;
	s20 =	sshll.u32 s5, $0x1;
	s5 =	sadd.s32 s21, s3  }
0x9d: {  	[timem:s7], [sflag:s22] =	dma.local [hbm:s5], s20  }
0x9e: {  	_ =	swait.ge [sflag:s22], s20  }
0x9f: {  	s4 =	ssub.s32 $0x0, s20;
	[sflag:s22] =	ssyncset.done $0x0  }
0xa0: {  	[sflag:s22] =	ssyncadd.s32 s4;
	_ =	sdelay $0x1  }
0xa1: {  	s23 =	simm.s32 $0x1B8B  }
0xa2: {  	_ =	swait.ge [sflag:s23], $0x1  }
0xa3: {  	[sflag:s23] =	ssyncset.done $0x0  }
0xa4: {  	s25 =	simm.s32 $0x1B8E;
	s24 =	sld [smem:$0x3FFE];
	[sflag:s23] =	ssyncadd.s32 $0xFFFFFFFF  }
0xa5: {  	s26 =	simm.s32 $execute0_lowered;
	[smem:$0x3FD2] =	sst s25  }
0xa6: {  	s5 =	sshll.u32 s26, $0x1;
	_ =	strace $0x80000046;
	[dreg:$0x1] =	wrdreg $0xFFFFFFFF  }
0xa7: {  	s28 =	simm.s32 $_size_execute0_lowered;
	s3 =	sadd.s32 s3, s5;
	[dreg:$0x0] =	wrdreg $0x0  }
0xa8: {  	s5 =	sshll.u32 s28, $0x1;
	[dreg:$0x2] =	wrdreg s3  }
0xa9: {  	[dreg:$0x3] =	wrdreg s5  }
0xaa: {  	[dreg:$0x4] =	wrdreg $0xC0  }
0xab: {  	_ =	task [dreg:s7], $0x5FFFF  }
0xac: {  	[dreg:$0x1] =	wrdreg $0xFFFFFFFF  }
0xad: {  	[dreg:$0x0] =	wrdreg $0x60  }
0xae: {  	[dreg:$0x2] =	wrdreg s2  }
0xaf: {  	[dreg:$0x3] =	wrdreg s24  }
0xb0: {  	[dreg:$0x4] =	wrdreg $0x9  }
0xb1: {  	_ =	task.clear_ibuf [dreg:s7], $0x5FFFF;
	_ =	strace $0x90000046  }
0xb2: {  	s29 =	simm.s32 $0x9;
	_ =	strace $0x80000048  }
0xb3: {  	_ =	swait.ge [sflag:s29], $0x1  }
0xb4: {  	[sflag:s29] =	ssyncadd.s32 $0xFFFFFFFF  }
0xb5: {  	_ =	strace $0x90000048  }
0xb6: {  	_ =	sfence  }
0xb7: {  	s30 =	sld [smem:$0x0];
	_ =	sdelay $0x2  }
0xb8: {  	s31 =	sshll.u32 s1, $0xD;
	s1 =	sshrl.u32 s1, $0x2  }
0xb9: {  	s3 =	sand.u32 $0x4000, s31;
	s1 =	sadd.s32 s1, s30  }
0xba: {  	s0 =	sor.u32 s3, s0;
	s1 =	sshll.u32 s1, $0x11  }
0xbb: {  	s0 =	sor.u32 s1, s0  }
0xbc: {  	s0 =	sadd.s32 $0x8F2B, s0  }
0xbd: {  	[sflag:s0] =	ssyncadd.remote.s32 $0x1  }
0xbe: {  	_ =	sfence.sel $0xFFFF  }
0xbf: {  	[dreg:$0x0] =	wrdreg $0xFFFFFFFF;
	(pc) =	sbr.abs _section_cstart, $3  }
0xc0: {  	[dreg:$0x1] =	wrdreg $0xFFFFFFFF  }
0xc1: {  	_ =	task.clear_ibuf [dreg:s7], $0x2FFFF;
	_ =	strace $0x9FFFFFFF  }
0xc2: {  	(tm) =	ssettm $0x7FFFFFFF  }
0xc3: {  	_ =	shalt  }
tec
execute0_lowered:
.L_overlay_start_1:
0x0: {  	(tag) =	ssettag $0x1  }
0x1: {  	v0 =	vlaneseq.u32  }
0x2: {  	v37 =	vmul.u32 $0x10, v0;
	_ =	sdelay $0x1  }
0x3: {  	v1 =	vor.u32 $0x1, v37  }
0x4: {  	[tilespmem:$0x1FD20] =	vst v1;
	v1 =	vor.u32 $0x2, v37  }
0x5: {  	[tilespmem:$0x1FD30] =	vst v1;
	v1 =	vor.u32 $0x3, v37  }
0x6: {  	[tilespmem:$0x1FD40] =	vst v1;
	v1 =	vor.u32 $0x4, v37  }
0x7: {  	[tilespmem:$0x1FD50] =	vst v1;
	v1 =	vor.u32 $0x5, v37  }
0x8: {  	[tilespmem:$0x1FD60] =	vst v1;
	v1 =	vor.u32 $0x6, v37  }
0x9: {  	[tilespmem:$0x1FD70] =	vst v1;
	v1 =	vor.u32 $0x7, v37  }
0xa: {  	[tilespmem:$0x1FD80] =	vst v1;
	v1 =	vor.u32 $0x8, v37  }
0xb: {  	[tilespmem:$0x1FD90] =	vst v1;
	v1 =	vor.u32 $0x9, v37  }
0xc: {  	[tilespmem:$0x1FDA0] =	vst v1;
	v1 =	vor.u32 $0xA, v37  }
0xd: {  	[tilespmem:$0x1FDB0] =	vst v1;
	v1 =	vor.u32 $0xB, v37  }
0xe: {  	[tilespmem:$0x1FDC0] =	vst v1;
	v1 =	vor.u32 $0xC, v37  }
0xf: {  	[tilespmem:$0x1FDD0] =	vst v1;
	v1 =	vor.u32 $0xD, v37  }
0x10: {  	[tilespmem:$0x1FDE0] =	vst v1;
	v1 =	vor.u32 $0xE, v37  }
0x11: {  	[tilespmem:$0x1FDF0] =	vst v1;
	v1 =	vor.u32 $0xF, v37  }
0x12: {  	[tilespmem:$0x1FE00] =	vst v1;
	v1 =	vor.u32 $0x100, v37  }
0x13: {  	[tilespmem:$0x1FE10] =	vst v1;
	v1 =	vor.u32 $0x101, v37  }
0x14: {  	[tilespmem:$0x1FE20] =	vst v1;
	v1 =	vor.u32 $0x102, v37  }
0x15: {  	[tilespmem:$0x1FE30] =	vst v1;
	v1 =	vor.u32 $0x103, v37  }
0x16: {  	[tilespmem:$0x1FE40] =	vst v1;
	v1 =	vor.u32 $0x104, v37  }
0x17: {  	[tilespmem:$0x1FE50] =	vst v1;
	v1 =	vor.u32 $0x105, v37  }
0x18: {  	[tilespmem:$0x1FE60] =	vst v1;
	v1 =	vor.u32 $0x106, v37  }
0x19: {  	[tilespmem:$0x1FE70] =	vst v1;
	v1 =	vor.u32 $0x107, v37  }
0x1a: {  	[tilespmem:$0x1FE80] =	vst v1;
	v1 =	vor.u32 $0x108, v37  }
0x1b: {  	[tilespmem:$0x1FE90] =	vst v1;
	v1 =	vor.u32 $0x109, v37  }
0x1c: {  	[tilespmem:$0x1FEA0] =	vst v1;
	v1 =	vor.u32 $0x10A, v37  }
0x1d: {  	s4 =	rddreg [dreg:$0x0];
	[tilespmem:$0x1FEB0] =	vst v1;
	v1 =	vor.u32 $0x10B, v37  }
0x1e: {  	s5 =	rddreg [dreg:$0x1];
	s2 =	simm.s32 $0x0;
	[tilespmem:$0x1FEC0] =	vst v1;
	v1 =	vor.u32 $0x10C, v37  }
0x1f: {  	[smem:$0x7FF] =	sst s2;
	[tilespmem:$0x1FED0] =	vst v1;
	v1 =	vor.u32 $0x10D, v37  }
0x20: {  	s0 =	rddreg [dreg:$0x2];
	_ =	strace $0x80000047;
	[tilespmem:$0x1FEE0] =	vst v1;
	v1 =	vor.u32 $0x10E, v37  }
0x21: {  	[tilespmem:$0x1FEF0] =	vst v1;
	v1 =	vor.u32 $0x10F, v37  }
0x22: {  	[tilespmem:$0x1FF00] =	vst v1;
	v1 =	vor.u32 $0x200, v37  }
0x23: {  	[tilespmem:$0x1FF10] =	vst v1;
	v1 =	vor.u32 $0x201, v37  }
0x24: {  	[tilespmem:$0x1FF20] =	vst v1;
	v1 =	vor.u32 $0x202, v37  }
0x25: {  	[tilespmem:$0x1FF30] =	vst v1;
	v1 =	vor.u32 $0x203, v37  }
0x26: {  	[tilespmem:$0x1FF40] =	vst v1;
	v1 =	vor.u32 $0x204, v37  }
0x27: {  	[tilespmem:$0x1FF50] =	vst v1;
	v1 =	vor.u32 $0x205, v37  }
0x28: {  	[tilespmem:$0x1FF60] =	vst v1;
	v1 =	vor.u32 $0x206, v37  }
0x29: {  	s3 =	srdreg.scid;
	s1 =	stileid.u32;
	s9 =	simm.s32 $0x80;
	[tilespmem:$0x1FF70] =	vst v1;
	v1 =	vor.u32 $0x207, v37  }
0x2a: {  	s10 =	simm.s32 $0x400;
	s11 =	simm.s32 $0x10100;
	s12 =	simm.s32 $0x8000;
	[tilespmem:$0x1FF80] =	vst v1;
	v1 =	vor.u32 $0x208, v37  }
0x2b: {  	s13 =	simm.s32 $0x10000;
	s14 =	simm.s32 $0x0;
	s3 =	sand.u32 $0x1, s3;
	[tilespmem:$0x1FF90] =	vst v1;
	v1 =	vor.u32 $0x209, v37  }
0x2c: {  	s6 =	sshll.u32 s1, $0x5;
	s7 =	sshll.u32 s1, $0xD;
	s8 =	sshll.u32 s3, $0x4;
	[tilespmem:$0x1FFA0] =	vst v1;
	v1 =	vor.u32 $0x20A, v37  }
.Ltmp0:
0x2d: {  	s6 =	sand.u32 $0x60, s6;
	s7 =	sand.u32 $0x18000, s7;
	[tilespmem:$0x1FFB0] =	vst v1;
	v1 =	vor.u32 $0x20B, v37;
	(pc) =	sbr.rel .LBB2_1-.Ltmp0, $4  }
0x2e: {  	s30 =	ssub.s32 $0x2, s3;
	s3 =	sadd.s32 $0x800, s5;
	s6 =	sor.u32 s8, s6;
	[tilespmem:$0x1FFC0] =	vst v1;
	v1 =	vor.u32 $0x20C, v37  }
0x2f: {  	s31 =	sshrl.u32 s30, $0x1;
	s8 =	simm.s32 $0x1;
	s6 =	sor.u32 s7, s6;
	[tilespmem:$0x1FFD0] =	vst v1;
	v1 =	vor.u32 $0x20D, v37  }
0x30: {  	s7 =	ssub.s32 s30, s31;
	s5 =	sadd.s32 s6, s5;
	s4 =	sadd.s32 s4, s6;
	[tilespmem:$0x1FFE0] =	vst v1;
	v1 =	vor.u32 $0x20E, v37  }
0x31: {  	v2 =	vimm.s32 $0x0;
	v3 =	vimm.s32 $0x1;
	s6 =	smax.u32 s7, $0x1;
	s7 =	simm.s32 $0x10900;
	s5 =	sadd.s32 $0xA00, s5;
	[tilespmem:$0x1FFF0] =	vst v1  }
.LBB2_33:
0x32: {  	s14 =	sadd.s32 $0x1, s14  }
0x33: {  	p0 =	sne.s32 s14, s6  }
.Ltmp1:
0x34: {  	_ = 	snop;
	(pc) =	sbr.rel @!p0 .LBB2_34-.Ltmp1, $4  }
0x35: {  	[hbm4b:s5+s9] =	stream.strided.scatter [tilespmem:s12], [sflag:$0x1], $0x8000, s10, s9, $0x38;
	[tilespmem:$0x10980] =	vst v63  }
0x36: {  	_ =	swait.ge [sflag:s8], $0x8000  }
0x37: {  	[sflag:s8] =	ssyncset.done $0x0  }
0x38: {  	[sflag:s8] =	ssyncadd.s32 $0xFFFF8000  }
.LBB2_1:
0x39: {  	[tilespmem:s7], [sflag:$0x1] =	stream.linear.gather [hbm4b:s3+s2], $0x80, $0x38;
	[tilespmem:$0x10980] =	vst v63  }
0x3a: {  	_ =	swait.ge [sflag:s8], $0x80  }
0x3b: {  	[sflag:s8] =	ssyncset.done $0x0  }
0x3c: {  	[sflag:s8] =	ssyncadd.s32 $0xFFFFFF80  }
0x3d: {  	v1 =	vld [tilespmem:$0x10900];
	_ =	sdelay $0x3  }
0x3e: {  	[tilespmem:s2], [sflag:$0x1] =	stream.strided.gather [hbm4b:s4+s9], $0x8000, s10, s9, $0x38;
	[tilespmem:$0x10980] =	vst v63  }
0x3f: {  	[tilespmem:$0x1FD10] =	vst v1  }
0x40: {  	_ =	swait.ge [sflag:s8], $0x8000  }
0x41: {  	[sflag:s8] =	ssyncset.done $0x0  }
0x42: {  	s15 =	simm.s32 $0x10120;
	[sflag:s8] =	ssyncadd.s32 $0xFFFF8000  }
0x43: {  	[tilespmem:s15+$0xFFFFFFE0] =	vst v2  }
0x44: {  	[tilespmem:s15+$0x10] =	vst v2  }
0x45: {  	s16 =	simm.s32 $0x0;
	s18 =	simm.s32 $0x40;
	[tilespmem:s15+$0x0] =	vst v2  }
.LBB2_2:
0x46: {  	s16 =	sadd.s32 $0x4, s16  }
0x47: {  	[tilespmem:s15+$0xFFFFFFF0] =	vst v2;
	s15 =	sadd.s32 $0x40, s15;
	v4 =	vimm.f32 $0.0e+00;
	p0 =	slt.u32 s16, $0x7C  }
.Ltmp2:
0x48: {  	[tilespmem:s15+$0xFFFFFFE0] =	vst v2;
	(pc) =	sbr.rel @p0 .LBB2_2-.Ltmp2, $3  }
0x49: {  	_ =	sdelay $0x1  }
0x4a: {  	[tilespmem:s15+$0x10] =	vst v2  }
0x4b: {  	[tilespmem:s15+$0x0] =	vst v2  }
0x4c: {  	[tilespmem:s15+$0xFFFFFFF0] =	vst v2  }
0x4d: {  	v5 =	vld [tilespmem:s18+$0xFFFFFFC0];
	_ =	sdelay $0x1  }
0x4e: {  	v6 =	vld [tilespmem:s18+$0x0];
	_ =	sdelay $0x2  }
0x4f: {  	v5 =	vmax.f32 v5, $0.0e+00  }
0x50: {  	v5 =	vmin.f32 v5, $1.000000000e+00  }
0x51: {  	v6 =	vmax.f32 v6, $0.0e+00;
	v7 =	vsub.f32 $1.000000000e+00, v5  }
0x52: {  	v12 =	vmin.f32 v6, $1.000000000e+00  }
0x53: {  	v6 =	vsub.f32 $1.000000000e+00, v12;
	v7 =	vshra.s32 v7, $0x13  }
0x54: {  	v7 =	vand.u32 $0xFFFFFFF0, v7  }
0x55: {  	v6 =	vshra.s32 v6, $0x13;
	v7 =	vor.u32 v0, v7  }
0x56: {  	s15 =	simm.s32 $0xC0;
	v6 =	vand.u32 $0xFFFFFFF0, v6  }
0x57: {  	v8 =	vld [tilespmem:s15+$0xFFFFFFC0];
	v6 =	vor.u32 v0, v6  }
0x58: {  	v9 =	vld [tilespmem:s15+$0x0];
	_ =	sdelay $0x1  }
0x59: {  	[tilespmem:v7+s11+$0x0] =	vst.idx.add.s32.msk $0xffff, v3  }
0x5a: {  	v7 =	vld [tilespmem:s18+$0xFFFFFFD0]  }
0x5b: {  	[tilespmem:v6+s11+$0x0] =	vst.idx.add.s32.msk $0xffff, v3;
	v6 =	vmax.f32 v8, $0.0e+00  }
0x5c: {  	v8 =	vmax.f32 v9, $0.0e+00;
	v53 =	vmin.f32 v6, $1.000000000e+00;
	v6 =	vld [tilespmem:s18+$0x10]  }
0x5d: {  	v54 =	vmin.f32 v8, $1.000000000e+00  }
0x5e: {  	v9 =	vsub.f32 $1.000000000e+00, v53;
	v8 =	vsub.f32 $1.000000000e+00, v54  }
0x5f: {  	v7 =	vmax.f32 v7, $0.0e+00  }
0x60: {  	v9 =	vshra.s32 v9, $0x13;
	v8 =	vshra.s32 v8, $0x13;
	v7 =	vmin.f32 v7, $1.000000000e+00  }
0x61: {  	v9 =	vand.u32 $0xFFFFFFF0, v9;
	v6 =	vmax.f32 v6, $0.0e+00;
	v10 =	vsub.f32 $1.000000000e+00, v7  }
0x62: {  	v8 =	vand.u32 $0xFFFFFFF0, v8;
	v9 =	vor.u32 v0, v9;
	v13 =	vmin.f32 v6, $1.000000000e+00  }
0x63: {  	s16 =	simm.s32 $0x140;
	v6 =	vor.u32 v0, v8;
	v8 =	vshra.s32 v10, $0x13;
	v10 =	vsub.f32 $1.000000000e+00, v13  }
0x64: {  	v11 =	vld [tilespmem:s16+$0xFFFFFFC0];
	v8 =	vand.u32 $0xFFFFFFF0, v8  }
0x65: {  	v8 =	vor.u32 v0, v8;
	v10 =	vshra.s32 v10, $0x13  }
0x66: {  	v14 =	vld [tilespmem:s16+$0x0];
	v10 =	vand.u32 $0xFFFFFFF0, v10  }
0x67: {  	[tilespmem:v9+s11+$0x0] =	vst.idx.add.s32.msk $0xffff, v3;
	v9 =	vor.u32 v0, v10  }
0x68: {  	[tilespmem:v6+s11+$0x0] =	vst.idx.add.s32.msk $0xffff, v3  }
0x69: {  	v6 =	vld [tilespmem:s15+$0xFFFFFFD0];
	v10 =	vmax.f32 v11, $0.0e+00  }
0x6a: {  	v52 =	vmin.f32 v10, $1.000000000e+00;
	[tilespmem:v8+s11+$0x0] =	vst.idx.add.s32.msk $0xffff, v3  }
0x6b: {  	v11 =	vsub.f32 $1.000000000e+00, v52;
	v8 =	vmax.f32 v14, $0.0e+00;
	v10 =	vld [tilespmem:s18+$0xFFFFFFE0]  }
0x6c: {  	v51 =	vmin.f32 v8, $1.000000000e+00;
	[tilespmem:v9+s11+$0x0] =	vst.idx.add.s32.msk $0xffff, v3  }
0x6d: {  	v11 =	vshra.s32 v11, $0x13;
	v8 =	vsub.f32 $1.000000000e+00, v51;
	v9 =	vld [tilespmem:s18+$0x20]  }
0x6e: {  	v6 =	vmax.f32 v6, $0.0e+00;
	v14 =	vld [tilespmem:s15+$0x10];
	v11 =	vand.u32 $0xFFFFFFF0, v11  }
0x6f: {  	v57 =	vmin.f32 v6, $1.000000000e+00;
	v11 =	vor.u32 v0, v11;
	v8 =	vshra.s32 v8, $0x13  }
0x70: {  	v6 =	vand.u32 $0xFFFFFFF0, v8;
	v8 =	vsub.f32 $1.000000000e+00, v57;
	v10 =	vmax.f32 v10, $0.0e+00  }
0x71: {  	v6 =	vor.u32 v0, v6;
	v15 =	vmin.f32 v10, $1.000000000e+00  }
0x72: {  	s17 =	simm.s32 $0x1C0;
	v8 =	vshra.s32 v8, $0x13;
	v10 =	vsub.f32 $1.000000000e+00, v15;
	v9 =	vmax.f32 v9, $0.0e+00  }
0x73: {  	v18 =	vld [tilespmem:s17+$0x0];
	v14 =	vmax.f32 v14, $0.0e+00;
	v8 =	vand.u32 $0xFFFFFFF0, v8;
	v16 =	vmin.f32 v9, $1.000000000e+00  }
0x74: {  	[tilespmem:v11+s11+$0x0] =	vst.idx.add.s32.msk $0xffff, v3;
	v8 =	vor.u32 v0, v8;
	v10 =	vshra.s32 v10, $0x13;
	v17 =	vsub.f32 $1.000000000e+00, v16  }
0x75: {  	v58 =	vmin.f32 v14, $1.000000000e+00;
	v9 =	vld [tilespmem:s17+$0xFFFFFFC0];
	v10 =	vand.u32 $0xFFFFFFF0, v10  }
0x76: {  	v11 =	vsub.f32 $1.000000000e+00, v58;
	[tilespmem:v6+s11+$0x0] =	vst.idx.add.s32.msk $0xffff, v3;
	v10 =	vor.u32 v0, v10;
	v14 =	vshra.s32 v17, $0x13  }
0x77: {  	v20 =	vld [tilespmem:s16+$0x10];
	v6 =	vand.u32 $0xFFFFFFF0, v14  }
0x78: {  	v11 =	vshra.s32 v11, $0x13;
	v14 =	vld [tilespmem:s16+$0xFFFFFFD0];
	v6 =	vor.u32 v0, v6  }
0x79: {  	[tilespmem:v8+s11+$0x0] =	vst.idx.add.s32.msk $0xffff, v3;
	v8 =	vand.u32 $0xFFFFFFF0, v11  }
0x7a: {  	v11 =	vld [tilespmem:s15+$0xFFFFFFE0];
	v8 =	vor.u32 v0, v8  }
0x7b: {  	v5 =	vadd.f32 v5, v4;
	v9 =	vmax.f32 v9, $0.0e+00;
	[tilespmem:v10+s11+$0x0] =	vst.idx.add.s32.msk $0xffff, v3  }
0x7c: {  	v7 =	vadd.f32 v7, v4;
	v56 =	vmin.f32 v9, $1.000000000e+00;
	v9 =	vmax.f32 v18, $0.0e+00;
	v49 =	vld [tilespmem:s18+$0xFFFFFFF0]  }
0x7d: {  	v48 =	vsub.f32 $1.000000000e+00, v56;
	v55 =	vmin.f32 v9, $1.000000000e+00;
	v14 =	vmax.f32 v14, $0.0e+00;
	[tilespmem:v6+s11+$0x0] =	vst.idx.add.s32.msk $0xffff, v3  }
0x7e: {  	v62 =	vadd.f32 v12, v5;
	v9 =	vsub.f32 $1.000000000e+00, v55;
	v60 =	vmin.f32 v14, $1.000000000e+00;
	v14 =	vld [tilespmem:s18+$0x30]  }
0x7f: {  	v63 =	vadd.f32 v13, v7;
	v15 =	vadd.f32 v15, v4;
	v10 =	vshra.s32 v48, $0x13;
	[tilespmem:v8+s11+$0x0] =	vst.idx.add.s32.msk $0xffff, v3  }
0x80: {  	v12 =	vmax.f32 v20, $0.0e+00;
	v6 =	vand.u32 $0xFFFFFFF0, v10;
	v9 =	vshra.s32 v9, $0x13;
	v19 =	vld [tilespmem:s15+$0x20]  }
0x81: {  	v9 =	vand.u32 $0xFFFFFFF0, v9;
	v50 =	vsub.f32 $1.000000000e+00, v60;
	v10 =	vmax.f32 v11, $0.0e+00  }
0x82: {  	v11 =	vor.u32 v0, v6;
	v9 =	vor.u32 v0, v9;
	v6 =	vmax.f32 v49, $0.0e+00  }
0x83: {  	v10 =	vmin.f32 v10, $1.000000000e+00;
	v17 =	vshra.s32 v50, $0x13;
	v6 =	vmin.f32 v6, $1.000000000e+00  }
0x84: {  	v8 =	vsub.f32 $1.000000000e+00, v10;
	v59 =	vadd.f32 v6, v4;
	v4 =	vmax.f32 v14, $0.0e+00  }
0x85: {  	v13 =	vand.u32 $0xFFFFFFF0, v17;
	v7 =	vmin.f32 v4, $1.000000000e+00;
	v14 =	vmax.f32 v19, $0.0e+00  }
0x86: {  	s19 =	simm.s32 $0x240;
	s18 =	simm.s32 $0x6;
	v4 =	vadd.f32 v16, v15;
	v5 =	vadd.f32 v7, v59;
	v61 =	vmin.f32 v14, $1.000000000e+00  }
.LBB2_4:
0x87: {  	v14 =	vld [tilespmem:s19+$0xFFFFFFC0];
	v13 =	vor.u32 v0, v13;
	v8 =	vshra.s32 v8, $0x13;
	v15 =	vsub.f32 $1.000000000e+00, v61;
	v16 =	vmovc v55;
	v17 =	vmovc v57  }
0x88: {  	v12 =	vmin.f32 v12, $1.000000000e+00;
	v6 =	vsub.f32 $1.000000000e+00, v6;
	v57 =	vmovc v60;
	v19 =	vmovc v10;
	v18 =	vld [tilespmem:s19+$0x0];
	v8 =	vand.u32 $0xFFFFFFF0, v8  }
0x89: {  	v10 =	vsub.f32 $1.000000000e+00, v12;
	[tilespmem:v11+s11+$0x0] =	vst.idx.add.s32.msk $0xffff, v3;
	v8 =	vor.u32 v0, v8;
	v11 =	vshra.s32 v15, $0x13  }
0x8a: {  	v7 =	vsub.f32 $1.000000000e+00, v7;
	v6 =	vshra.s32 v6, $0x13;
	[tilespmem:v9+s11+$0x0] =	vst.idx.add.s32.msk $0xffff, v3;
	v9 =	vand.u32 $0xFFFFFFF0, v11  }
0x8b: {  	v10 =	vshra.s32 v10, $0x13;
	v6 =	vand.u32 $0xFFFFFFF0, v6;
	v11 =	vld [tilespmem:s17+$0xFFFFFFD0];
	v9 =	vor.u32 v0, v9  }
0x8c: {  	v7 =	vshra.s32 v7, $0x13;
	v10 =	vand.u32 $0xFFFFFFF0, v10;
	v14 =	vmax.f32 v14, $0.0e+00;
	[tilespmem:v13+s11+$0x0] =	vst.idx.add.s32.msk $0xffff, v3  }
0x8d: {  	v10 =	vor.u32 v0, v10;
	v13 =	vmin.f32 v14, $1.000000000e+00;
	v14 =	vmax.f32 v18, $0.0e+00;
	v15 =	vld [tilespmem:s16+$0xFFFFFFE0]  }
0x8e: {  	s18 =	sadd.s32 $0x2, s18;
	v7 =	vand.u32 $0xFFFFFFF0, v7;
	v18 =	vsub.f32 $1.000000000e+00, v13;
	v55 =	vmin.f32 v14, $1.000000000e+00;
	[tilespmem:v8+s11+$0x0] =	vst.idx.add.s32.msk $0xffff, v3  }
0x8f: {  	p0 =	slt.u32 s18, $0x1FE;
	v20 =	vor.u32 v0, v6;
	v7 =	vor.u32 v0, v7;
	v8 =	vsub.f32 $1.000000000e+00, v55;
	v14 =	vld [tilespmem:s15+$0xFFFFFFF0]  }
0x90: {  	v6 =	vshra.s32 v18, $0x13;
	v11 =	vmax.f32 v11, $0.0e+00;
	[tilespmem:v9+s11+$0x0] =	vst.idx.add.s32.msk $0xffff, v3  }
0x91: {  	v6 =	vand.u32 $0xFFFFFFF0, v6;
	v8 =	vshra.s32 v8, $0x13;
	v60 =	vmin.f32 v11, $1.000000000e+00;
	v18 =	vld [tilespmem:s15+$0x30];
	s15 =	smov.u32 s16;
	s16 =	smov.u32 s17;
	s17 =	smov.u32 s19  }
0x92: {  	v8 =	vand.u32 $0xFFFFFFF0, v8;
	v21 =	vsub.f32 $1.000000000e+00, v60;
	v15 =	vmax.f32 v15, $0.0e+00;
	[tilespmem:v10+s11+$0x0] =	vst.idx.add.s32.msk $0xffff, v3  }
0x93: {  	v11 =	vor.u32 v0, v6;
	v9 =	vor.u32 v0, v8;
	v10 =	vmin.f32 v15, $1.000000000e+00;
	v15 =	vld [tilespmem:s15+$0x20]  }
0x94: {  	v21 =	vshra.s32 v21, $0x13;
	v22 =	vld [tilespmem:s16+$0x10];
	v8 =	vsub.f32 $1.000000000e+00, v10;
	v6 =	vmax.f32 v14, $0.0e+00  }
.Ltmp3:
0x95: {  	v17 =	vadd.f32 v17, v63;
	v14 =	vadd.f32 v53, v62;
	v6 =	vmin.f32 v6, $1.000000000e+00;
	[tilespmem:v20+s11+$0x0] =	vst.idx.add.s32.msk $0xffff, v3;
	(pc) =	sbr.rel @p0 .LBB2_4-.Ltmp3, $4  }
0x96: {  	v4 =	vadd.f32 v19, v4;
	v5 =	vadd.f32 v6, v5;
	v18 =	vmax.f32 v18, $0.0e+00;
	[tilespmem:v7+s11+$0x0] =	vst.idx.add.s32.msk $0xffff, v3  }
0x97: {  	v63 =	vadd.f32 v58, v17;
	v58 =	vmovc v12;
	v53 =	vmovc v52;
	v62 =	vadd.f32 v54, v14;
	v7 =	vmin.f32 v18, $1.000000000e+00  }
0x98: {  	v4 =	vadd.f32 v61, v4;
	v52 =	vmovc v56;
	v56 =	vmovc v13;
	v14 =	vmax.f32 v15, $0.0e+00;
	v5 =	vadd.f32 v7, v5  }
0x99: {  	s19 =	sadd.s32 $0x80, s19;
	v13 =	vand.u32 $0xFFFFFFF0, v21;
	v54 =	vmovc v51;
	v51 =	vmovc v16;
	v12 =	vmax.f32 v22, $0.0e+00;
	v61 =	vmin.f32 v14, $1.000000000e+00  }
0x9a: {  	_ =	sdelay $0x3  }
0x9b: {  	[tilespmem:v11+s11+$0x0] =	vst.idx.add.s32.msk $0xffff, v3  }
0x9c: {  	[tilespmem:v9+s11+$0x0] =	vst.idx.add.s32.msk $0xffff, v3  }
0x9d: {  	v11 =	vld [tilespmem:s17+$0xFFFFFFD0]  }
0x9e: {  	v9 =	vld [tilespmem:s17+$0x10];
	_ =	sdelay $0x2  }
0x9f: {  	v1 =	vmin.f32 v12, $1.000000000e+00;
	v13 =	vor.u32 v0, v13  }
0xa0: {  	v12 =	vsub.f32 $1.000000000e+00, v1;
	v11 =	vmax.f32 v11, $0.0e+00  }
0xa1: {  	[tilespmem:$0x1FC80] =	vst v1;
	v9 =	vmax.f32 v9, $0.0e+00;
	v1 =	vmin.f32 v11, $1.000000000e+00  }
0xa2: {  	v11 =	vshra.s32 v12, $0x13;
	[tilespmem:$0x1FCB0] =	vst v1;
	v12 =	vsub.f32 $1.000000000e+00, v1;
	v1 =	vmin.f32 v9, $1.000000000e+00  }
0xa3: {  	v11 =	vand.u32 $0xFFFFFFF0, v11;
	[tilespmem:$0x1FCE0] =	vst v1  }
0xa4: {  	v9 =	vor.u32 v0, v11;
	v11 =	vshra.s32 v12, $0x13;
	v12 =	vsub.f32 $1.000000000e+00, v1;
	[tilespmem:v13+s11+$0x0] =	vst.idx.add.s32.msk $0xffff, v3  }
0xa5: {  	v11 =	vand.u32 $0xFFFFFFF0, v11;
	v13 =	vld [tilespmem:s16+$0xFFFFFFE0]  }
0xa6: {  	v11 =	vor.u32 v0, v11;
	v12 =	vshra.s32 v12, $0x13  }
0xa7: {  	v12 =	vand.u32 $0xFFFFFFF0, v12  }
0xa8: {  	v12 =	vor.u32 v0, v12  }
0xa9: {  	[tilespmem:v9+s11+$0x0] =	vst.idx.add.s32.msk $0xffff, v3  }
0xaa: {  	v9 =	vld [tilespmem:s16+$0x20];
	v13 =	vmax.f32 v13, $0.0e+00  }
0xab: {  	[tilespmem:v11+s11+$0x0] =	vst.idx.add.s32.msk $0xffff, v3;
	v1 =	vmin.f32 v13, $1.000000000e+00  }
0xac: {  	v14 =	vld [tilespmem:s17+$0xFFFFFFE0];
	[tilespmem:$0x1FC60] =	vst v1  }
0xad: {  	v8 =	vshra.s32 v8, $0x13;
	v11 =	vsub.f32 $1.000000000e+00, v61;
	[tilespmem:v12+s11+$0x0] =	vst.idx.add.s32.msk $0xffff, v3  }
0xae: {  	v8 =	vand.u32 $0xFFFFFFF0, v8;
	v13 =	vld [tilespmem:s17+$0x20]  }
0xaf: {  	v8 =	vor.u32 v0, v8;
	v11 =	vshra.s32 v11, $0x13  }
0xb0: {  	v12 =	vsub.f32 $1.000000000e+00, v1;
	v11 =	vand.u32 $0xFFFFFFF0, v11;
	v9 =	vmax.f32 v9, $0.0e+00  }
0xb1: {  	v11 =	vor.u32 v0, v11;
	v1 =	vmin.f32 v9, $1.000000000e+00;
	v14 =	vmax.f32 v14, $0.0e+00  }
0xb2: {  	v9 =	vshra.s32 v12, $0x13;
	[tilespmem:$0x1FC90] =	vst v1;
	v12 =	vsub.f32 $1.000000000e+00, v1;
	v1 =	vmin.f32 v14, $1.000000000e+00  }
0xb3: {  	v9 =	vand.u32 $0xFFFFFFF0, v9;
	[tilespmem:$0x1FCC0] =	vst v1;
	v13 =	vmax.f32 v13, $0.0e+00  }
0xb4: {  	v12 =	vshra.s32 v12, $0x13;
	v14 =	vsub.f32 $1.000000000e+00, v1;
	[tilespmem:v8+s11+$0x0] =	vst.idx.add.s32.msk $0xffff, v3;
	v1 =	vmin.f32 v13, $1.000000000e+00  }
0xb5: {  	v9 =	vor.u32 v0, v9;
	v8 =	vand.u32 $0xFFFFFFF0, v12;
	[tilespmem:$0x1FCF0] =	vst v1  }
0xb6: {  	v8 =	vor.u32 v0, v8;
	v12 =	vld [tilespmem:s15+$0xFFFFFFF0]  }
0xb7: {  	v13 =	vshra.s32 v14, $0x13;
	[tilespmem:v11+s11+$0x0] =	vst.idx.add.s32.msk $0xffff, v3  }
0xb8: {  	v14 =	vsub.f32 $1.000000000e+00, v1;
	v11 =	vand.u32 $0xFFFFFFF0, v13;
	v13 =	vld [tilespmem:s15+$0x30]  }
0xb9: {  	v11 =	vor.u32 v0, v11  }
0xba: {  	[tilespmem:v9+s11+$0x0] =	vst.idx.add.s32.msk $0xffff, v3;
	v14 =	vshra.s32 v14, $0x13  }
0xbb: {  	v9 =	vand.u32 $0xFFFFFFF0, v14;
	[tilespmem:v8+s11+$0x0] =	vst.idx.add.s32.msk $0xffff, v3;
	v8 =	vmax.f32 v12, $0.0e+00  }
0xbc: {  	v14 =	vld [tilespmem:s16+$0xFFFFFFF0];
	v9 =	vor.u32 v0, v9;
	v15 =	vmin.f32 v8, $1.000000000e+00  }
0xbd: {  	v12 =	vld [tilespmem:s16+$0x30];
	v8 =	vmax.f32 v13, $0.0e+00;
	[tilespmem:$0x1FC40] =	vst v15  }
0xbe: {  	v6 =	vsub.f32 $1.000000000e+00, v6;
	v7 =	vsub.f32 $1.000000000e+00, v7;
	v1 =	vmin.f32 v8, $1.000000000e+00;
	[tilespmem:v11+s11+$0x0] =	vst.idx.add.s32.msk $0xffff, v3  }
0xbf: {  	[tilespmem:$0x1FC50] =	vst v1  }
0xc0: {  	v6 =	vshra.s32 v6, $0x13;
	v7 =	vshra.s32 v7, $0x13;
	v11 =	vld [tilespmem:s17+$0xFFFFFFF0]  }
0xc1: {  	v6 =	vand.u32 $0xFFFFFFF0, v6;
	v7 =	vand.u32 $0xFFFFFFF0, v7;
	v8 =	vsub.f32 $1.000000000e+00, v15;
	[tilespmem:v9+s11+$0x0] =	vst.idx.add.s32.msk $0xffff, v3  }
0xc2: {  	v6 =	vor.u32 v0, v6;
	v14 =	vmax.f32 v14, $0.0e+00;
	v13 =	vsub.f32 $1.000000000e+00, v1;
	v9 =	vld [tilespmem:s17+$0x30]  }
0xc3: {  	v7 =	vor.u32 v0, v7;
	v14 =	vmin.f32 v14, $1.000000000e+00;
	v8 =	vshra.s32 v8, $0x13  }
0xc4: {  	v8 =	vand.u32 $0xFFFFFFF0, v8;
	v13 =	vshra.s32 v13, $0x13;
	v12 =	vmax.f32 v12, $0.0e+00  }
0xc5: {  	v13 =	vand.u32 $0xFFFFFFF0, v13;
	v8 =	vor.u32 v0, v8;
	v1 =	vmin.f32 v12, $1.000000000e+00  }
0xc6: {  	v12 =	vsub.f32 $1.000000000e+00, v14;
	v13 =	vor.u32 v0, v13;
	v11 =	vmax.f32 v11, $0.0e+00  }
0xc7: {  	[tilespmem:$0x1FC70] =	vst v14;
	v14 =	vsub.f32 $1.000000000e+00, v1;
	v15 =	vmin.f32 v11, $1.000000000e+00;
	v9 =	vmax.f32 v9, $0.0e+00  }
0xc8: {  	[tilespmem:$0x1FCA0] =	vst v1;
	v11 =	vshra.s32 v12, $0x13;
	v1 =	vmin.f32 v9, $1.000000000e+00;
	v9 =	vsub.f32 $1.000000000e+00, v15  }
0xc9: {  	v12 =	vshra.s32 v14, $0x13;
	[tilespmem:$0x1FCD0] =	vst v15;
	v11 =	vand.u32 $0xFFFFFFF0, v11;
	v14 =	vsub.f32 $1.000000000e+00, v1  }
0xca: {  	v12 =	vand.u32 $0xFFFFFFF0, v12;
	[tilespmem:$0x1FD00] =	vst v1;
	v11 =	vor.u32 v0, v11;
	v9 =	vshra.s32 v9, $0x13  }
0xcb: {  	[tilespmem:v6+s11+$0x0] =	vst.idx.add.s32.msk $0xffff, v3;
	v6 =	vor.u32 v0, v12;
	v9 =	vand.u32 $0xFFFFFFF0, v9;
	v12 =	vshra.s32 v14, $0x13  }
0xcc: {  	[tilespmem:v7+s11+$0x0] =	vst.idx.add.s32.msk $0xffff, v3;
	v7 =	vand.u32 $0xFFFFFFF0, v12;
	v9 =	vor.u32 v0, v9  }
0xcd: {  	[tilespmem:v8+s11+$0x0] =	vst.idx.add.s32.msk $0xffff, v3;
	v7 =	vor.u32 v0, v7  }
0xce: {  	[tilespmem:v13+s11+$0x0] =	vst.idx.add.s32.msk $0xffff, v3;
	v12 =	vor.u32 $0x302, v37  }
0xcf: {  	[tilespmem:v11+s11+$0x0] =	vst.idx.add.s32.msk $0xffff, v3  }
0xd0: {  	[tilespmem:v6+s11+$0x0] =	vst.idx.add.s32.msk $0xffff, v3  }
0xd1: {  	v8 =	vor.u32 $0x20F, v37;
	[tilespmem:v9+s11+$0x0] =	vst.idx.add.s32.msk $0xffff, v3  }
0xd2: {  	[tilespmem:v7+s11+$0x0] =	vst.idx.add.s32.msk $0xffff, v3;
	v7 =	vor.u32 $0x303, v37  }
0xd3: {  	v40 =	vld.idx.msk [tilespmem:v12+s11+$0x0], $0xffff;
	v12 =	vor.u32 $0x307, v37;
	_ =	sdelay $0x2  }
0xd4: {  	v41 =	vld.idx.msk [tilespmem:v8+s11+$0x0], $0xffff  }
0xd5: {  	v8 =	vor.u32 $0x304, v37;
	v50 =	vld.idx.msk [tilespmem:v7+s11+$0x0], $0xffff  }
0xd6: {  	v7 =	vor.u32 $0x308, v37;
	v1 =	vld.idx.msk [tilespmem:v12+s11+$0x0], $0xffff;
	_ =	sdelay $0x3  }
0xd7: {  	v6 =	vor.u32 $0x301, v37;
	v47 =	vld.idx.msk [tilespmem:v8+s11+$0x0], $0xffff  }
0xd8: {  	v8 =	vor.u32 $0x309, v37;
	[tilespmem:$0x1FAF0] =	vst v1;
	v1 =	vld.idx.msk [tilespmem:v7+s11+$0x0], $0xffff;
	_ =	sdelay $0x3  }
0xd9: {  	v32 =	vld.idx.msk [tilespmem:v6+s11+$0x0], $0xffff;
	v6 =	vor.u32 $0x306, v37  }
0xda: {  	v18 =	vor.u32 $0x30A, v37;
	[tilespmem:$0x1FB00] =	vst v1;
	v1 =	vld.idx.msk [tilespmem:v8+s11+$0x0], $0xffff;
	_ =	sdelay $0x3  }
0xdb: {  	v59 =	vld.idx.msk [tilespmem:v6+s11+$0x0], $0xffff  }
0xdc: {  	v6 =	vor.u32 $0x30B, v37;
	[tilespmem:$0x1FB10] =	vst v1;
	v1 =	vld.idx.msk [tilespmem:v18+s11+$0x0], $0xffff;
	_ =	sdelay $0x4  }
0xdd: {  	v12 =	vor.u32 $0x30C, v37;
	[tilespmem:$0x1FB20] =	vst v1;
	v1 =	vld.idx.msk [tilespmem:v6+s11+$0x0], $0xffff;
	_ =	sdelay $0x4  }
0xde: {  	v7 =	vor.u32 $0x30D, v37;
	[tilespmem:$0x1FB30] =	vst v1;
	v1 =	vld.idx.msk [tilespmem:v12+s11+$0x0], $0xffff;
	_ =	sdelay $0x4  }
0xdf: {  	v8 =	vor.u32 $0x30E, v37;
	[tilespmem:$0x1FB40] =	vst v1;
	v1 =	vld.idx.msk [tilespmem:v7+s11+$0x0], $0xffff;
	_ =	sdelay $0x4  }
0xe0: {  	v18 =	vor.u32 $0x30F, v37;
	[tilespmem:$0x1FB50] =	vst v1;
	v1 =	vld.idx.msk [tilespmem:v8+s11+$0x0], $0xffff;
	_ =	sdelay $0x3  }
0xe1: {  	v6 =	vor.u32 $0x400, v37  }
0xe2: {  	[tilespmem:$0x1FB70] =	vst v1;
	v1 =	vld.idx.msk [tilespmem:v18+s11+$0x0], $0xffff;
	v18 =	vor.u32 $0x404, v37;
	_ =	sdelay $0x3  }
0xe3: {  	v12 =	vor.u32 $0x401, v37;
	v45 =	vld.idx.msk [tilespmem:v6+s11+$0x0], $0xffff  }
0xe4: {  	v6 =	vor.u32 $0x405, v37;
	[tilespmem:$0x1FB90] =	vst v1;
	v1 =	vld.idx.msk [tilespmem:v18+s11+$0x0], $0xffff;
	_ =	sdelay $0x3  }
0xe5: {  	v7 =	vor.u32 $0x402, v37;
	v49 =	vld.idx.msk [tilespmem:v12+s11+$0x0], $0xffff  }
0xe6: {  	v12 =	vor.u32 $0x406, v37;
	[tilespmem:$0x1FB60] =	vst v1;
	v1 =	vld.idx.msk [tilespmem:v6+s11+$0x0], $0xffff;
	_ =	sdelay $0x3  }
0xe7: {  	v8 =	vor.u32 $0x403, v37;
	v46 =	vld.idx.msk [tilespmem:v7+s11+$0x0], $0xffff  }
0xe8: {  	v7 =	vor.u32 $0x407, v37;
	[tilespmem:$0x1FB80] =	vst v1;
	v1 =	vld.idx.msk [tilespmem:v12+s11+$0x0], $0xffff;
	_ =	sdelay $0x3  }
0xe9: {  	v43 =	vld.idx.msk [tilespmem:v8+s11+$0x0], $0xffff  }
0xea: {  	v8 =	vor.u32 $0x408, v37;
	[tilespmem:$0x1FBA0] =	vst v1;
	v1 =	vld.idx.msk [tilespmem:v7+s11+$0x0], $0xffff;
	_ =	sdelay $0x4  }
0xeb: {  	v18 =	vor.u32 $0x409, v37;
	[tilespmem:$0x1FBB0] =	vst v1;
	v1 =	vld.idx.msk [tilespmem:v8+s11+$0x0], $0xffff;
	_ =	sdelay $0x4  }
0xec: {  	v6 =	vor.u32 $0x40A, v37;
	[tilespmem:$0x1FBC0] =	vst v1;
	v1 =	vld.idx.msk [tilespmem:v18+s11+$0x0], $0xffff;
	_ =	sdelay $0x4  }
0xed: {  	v12 =	vor.u32 $0x40B, v37;
	[tilespmem:$0x1FBD0] =	vst v1;
	v1 =	vld.idx.msk [tilespmem:v6+s11+$0x0], $0xffff;
	_ =	sdelay $0x4  }
0xee: {  	[tilespmem:$0x1FBE0] =	vst v1;
	v1 =	vld.idx.msk [tilespmem:v12+s11+$0x0], $0xffff;
	v12 =	vor.u32 $0x500, v37;
	_ =	sdelay $0x4  }
0xef: {  	v30 =	vld.idx.msk [tilespmem:v12+s11+$0x0], $0xffff  }
0xf0: {  	v12 =	vld [tilespmem:$0x1FD80];
	_ =	sdelay $0x7  }
0xf1: {  	v13 =	vld.idx.msk [tilespmem:v12+s11+$0x0], $0xffff  }
0xf2: {  	v12 =	vld [tilespmem:$0x1FD90];
	_ =	sdelay $0x7  }
0xf3: {  	v14 =	vld.idx.msk [tilespmem:v12+s11+$0x0], $0xffff  }
0xf4: {  	v12 =	vld [tilespmem:$0x1FDA0];
	_ =	sdelay $0x7  }
0xf5: {  	v16 =	vld.idx.msk [tilespmem:v12+s11+$0x0], $0xffff  }
0xf6: {  	v12 =	vld [tilespmem:$0x1FDB0];
	_ =	sdelay $0x7  }
0xf7: {  	v17 =	vld.idx.msk [tilespmem:v12+s11+$0x0], $0xffff  }
0xf8: {  	v12 =	vld [tilespmem:$0x1FDC0];
	_ =	sdelay $0x5  }
0xf9: {  	v11 =	vor.u32 $0x300, v37  }
0xfa: {  	v15 =	vor.u32 $0x305, v37  }
0xfb: {  	v44 =	vor.u32 $0x501, v37;
	v19 =	vld.idx.msk [tilespmem:v12+s11+$0x0], $0xffff  }
0xfc: {  	v48 =	vor.u32 $0x503, v37;
	v12 =	vld [tilespmem:$0x1FDD0]  }
0xfd: {  	v33 =	vor.u32 $0x505, v37  }
0xfe: {  	v38 =	vld.idx.msk [tilespmem:v11+s11+$0x0], $0xffff  }
0xff: {  	v42 =	vld.idx.msk [tilespmem:v15+s11+$0x0], $0xffff  }
0x100: {  	v29 =	vld.idx.msk [tilespmem:v44+s11+$0x0], $0xffff  }
0x101: {  	v39 =	vld.idx.msk [tilespmem:v48+s11+$0x0], $0xffff  }
0x102: {  	v44 =	vld.idx.msk [tilespmem:v33+s11+$0x0], $0xffff  }
0x103: {  	v9 =	vld [tilespmem:$0x1FD60]  }
0x104: {  	v21 =	vld.idx.msk [tilespmem:v12+s11+$0x0], $0xffff  }
0x105: {  	v7 =	vor.u32 $0x40C, v37;
	v12 =	vld [tilespmem:$0x1FDE0]  }
0x106: {  	v11 =	vld [tilespmem:$0x1FD70]  }
0x107: {  	v15 =	vld [tilespmem:$0x1FE50]  }
0x108: {  	v20 =	vld [tilespmem:$0x1FE70]  }
0x109: {  	v22 =	vld [tilespmem:$0x1FE80]  }
0x10a: {  	v8 =	vor.u32 $0x40D, v37;
	[tilespmem:$0x1FBF0] =	vst v1;
	v1 =	vld.idx.msk [tilespmem:v7+s11+$0x0], $0xffff  }
0x10b: {  	v24 =	vld [tilespmem:$0x1FE90]  }
0x10c: {  	v26 =	vld [tilespmem:$0x1FEA0]  }
0x10d: {  	v23 =	vld.idx.msk [tilespmem:v12+s11+$0x0], $0xffff  }
0x10e: {  	v12 =	vld [tilespmem:$0x1FDF0]  }
0x10f: {  	v18 =	vor.u32 $0x40E, v37;
	[tilespmem:$0x1FC00] =	vst v1;
	v1 =	vld.idx.msk [tilespmem:v8+s11+$0x0], $0xffff  }
0x110: {  	v28 =	vld [tilespmem:$0x1FEB0]  }
0x111: {  	v9 =	vld.idx.msk [tilespmem:v9+s11+$0x0], $0xffff  }
0x112: {  	v11 =	vld.idx.msk [tilespmem:v11+s11+$0x0], $0xffff  }
0x113: {  	v15 =	vld.idx.msk [tilespmem:v15+s11+$0x0], $0xffff  }
0x114: {  	v6 =	vor.u32 $0x40F, v37;
	[tilespmem:$0x1FC10] =	vst v1;
	v1 =	vld.idx.msk [tilespmem:v18+s11+$0x0], $0xffff  }
0x115: {  	v20 =	vld.idx.msk [tilespmem:v20+s11+$0x0], $0xffff  }
0x116: {  	v25 =	vld.idx.msk [tilespmem:v12+s11+$0x0], $0xffff  }
0x117: {  	v12 =	vld [tilespmem:$0x1FE00]  }
0x118: {  	v22 =	vld.idx.msk [tilespmem:v22+s11+$0x0], $0xffff  }
0x119: {  	[tilespmem:$0x1FC20] =	vst v1;
	v1 =	vld.idx.msk [tilespmem:v6+s11+$0x0], $0xffff  }
0x11a: {  	v6 =	vld [tilespmem:$0x1FD20]  }
0x11b: {  	v24 =	vld.idx.msk [tilespmem:v24+s11+$0x0], $0xffff  }
0x11c: {  	v26 =	vld.idx.msk [tilespmem:v26+s11+$0x0], $0xffff;
	v8 =	vor.u32 $0x502, v37  }
0x11d: {  	v28 =	vld.idx.msk [tilespmem:v28+s11+$0x0], $0xffff  }
0x11e: {  	v7 =	vld [tilespmem:$0x1FD40]  }
0x11f: {  	v27 =	vld.idx.msk [tilespmem:v12+s11+$0x0], $0xffff  }
0x120: {  	v12 =	vld [tilespmem:$0x1FE10]  }
0x121: {  	v31 =	vld.idx.msk [tilespmem:v8+s11+$0x0], $0xffff;
	[tilespmem:$0x1FC30] =	vst v1;
	v1 =	vor.u32 $0x504, v37  }
0x122: {  	v33 =	vld.idx.msk [tilespmem:v6+s11+$0x0], $0xffff  }
0x123: {  	v6 =	vld [tilespmem:$0x1FD30]  }
0x124: {  	v8 =	vld [tilespmem:$0x1FD50]  }
0x125: {  	v18 =	vld [tilespmem:$0x1FE60]  }
0x126: {  	v48 =	vld.idx.msk [tilespmem:v1+s11+$0x0], $0xffff  }
0x127: {  	v1 =	vld.idx.msk [tilespmem:v37+s11+$0x0], $0xffff  }
0x128: {  	v34 =	vld.idx.msk [tilespmem:v12+s11+$0x0], $0xffff  }
0x129: {  	v12 =	vld [tilespmem:$0x1FE20]  }
0x12a: {  	v7 =	vld.idx.msk [tilespmem:v7+s11+$0x0], $0xffff  }
0x12b: {  	v6 =	vld.idx.msk [tilespmem:v6+s11+$0x0], $0xffff  }
0x12c: {  	v29 =	vadd.s32 v30, v29;
	v8 =	vld.idx.msk [tilespmem:v8+s11+$0x0], $0xffff  }
0x12d: {  	v29 =	vadd.s32 v31, v29;
	v18 =	vld.idx.msk [tilespmem:v18+s11+$0x0], $0xffff  }
0x12e: {  	v29 =	vadd.s32 v39, v29;
	v1 =	vadd.s32 v1, v33;
	v33 =	vld [tilespmem:$0x1FEC0]  }
0x12f: {  	v29 =	vadd.s32 v48, v29;
	v48 =	vld [tilespmem:$0x1FBF0]  }
0x130: {  	v1 =	vadd.s32 v6, v1;
	v6 =	vld [tilespmem:$0x1FED0]  }
0x131: {  	v1 =	vadd.s32 v7, v1;
	v35 =	vld.idx.msk [tilespmem:v12+s11+$0x0], $0xffff  }
0x132: {  	v1 =	vadd.s32 v8, v1;
	v12 =	vld [tilespmem:$0x1FE30]  }
0x133: {  	v7 =	vld [tilespmem:$0x1FEE0];
	v1 =	vadd.s32 v9, v1  }
0x134: {  	v1 =	vadd.s32 v11, v1;
	v11 =	vld [tilespmem:$0x1FF10]  }
0x135: {  	v1 =	vadd.s32 v13, v1;
	v13 =	vld [tilespmem:$0x1FF20]  }
0x136: {  	v33 =	vld.idx.msk [tilespmem:v33+s11+$0x0], $0xffff  }
0x137: {  	v8 =	vld [tilespmem:$0x1FEF0]  }
0x138: {  	v1 =	vadd.s32 v14, v1;
	v14 =	vld [tilespmem:$0x1FF30]  }
0x139: {  	v9 =	vld [tilespmem:$0x1FF00]  }
0x13a: {  	v36 =	vld.idx.msk [tilespmem:v12+s11+$0x0], $0xffff  }
0x13b: {  	v12 =	vld [tilespmem:$0x1FE40]  }
0x13c: {  	v11 =	vld.idx.msk [tilespmem:v11+s11+$0x0], $0xffff  }
0x13d: {  	v13 =	vld.idx.msk [tilespmem:v13+s11+$0x0], $0xffff  }
0x13e: {  	v1 =	vadd.s32 v16, v1;
	v6 =	vld.idx.msk [tilespmem:v6+s11+$0x0], $0xffff  }
0x13f: {  	v1 =	vadd.s32 v17, v1;
	v17 =	vld [tilespmem:$0x1FF50]  }
0x140: {  	v14 =	vld.idx.msk [tilespmem:v14+s11+$0x0], $0xffff  }
0x141: {  	v7 =	vld.idx.msk [tilespmem:v7+s11+$0x0], $0xffff  }
0x142: {  	v11 =	vadd.s32 v11, v13;
	v13 =	vld [tilespmem:$0x1FF70]  }
0x143: {  	v12 =	vld.idx.msk [tilespmem:v12+s11+$0x0], $0xffff  }
0x144: {  	v16 =	vadd.s32 v34, v35;
	v34 =	vld [tilespmem:$0x1FF40]  }
0x145: {  	v11 =	vadd.s32 v14, v11;
	v14 =	vld [tilespmem:$0x1FF80]  }
0x146: {  	v8 =	vld.idx.msk [tilespmem:v8+s11+$0x0], $0xffff  }
0x147: {  	v1 =	vadd.s32 v19, v1;
	v9 =	vld.idx.msk [tilespmem:v9+s11+$0x0], $0xffff;
	v16 =	vadd.s32 v36, v16  }
0x148: {  	v1 =	vadd.s32 v21, v1;
	v12 =	vadd.s32 v12, v16;
	v16 =	vld [tilespmem:$0x1FF60]  }
0x149: {  	v17 =	vld.idx.msk [tilespmem:v17+s11+$0x0], $0xffff;
	v1 =	vadd.s32 v23, v1;
	v23 =	vor.u32 $0x604, v37  }
0x14a: {  	v13 =	vld.idx.msk [tilespmem:v13+s11+$0x0], $0xffff  }
0x14b: {  	v12 =	vadd.s32 v15, v12;
	v15 =	vld [tilespmem:$0x1FF90]  }
0x14c: {  	v34 =	vld.idx.msk [tilespmem:v34+s11+$0x0], $0xffff  }
0x14d: {  	v14 =	vld.idx.msk [tilespmem:v14+s11+$0x0], $0xffff  }
0x14e: {  	v23 =	vld.idx.msk [tilespmem:v23+s11+$0x0], $0xffff  }
0x14f: {  	v1 =	vadd.s32 v25, v1;
	v25 =	vld [tilespmem:$0x1FB00]  }
0x150: {  	v16 =	vld.idx.msk [tilespmem:v16+s11+$0x0], $0xffff  }
0x151: {  	v1 =	vadd.s32 v27, v1;
	v27 =	vld [tilespmem:$0x1FB20];
	v11 =	vadd.s32 v34, v11  }
0x152: {  	v11 =	vadd.s32 v17, v11;
	v17 =	vld [tilespmem:$0x1FFA0];
	v12 =	vadd.s32 v18, v12  }
0x153: {  	v12 =	vadd.s32 v20, v12;
	v15 =	vld.idx.msk [tilespmem:v15+s11+$0x0], $0xffff  }
0x154: {  	v36 =	vld [tilespmem:$0x1FB50];
	v12 =	vadd.s32 v22, v12  }
0x155: {  	v34 =	vor.u32 $0x60C, v37;
	v12 =	vadd.s32 v24, v12;
	v11 =	vadd.s32 v16, v11;
	v16 =	vld [tilespmem:$0x1FFB0]  }
0x156: {  	v12 =	vadd.s32 v26, v12;
	v11 =	vadd.s32 v13, v11;
	v13 =	vld [tilespmem:$0x1FFC0]  }
0x157: {  	v24 =	vor.u32 $0x606, v37;
	v12 =	vadd.s32 v28, v12;
	v11 =	vadd.s32 v14, v11;
	v14 =	vld [tilespmem:$0x1FFD0]  }
0x158: {  	v12 =	vadd.s32 v33, v12;
	v11 =	vadd.s32 v15, v11;
	v15 =	vld [tilespmem:$0x1FFE0]  }
0x159: {  	v6 =	vadd.s32 v6, v12;
	v12 =	vld [tilespmem:$0x1FFF0]  }
0x15a: {  	v34 =	vld.idx.msk [tilespmem:v34+s11+$0x0], $0xffff  }
0x15b: {  	v17 =	vld.idx.msk [tilespmem:v17+s11+$0x0], $0xffff  }
0x15c: {  	v24 =	vld.idx.msk [tilespmem:v24+s11+$0x0], $0xffff  }
0x15d: {  	v26 =	vor.u32 $0x607, v37;
	v16 =	vld.idx.msk [tilespmem:v16+s11+$0x0], $0xffff  }
0x15e: {  	v20 =	vor.u32 $0x508, v37;
	v13 =	vld.idx.msk [tilespmem:v13+s11+$0x0], $0xffff  }
0x15f: {  	v28 =	vor.u32 $0x609, v37;
	v14 =	vld.idx.msk [tilespmem:v14+s11+$0x0], $0xffff  }
0x160: {  	v33 =	vor.u32 $0x60B, v37;
	v6 =	vadd.s32 v7, v6;
	v15 =	vld.idx.msk [tilespmem:v15+s11+$0x0], $0xffff  }
0x161: {  	(xrf0) =	vadd.scan.msk.s32 $0xffff, v1;
	v1 =	vadd.s32 v8, v6;
	v8 =	vor.u32 $0x50C, v37;
	v11 =	vadd.s32 v17, v11;
	v12 =	vld.idx.msk [tilespmem:v12+s11+$0x0], $0xffff  }
0x162: {  	v26 =	vld.idx.msk [tilespmem:v26+s11+$0x0], $0xffff;
	v17 =	vor.u32 $0x50A, v37;
	v7 =	vadd.s32 v16, v11  }
0x163: {  	v18 =	vor.u32 $0x506, v37;
	v1 =	vadd.s32 v9, v1;
	v9 =	vld.idx.msk [tilespmem:v20+s11+$0x0], $0xffff;
	v6 =	vadd.s32 v13, v7  }
0x164: {  	v19 =	vor.u32 $0x507, v37;
	v28 =	vld.idx.msk [tilespmem:v28+s11+$0x0], $0xffff;
	v6 =	vadd.s32 v14, v6  }
0x165: {  	v21 =	vor.u32 $0x509, v37;
	(xrf0) =	vadd.scan.msk.s32 $0xffff, v1;
	v31 =	vld.idx.msk [tilespmem:v33+s11+$0x0], $0xffff;
	v1 =	vadd.s32 v15, v6  }
0x166: {  	v8 =	vld.idx.msk [tilespmem:v8+s11+$0x0], $0xffff;
	v1 =	vadd.s32 v12, v1  }
0x167: {  	v12 =	vld.idx.msk [tilespmem:v17+s11+$0x0], $0xffff;
	v17 =	vadd.s32 v38, v32;
	v1 =	vadd.s32 v41, v1  }
0x168: {  	v11 =	vld.idx.msk [tilespmem:v18+s11+$0x0], $0xffff;
	v16 =	vor.u32 $0x50B, v37;
	(xrf0) =	vadd.scan.msk.s32 $0xffff, v1;
	v1 =	vadd.s32 v40, v17  }
0x169: {  	v18 =	vor.u32 $0x600, v37;
	v7 =	vld.idx.msk [tilespmem:v19+s11+$0x0], $0xffff;
	v1 =	vadd.s32 v50, v1;
	v50, _, _ =	vpop (xrf0)  }
0x16a: {  	v6 =	vld.idx.msk [tilespmem:v21+s11+$0x0], $0xffff;
	v20 =	vbroadcast v50, $0xF  }
0x16b: {  	v13 =	vor.u32 $0x50D, v37;
	v38 =	vld [tilespmem:$0x1FB60];
	v22, _, _ =	vpop (xrf0)  }
0x16c: {  	v19 =	vor.u32 $0x602, v37;
	v1 =	vadd.s32 v47, v1;
	v47 =	vadd.s32 v20, v22;
	v22 =	vld [tilespmem:$0x1FAF0]  }
0x16d: {  	v16 =	vld.idx.msk [tilespmem:v16+s11+$0x0], $0xffff  }
0x16e: {  	v33 =	vor.u32 $0x700, v37;
	v18 =	vld.idx.msk [tilespmem:v18+s11+$0x0], $0xffff  }
0x16f: {  	v14 =	vor.u32 $0x50E, v37;
	v41 =	vld [tilespmem:$0x1FB80];
	v1 =	vadd.s32 v42, v1  }
0x170: {  	v13 =	vld.idx.msk [tilespmem:v13+s11+$0x0], $0xffff;
	v1 =	vadd.s32 v59, v1  }
0x171: {  	v29 =	vadd.s32 v44, v29;
	v15 =	vor.u32 $0x50F, v37;
	v19 =	vld.idx.msk [tilespmem:v19+s11+$0x0], $0xffff;
	v1 =	vadd.s32 v22, v1  }
0x172: {  	v21 =	vor.u32 $0x603, v37;
	v11 =	vadd.s32 v11, v29;
	v40 =	vld [tilespmem:$0x1FB70]  }
0x173: {  	v39 =	vor.u32 $0x702, v37;
	v7 =	vadd.s32 v7, v11;
	v11 =	vld.idx.msk [tilespmem:v33+s11+$0x0], $0xffff;
	v22 =	vbroadcast v47, $0xF  }
0x174: {  	v32 =	vor.u32 $0x60A, v37;
	v14 =	vld.idx.msk [tilespmem:v14+s11+$0x0], $0xffff;
	v25 =	vadd.s32 v25, v1;
	v1, _, _ =	vpop (xrf0)  }
0x175: {  	v1 =	vadd.s32 v22, v1;
	v22 =	vld [tilespmem:$0x1FB10]  }
0x176: {  	v15 =	vld.idx.msk [tilespmem:v15+s11+$0x0], $0xffff  }
0x177: {  	v17 =	vor.u32 $0x601, v37;
	v7 =	vadd.s32 v9, v7;
	v21 =	vld.idx.msk [tilespmem:v21+s11+$0x0], $0xffff  }
0x178: {  	v6 =	vadd.s32 v6, v7;
	v7 =	vld.idx.msk [tilespmem:v39+s11+$0x0], $0xffff;
	v42 =	vor.u32 $0x60D, v37  }
0x179: {  	v30 =	vld.idx.msk [tilespmem:v32+s11+$0x0], $0xffff;
	v32 =	vor.u32 $0x704, v37  }
0x17a: {  	v59 =	vld [tilespmem:$0x1FB40];
	v22 =	vadd.s32 v22, v25  }
0x17b: {  	v22 =	vadd.s32 v27, v22;
	v27 =	vadd.s32 v45, v49;
	v49 =	vld [tilespmem:$0x1FB30]  }
0x17c: {  	v20 =	vor.u32 $0x605, v37;
	v17 =	vld.idx.msk [tilespmem:v17+s11+$0x0], $0xffff  }
0x17d: {  	v6 =	vadd.s32 v12, v6;
	v35 =	vld.idx.msk [tilespmem:v42+s11+$0x0], $0xffff  }
0x17e: {  	v6 =	vadd.s32 v16, v6;
	v16 =	vld.idx.msk [tilespmem:v32+s11+$0x0], $0xffff  }
0x17f: {  	v45 =	vld [tilespmem:$0x1FB90]  }
0x180: {  	v27 =	vadd.s32 v46, v27;
	v46 =	vld [tilespmem:$0x1FBA0];
	v22 =	vadd.s32 v49, v22  }
0x181: {  	v44 =	vor.u32 $0x705, v37;
	v20 =	vld.idx.msk [tilespmem:v20+s11+$0x0], $0xffff;
	v22 =	vadd.s32 v59, v22  }
0x182: {  	v12 =	vadd.s32 v18, v17;
	v27 =	vadd.s32 v43, v27;
	v49 =	vld [tilespmem:$0x1FBB0];
	v22 =	vadd.s32 v36, v22  }
0x183: {  	v25 =	vor.u32 $0x608, v37;
	v43 =	vld [tilespmem:$0x1FBC0];
	v27 =	vadd.s32 v38, v27;
	v22 =	vadd.s32 v40, v22  }
0x184: {  	v38 =	vor.u32 $0x701, v37;
	v27 =	vadd.s32 v41, v27;
	v22 =	vadd.s32 v45, v22;
	v45 =	vld [tilespmem:$0x1FBD0]  }
0x185: {  	v12 =	vadd.s32 v19, v12;
	v27 =	vadd.s32 v46, v27;
	v59 =	vor.u32 $0x60F, v37;
	v46 =	vld [tilespmem:$0x1FBE0]  }
0x186: {  	v6 =	vadd.s32 v8, v6;
	v8 =	vadd.s32 v21, v12;
	v12 =	vld.idx.msk [tilespmem:v44+s11+$0x0], $0xffff  }
0x187: {  	v36 =	vor.u32 $0x60E, v37;
	v27 =	vadd.s32 v49, v27;
	v49 =	vld [tilespmem:$0x1FC00]  }
0x188: {  	v25 =	vld.idx.msk [tilespmem:v25+s11+$0x0], $0xffff;
	v40 =	vor.u32 $0x703, v37;
	v27 =	vadd.s32 v43, v27  }
0x189: {  	v9 =	vld.idx.msk [tilespmem:v38+s11+$0x0], $0xffff;
	v27 =	vadd.s32 v45, v27  }
0x18a: {  	v29 =	vld.idx.msk [tilespmem:v59+s11+$0x0], $0xffff;
	v27 =	vadd.s32 v46, v27  }
0x18b: {  	v59 =	vld [tilespmem:$0x1FC10];
	v46 =	vor.u32 $0x706, v37;
	v27 =	vadd.s32 v48, v27  }
0x18c: {  	v36 =	vld.idx.msk [tilespmem:v36+s11+$0x0], $0xffff;
	v27 =	vadd.s32 v49, v27;
	v49 =	vor.u32 $0x707, v37  }
0x18d: {  	v18 =	vor.u32 $0x708, v37;
	v17 =	vld.idx.msk [tilespmem:v40+s11+$0x0], $0xffff  }
0x18e: {  	v6 =	vadd.s32 v13, v6;
	v19 =	vor.u32 $0x709, v37;
	v8 =	vadd.s32 v23, v8;
	v45 =	vld [tilespmem:$0x1FC20]  }
0x18f: {  	v6 =	vadd.s32 v14, v6;
	v21 =	vor.u32 $0x70A, v37;
	v8 =	vadd.s32 v20, v8;
	v48 =	vld [tilespmem:$0x1FC30]  }
0x190: {  	v23 =	vor.u32 $0x70B, v37;
	v8 =	vadd.s32 v24, v8;
	v9 =	vadd.s32 v11, v9;
	v11 =	vld.idx.msk [tilespmem:v46+s11+$0x0], $0xffff  }
0x191: {  	v20 =	vor.u32 $0x70C, v37;
	v8 =	vadd.s32 v26, v8;
	v7 =	vadd.s32 v7, v9;
	v9 =	vld.idx.msk [tilespmem:v49+s11+$0x0], $0xffff  }
0x192: {  	v8 =	vadd.s32 v25, v8;
	v7 =	vadd.s32 v17, v7;
	v17 =	vld.idx.msk [tilespmem:v18+s11+$0x0], $0xffff;
	v18 =	vor.u32 $0x70D, v37  }
0x193: {  	(xrf0) =	vadd.scan.msk.s32 $0xffff, v22;
	v27 =	vadd.s32 v59, v27;
	v7 =	vadd.s32 v16, v7;
	v16 =	vld.idx.msk [tilespmem:v19+s11+$0x0], $0xffff;
	v19 =	vor.u32 $0x70E, v37  }
0x194: {  	v27 =	vadd.s32 v45, v27;
	v7 =	vadd.s32 v12, v7;
	v12 =	vld.idx.msk [tilespmem:v21+s11+$0x0], $0xffff;
	v21 =	vor.u32 $0x70F, v37  }
0x195: {  	v8 =	vadd.s32 v28, v8;
	v27 =	vadd.s32 v48, v27;
	v7 =	vadd.s32 v11, v7;
	v11 =	vld.idx.msk [tilespmem:v23+s11+$0x0], $0xffff  }
0x196: {  	v8 =	vadd.s32 v30, v8;
	(xrf0) =	vadd.scan.msk.s32 $0xffff, v27;
	v7 =	vadd.s32 v9, v7;
	v9 =	vld.idx.msk [tilespmem:v20+s11+$0x0], $0xffff  }
0x197: {  	v6 =	vadd.s32 v15, v6;
	v8 =	vadd.s32 v31, v8;
	v13 =	vld.idx.msk [tilespmem:v18+s11+$0x0], $0xffff;
	v7 =	vadd.s32 v17, v7  }
0x198: {  	v14 =	vbroadcast v1, $0xF;
	v8 =	vadd.s32 v34, v8;
	v15 =	vld.idx.msk [tilespmem:v19+s11+$0x0], $0xffff;
	v7 =	vadd.s32 v16, v7  }
0x199: {  	v16, _, _ =	vpop (xrf0);
	(xrf0) =	vadd.scan.msk.s32 $0xffff, v6;
	v6 =	vadd.s32 v35, v8;
	v8 =	vld.idx.msk [tilespmem:v21+s11+$0x0], $0xffff;
	v7 =	vadd.s32 v12, v7  }
0x19a: {  	v20 =	vadd.s32 v14, v16;
	v6 =	vadd.s32 v36, v6;
	v7 =	vadd.s32 v11, v7  }
0x19b: {  	v11 =	vbroadcast v20, $0xF;
	v6 =	vadd.s32 v29, v6;
	v7 =	vadd.s32 v9, v7  }
0x19c: {  	v9, _, _ =	vpop (xrf0);
	(xrf0) =	vadd.scan.msk.s32 $0xffff, v6;
	v6 =	vadd.s32 v13, v7  }
0x19d: {  	v18 =	vadd.s32 v11, v9;
	v6 =	vadd.s32 v15, v6  }
0x19e: {  	v7 =	vbroadcast v18, $0xF;
	v6 =	vadd.s32 v8, v6  }
0x19f: {  	vm7 =	vlt.s32 v50, $0x80;
	v8, _, _ =	vpop (xrf0);
	(xrf0) =	vadd.scan.msk.s32 $0xffff, v6  }
0x1a0: {  	vm6 =	vlt.s32 v47, $0x80;
	v6 =	vmpcnt.ones.xlane vm7;
	v19 =	vadd.s32 v7, v8  }
0x1a1: {  	vm4 =	vlt.s32 v1, $0x80;
	v7 =	vmpcnt.ones.xlane vm6;
	v8 =	vbroadcast v19, $0xF  }
0x1a2: {  	vm5 =	vlt.s32 v20, $0x80;
	v9, _, _ =	vpop (xrf0);
	(v2sf) =	vpush v6, $0x0;
	v6 =	vmpcnt.ones.xlane vm4  }
0x1a3: {  	(v2sf) =	vpush v7, $0x0;
	v7 =	vmpcnt.ones.xlane vm5;
	v21 =	vadd.s32 v8, v9  }
0x1a4: {  	vm3 =	vlt.s32 v18, $0x80;
	(v2sf) =	vpush v6, $0x0;
	v6 =	vbroadcast v21, $0xF  }
0x1a5: {  	vm2 =	vlt.s32 v19, $0x80;
	(v2sf) =	vpush v7, $0x0;
	v7 =	vmpcnt.ones.xlane vm3;
	v8, _, _ =	vpop (xrf0)  }
0x1a6: {  	v9 =	vmpcnt.ones.xlane vm2;
	vm1 =	vlt.s32 v21, $0x80;
	v22 =	vadd.s32 v6, v8  }
0x1a7: {  	(v2sf) =	vpush v7, $0x0;
	v6 =	vmpcnt.ones.xlane vm1;
	vm0 =	vlt.s32 v22, $0x80  }
0x1a8: {  	(v2sf) =	vpush v9, $0x0;
	v7 =	vmpcnt.ones.xlane vm0  }
0x1a9: {  	(v2sf) =	vpush v6, $0x0  }
0x1aa: {  	(v2sf) =	vpush v7, $0x0;
	_ =	sdelay $0x6  }
0x1ab: {  	s18 =	simm.s32 $0x40  }
0x1ac: {  	v6 =	vld [tilespmem:s18+$0xFFFFFFC0];
	s22 =	spop (v2sf)  }
0x1ad: {  	s23 =	spop (v2sf)  }
0x1ae: {  	s24 =	spop (v2sf);
	s15 =	sadd.s32 s22, s23  }
0x1af: {  	s25 =	spop (v2sf);
	s15 =	sadd.s32 s24, s15  }
0x1b0: {  	s15 =	sadd.s32 s25, s15;
	s26 =	spop (v2sf)  }
0x1b1: {  	v6 =	vmax.f32 v6, $0.0e+00;
	s28 =	spop (v2sf);
	s15 =	sadd.s32 s26, s15  }
0x1b2: {  	v6 =	vmin.f32 v6, $1.000000000e+00;
	s29 =	spop (v2sf);
	s15 =	sadd.s32 s28, s15  }
0x1b3: {  	v7 =	vsub.f32 $1.000000000e+00, v6;
	s15 =	sadd.s32 s29, s15;
	s30 =	spop (v2sf)  }
0x1b4: {  	s15 =	sadd.s32 s30, s15  }
0x1b5: {  	v59 =	vmul.u32 $0x800, v0;
	v8 =	vld [tilespmem:s18+$0x0];
	v7 =	vshra.s32 v7, $0x17;
	v28 =	vmov s15  }
0x1b6: {  	v29 =	vimm.s32 $0x0;
	vm8 =	veq.s32 v7, v28  }
0x1b7: {  	v7 =	vadd.s32 v59, v29;
	_ =	sdelay $0x2  }
0x1b8: {  	v8 =	vmax.f32 v8, $0.0e+00  }
0x1b9: {  	v8 =	vmin.f32 v8, $1.000000000e+00  }
0x1ba: {  	[tilespmem:v7+s12+$0x0] =	vst.idx.msk vm8, v6;
	v6 =	vsub.f32 $1.000000000e+00, v8;
	_ =	sdelay $0x1  }
0x1bb: {  	v9 =	vsel vm8, $0x1, v2;
	v6 =	vshra.s32 v6, $0x17  }
0x1bc: {  	v9 =	vadd.s32 v9, v29;
	v7 =	vld [tilespmem:s18+$0xFFFFFFD0];
	vm8 =	veq.s32 v6, v28  }
0x1bd: {  	v4 =	vadd.f32 v10, v4;
	v10 =	vld [tilespmem:$0x1FC40];
	v6 =	vadd.s32 v59, v9  }
0x1be: {  	s31 =	simm.s32 $0xC0  }
0x1bf: {  	v12 =	vld [tilespmem:s31+$0x0]  }
0x1c0: {  	v11 =	vld [tilespmem:s31+$0xFFFFFFC0]  }
0x1c1: {  	v7 =	vmax.f32 v7, $0.0e+00  }
0x1c2: {  	v5 =	vadd.f32 v10, v5;
	v10 =	vmin.f32 v7, $1.000000000e+00;
	[tilespmem:v6+s12+$0x0] =	vst.idx.msk vm8, v8  }
0x1c3: {  	v7 =	vsub.f32 $1.000000000e+00, v10;
	v17 =	vld [tilespmem:$0x1FC50];
	_ =	sdelay $0x1  }
0x1c4: {  	v11 =	vmax.f32 v11, $0.0e+00;
	v6 =	vmax.f32 v12, $0.0e+00;
	v12 =	vshra.s32 v7, $0x17  }
0x1c5: {  	v11 =	vmin.f32 v11, $1.000000000e+00;
	v7 =	vor.u32 $0x200, v59;
	vm9 =	veq.s32 v12, v28  }
0x1c6: {  	v8 =	vsub.f32 $1.000000000e+00, v11;
	v16 =	vadd.s32 v7, v29  }
0x1c7: {  	v4 =	vadd.f32 v61, v4;
	v6 =	vmin.f32 v6, $1.000000000e+00;
	v5 =	vadd.f32 v17, v5;
	v17 =	vld [tilespmem:$0x1FC60]  }
0x1c8: {  	v14 =	vadd.f32 v57, v63;
	v15 =	vld [tilespmem:s18+$0x10];
	v12 =	vsub.f32 $1.000000000e+00, v6;
	v8 =	vshra.s32 v8, $0x17  }
0x1c9: {  	v13 =	vadd.f32 v53, v62;
	vm10 =	veq.s32 v8, v28;
	v8 =	vsel vm8, $0x1, v2  }
0x1ca: {  	v14 =	vadd.f32 v58, v14;
	v8 =	vadd.s32 v8, v9;
	v9 =	vshra.s32 v12, $0x17  }
0x1cb: {  	v13 =	vadd.f32 v54, v13;
	v12 =	vsel vm10, $0x1, v2;
	vm8 =	veq.s32 v9, v28;
	[tilespmem:v16+s12+$0x0] =	vst.idx.msk vm9, v10  }
0x1cc: {  	v9 =	vadd.s32 v12, v8;
	v8 =	vadd.s32 v59, v8;
	v4 =	vadd.f32 v17, v4;
	v17 =	vld [tilespmem:$0x1FC80]  }
0x1cd: {  	v12 =	vadd.f32 v52, v13;
	v13 =	vmax.f32 v15, $0.0e+00;
	v15 =	vadd.s32 v59, v9;
	_ =	sdelay $0x1  }
0x1ce: {  	v14 =	vadd.f32 v60, v14  }
0x1cf: {  	v10 =	vld [tilespmem:$0x1FC70]  }
0x1d0: {  	v14 =	vadd.f32 v17, v14;
	v17 =	vld [tilespmem:$0x1FC90];
	[tilespmem:v8+s12+$0x0] =	vst.idx.msk vm10, v11  }
0x1d1: {  	[tilespmem:v15+s12+$0x0] =	vst.idx.msk vm8, v6  }
0x1d2: {  	v15 =	vld [tilespmem:$0x1FCB0];
	_ =	sdelay $0x4  }
0x1d3: {  	v14 =	vadd.f32 v15, v14;
	v15 =	vld [tilespmem:$0x1FCC0];
	_ =	sdelay $0x2  }
0x1d4: {  	v13 =	vmin.f32 v13, $1.000000000e+00;
	v6 =	vld [tilespmem:$0x1FCA0];
	v4 =	vadd.f32 v17, v4  }
0x1d5: {  	v16 =	vld [tilespmem:s18+$0xFFFFFFE0];
	v5 =	vadd.f32 v10, v5;
	v10 =	vsub.f32 $1.000000000e+00, v13  }
0x1d6: {  	v15 =	vadd.f32 v15, v4;
	v4 =	vld [tilespmem:$0x1FCD0]  }
0x1d7: {  	v12 =	vadd.f32 v51, v12;
	v10 =	vshra.s32 v10, $0x17;
	v17 =	vsel vm9, $0x1, v2  }
0x1d8: {  	vm9 =	veq.s32 v10, v28;
	v10 =	vld [tilespmem:s31+$0xFFFFFFD0];
	v8 =	vadd.s32 v17, v29  }
0x1d9: {  	v5 =	vadd.f32 v6, v5;
	v6 =	vadd.f32 v56, v12;
	v12 =	vld [tilespmem:s31+$0x10];
	v11 =	vadd.s32 v7, v8  }
0x1da: {  	v16 =	vmax.f32 v16, $0.0e+00  }
0x1db: {  	v23 =	vadd.f32 v4, v5;
	v5 =	vmin.f32 v16, $1.000000000e+00  }
0x1dc: {  	s15 =	simm.s32 $0x140;
	v25 =	vsub.f32 $1.000000000e+00, v5  }
0x1dd: {  	v17 =	vld [tilespmem:s15+$0xFFFFFFC0];
	v10 =	vmax.f32 v10, $0.0e+00  }
0x1de: {  	v10 =	vmin.f32 v10, $1.000000000e+00;
	[tilespmem:v11+s12+$0x0] =	vst.idx.msk vm9, v13;
	v11 =	vmax.f32 v12, $0.0e+00;
	v12 =	vshra.s32 v25, $0x17  }
0x1df: {  	v24 =	vsel vm8, $0x1, v2;
	vm8 =	veq.s32 v12, v28;
	v12 =	vsub.f32 $1.000000000e+00, v10  }
0x1e0: {  	v26 =	vld [tilespmem:s15+$0x0];
	v16 =	vsel vm9, $0x1, v2  }
0x1e1: {  	v4 =	vor.u32 $0x400, v59;
	v8 =	vadd.s32 v16, v8;
	v12 =	vshra.s32 v12, $0x17  }
0x1e2: {  	v16 =	vmax.f32 v17, $0.0e+00;
	v17 =	vadd.s32 v4, v29;
	vm9 =	veq.s32 v12, v28  }
0x1e3: {  	v12 =	vadd.s32 v7, v8  }
0x1e4: {  	v9 =	vadd.s32 v24, v9;
	v16 =	vmin.f32 v16, $1.000000000e+00  }
0x1e5: {  	v24 =	vmin.f32 v11, $1.000000000e+00;
	v11 =	vmax.f32 v26, $0.0e+00;
	v25 =	vsub.f32 $1.000000000e+00, v16  }
0x1e6: {  	v26 =	vsub.f32 $1.000000000e+00, v24;
	v27 =	vmin.f32 v11, $1.000000000e+00  }
0x1e7: {  	v13 =	vld [tilespmem:s18+$0x20];
	v11 =	vsub.f32 $1.000000000e+00, v27;
	v25 =	vshra.s32 v25, $0x17;
	[tilespmem:v17+s12+$0x0] =	vst.idx.msk vm8, v5  }
0x1e8: {  	v26 =	vshra.s32 v26, $0x17;
	vm10 =	veq.s32 v25, v28;
	v25 =	vadd.s32 v59, v9;
	[tilespmem:v12+s12+$0x0] =	vst.idx.msk vm9, v10  }
0x1e9: {  	v5 =	vshra.s32 v11, $0x17;
	v11 =	vsel vm9, $0x1, v2;
	v17 =	vsel vm10, $0x1, v2;
	v10 =	vld [tilespmem:$0x1FCF0]  }
0x1ea: {  	v9 =	vadd.s32 v17, v9;
	vm11 =	veq.s32 v5, v28;
	v5 =	vadd.f32 v55, v6;
	v6 =	vld [tilespmem:$0x1FCE0]  }
0x1eb: {  	vm12 =	veq.s32 v26, v28;
	v17 =	vld [tilespmem:s18+$0xFFFFFFF0];
	v8 =	vadd.s32 v11, v8;
	v26 =	vadd.s32 v59, v9  }
0x1ec: {  	v13 =	vmax.f32 v13, $0.0e+00;
	v12 =	vadd.s32 v7, v8  }
0x1ed: {  	v30 =	vmin.f32 v13, $1.000000000e+00  }
0x1ee: {  	v13 =	vsub.f32 $1.000000000e+00, v30;
	v11 =	vadd.f32 v10, v15;
	v10 =	vld [tilespmem:$0x1FD00]  }
0x1ef: {  	s16 =	simm.s32 $0x1C0;
	v31 =	vsel vm11, $0x1, v2;
	v6 =	vadd.f32 v6, v14;
	v14 =	vld [tilespmem:s31+$0xFFFFFFE0];
	[tilespmem:v25+s12+$0x0] =	vst.idx.msk vm10, v16  }
0x1f0: {  	v13 =	vshra.s32 v13, $0x17;
	v9 =	vadd.s32 v31, v9;
	v17 =	vmax.f32 v17, $0.0e+00;
	[tilespmem:v26+s12+$0x0] =	vst.idx.msk vm11, v27;
	v27 =	vld [tilespmem:s16+$0xFFFFFFC0]  }
0x1f1: {  	v17 =	vmin.f32 v17, $1.000000000e+00;
	v15 =	vsel vm8, $0x1, v2;
	vm8 =	veq.s32 v13, v28;
	[tilespmem:v12+s12+$0x0] =	vst.idx.msk vm12, v24;
	v16 =	vld [tilespmem:s15+$0xFFFFFFD0]  }
0x1f2: {  	v13 =	vsub.f32 $1.000000000e+00, v17;
	v15 =	vadd.s32 v15, v29;
	v12 =	vsel vm8, $0x1, v2;
	v24 =	vld [tilespmem:s31+$0x20]  }
0x1f3: {  	v25 =	vadd.s32 v4, v15;
	v10 =	vadd.f32 v10, v23;
	v23 =	vsel vm12, $0x1, v2  }
0x1f4: {  	v15 =	vadd.s32 v12, v15;
	v14 =	vmax.f32 v14, $0.0e+00;
	v8 =	vadd.s32 v23, v8;
	v23 =	vld [tilespmem:s15+$0x10]  }
0x1f5: {  	v53 =	vadd.s32 v4, v15;
	v27 =	vmax.f32 v27, $0.0e+00;
	v12 =	vmin.f32 v14, $1.000000000e+00  }
0x1f6: {  	v14 =	vshra.s32 v13, $0x17;
	v13 =	vor.u32 $0x600, v59;
	v16 =	vmax.f32 v16, $0.0e+00  }
0x1f7: {  	v24 =	vmax.f32 v24, $0.0e+00;
	v27 =	vmin.f32 v27, $1.000000000e+00;
	vm9 =	veq.s32 v14, v28;
	v14 =	vld [tilespmem:s16+$0x0]  }
0x1f8: {  	v26 =	vsub.f32 $1.000000000e+00, v12;
	v31 =	vadd.s32 v13, v29;
	v16 =	vmin.f32 v16, $1.000000000e+00  }
0x1f9: {  	v54 =	vmin.f32 v24, $1.000000000e+00;
	v57 =	vsub.f32 $1.000000000e+00, v27;
	v23 =	vmax.f32 v23, $0.0e+00  }
0x1fa: {  	v24 =	vsub.f32 $1.000000000e+00, v16;
	v26 =	vshra.s32 v26, $0x17;
	v23 =	vmin.f32 v23, $1.000000000e+00  }
0x1fb: {  	v56 =	vsub.f32 $1.000000000e+00, v54;
	vm11 =	veq.s32 v26, v28;
	v26 =	vsub.f32 $1.000000000e+00, v23  }
0x1fc: {  	[tilespmem:v25+s12+$0x0] =	vst.idx.msk vm8, v30;
	v30 =	vshra.s32 v57, $0x17;
	v24 =	vshra.s32 v24, $0x17;
	v14 =	vmax.f32 v14, $0.0e+00  }
0x1fd: {  	vm8 =	veq.s32 v24, v28;
	v14 =	vmin.f32 v14, $1.000000000e+00;
	v25 =	vshra.s32 v26, $0x17  }
0x1fe: {  	v24 =	vld [tilespmem:s18+$0x30];
	v26 =	vsub.f32 $1.000000000e+00, v14;
	vm10 =	veq.s32 v25, v28;
	v25 =	vadd.s32 v7, v8  }
0x1ff: {  	v35 =	vshra.s32 v56, $0x17;
	vm12 =	veq.s32 v30, v28;
	v30 =	vadd.s32 v59, v9  }
0x200: {  	v55 =	vsel vm11, $0x1, v2;
	vm13 =	veq.s32 v35, v28;
	v26 =	vshra.s32 v26, $0x17  }
0x201: {  	v58 =	vsel vm8, $0x1, v2;
	[tilespmem:v53+s12+$0x0] =	vst.idx.msk vm11, v12;
	v12 =	vsel vm12, $0x1, v2;
	vm11 =	veq.s32 v26, v28  }
0x202: {  	v8 =	vadd.s32 v58, v8;
	v9 =	vadd.s32 v12, v9;
	v26 =	vld [tilespmem:s31+$0xFFFFFFF0];
	v12 =	vsel vm11, $0x1, v2  }
0x203: {  	v12 =	vadd.s32 v12, v9;
	v9 =	vadd.s32 v59, v9;
	[tilespmem:v25+s12+$0x0] =	vst.idx.msk vm8, v16;
	v16 =	vmax.f32 v24, $0.0e+00  }
0x204: {  	v61 =	vadd.s32 v7, v8;
	v7 =	vadd.s32 v55, v15;
	v24 =	vmin.f32 v16, $1.000000000e+00;
	v15 =	vld [tilespmem:s15+$0xFFFFFFE0]  }
0x205: {  	[tilespmem:v30+s12+$0x0] =	vst.idx.msk vm12, v27;
	v30 =	vsel vm13, $0x1, v2;
	v60 =	vsel vm10, $0x1, v2;
	v25 =	vsub.f32 $1.000000000e+00, v24  }
0x206: {  	v27 =	vadd.s32 v4, v7;
	v7 =	vadd.s32 v30, v7;
	v30 =	vsel vm9, $0x1, v2  }
0x207: {  	v16 =	vadd.s32 v60, v8;
	v8 =	vld [tilespmem:s16+$0xFFFFFFD0];
	v26 =	vmax.f32 v26, $0.0e+00;
	v62 =	vshra.s32 v25, $0x17  }
0x208: {  	v25 =	vmin.f32 v26, $1.000000000e+00;
	[tilespmem:v9+s12+$0x0] =	vst.idx.msk vm11, v14;
	v9 =	vadd.s32 v30, v29;
	vm8 =	veq.s32 v62, v28  }
0x209: {  	[tilespmem:v61+s12+$0x0] =	vst.idx.msk vm10, v23;
	v63 =	vsub.f32 $1.000000000e+00, v25;
	v14 =	vld [tilespmem:s16+$0x10];
	v26 =	vadd.s32 v13, v9;
	v15 =	vmax.f32 v15, $0.0e+00  }
0x20a: {  	[tilespmem:v31+s12+$0x0] =	vst.idx.msk vm9, v17;
	v30 =	vld [tilespmem:s15+$0x20];
	v23 =	vsel vm8, $0x1, v2  }
0x20b: {  	v17 =	vmovc v59;
	[tilespmem:v27+s12+$0x0] =	vst.idx.msk vm13, v54;
	v23 =	vadd.s32 v23, v9;
	v29 =	vmin.f32 v15, $1.000000000e+00;
	v9 =	vshra.s32 v63, $0x17  }
0x20c: {  	s19 =	simm.s32 $0x240;
	s18 =	simm.s32 $0x6;
	v27 =	vld [tilespmem:s31+$0x30];
	v32 =	vmax.f32 v8, $0.0e+00;
	v8 =	vmovc v4;
	v31 =	vsub.f32 $1.000000000e+00, v29;
	vm9 =	veq.s32 v9, v28;
	v15 =	vmovc v59  }
.LBB2_6:
0x20d: {  	v9 =	vld [tilespmem:s19+$0xFFFFFFC0];
	s18 =	sadd.s32 $0x2, s18;
	v33 =	vadd.s32 v13, v23;
	v34 =	vsel vm9, $0x1, v2  }
0x20e: {  	v36 =	vadd.s32 v8, v7;
	v35 =	vld [tilespmem:s19+$0x0];
	p0 =	slt.u32 s18, $0x1FE;
	v14 =	vmax.f32 v14, $0.0e+00;
	v31 =	vshra.s32 v31, $0x17;
	[tilespmem:v26+s12+$0x0] =	vst.idx.msk vm8, v24  }
0x20f: {  	v26 =	vmin.f32 v14, $1.000000000e+00;
	vm8 =	veq.s32 v31, v28;
	v14 =	vmax.f32 v30, $0.0e+00  }
0x210: {  	v24 =	vmin.f32 v32, $1.000000000e+00;
	v30 =	vsub.f32 $1.000000000e+00, v26;
	v31 =	vmin.f32 v14, $1.000000000e+00  }
0x211: {  	v14 =	vsub.f32 $1.000000000e+00, v24;
	v32 =	vsel vm8, $0x1, v2;
	v38 =	vsub.f32 $1.000000000e+00, v31  }
0x212: {  	v39 =	vor.u32 $0x200, v15;
	v9 =	vmax.f32 v9, $0.0e+00;
	v30 =	vshra.s32 v30, $0x17;
	[tilespmem:v33+s12+$0x0] =	vst.idx.msk vm9, v25  }
0x213: {  	v9 =	vmin.f32 v9, $1.000000000e+00;
	v25 =	vmax.f32 v35, $0.0e+00;
	v33 =	vshra.s32 v38, $0x17  }
0x214: {  	v14 =	vshra.s32 v14, $0x17;
	v35 =	vsub.f32 $1.000000000e+00, v9;
	v25 =	vmin.f32 v25, $1.000000000e+00  }
0x215: {  	vm10 =	veq.s32 v14, v28;
	v14 =	vadd.s32 v39, v16;
	v38 =	vsub.f32 $1.000000000e+00, v25;
	[tilespmem:v36+s12+$0x0] =	vst.idx.msk vm8, v29  }
0x216: {  	vm9 =	veq.s32 v30, v28;
	v29 =	vshra.s32 v35, $0x17;
	v30 =	vld [tilespmem:s15+$0xFFFFFFF0]  }
0x217: {  	v35 =	vsel vm10, $0x1, v2;
	vm8 =	veq.s32 v29, v28;
	v29 =	vshra.s32 v38, $0x17  }
0x218: {  	v36 =	vadd.s32 v59, v12;
	v16 =	vadd.s32 v35, v16;
	v38 =	vsel vm8, $0x1, v2  }
0x219: {  	vm11 =	veq.s32 v29, v28;
	v29 =	vsel vm9, $0x1, v2;
	v12 =	vadd.s32 v38, v12  }
0x21a: {  	v27 =	vmax.f32 v27, $0.0e+00;
	v38 =	vsel vm11, $0x1, v2;
	v35 =	vadd.s32 v59, v12  }
0x21b: {  	v12 =	vadd.s32 v38, v12;
	v38 =	vadd.s32 v39, v16;
	[tilespmem:v14+s12+$0x0] =	vst.idx.msk vm10, v24;
	v24 =	vmin.f32 v27, $1.000000000e+00  }
0x21c: {  	v7 =	vadd.s32 v32, v7;
	vm10 =	veq.s32 v33, v28;
	v27 =	vld [tilespmem:s16+$0xFFFFFFE0];
	v14 =	vsub.f32 $1.000000000e+00, v24  }
0x21d: {  	v16 =	vadd.s32 v29, v16;
	v33 =	vsel vm10, $0x1, v2;
	[tilespmem:v36+s12+$0x0] =	vst.idx.msk vm8, v9;
	v9 =	vadd.s32 v8, v7  }
0x21e: {  	v29 =	vmax.f32 v30, $0.0e+00;
	v7 =	vadd.s32 v33, v7;
	v8 =	vmovc v4;
	v32 =	vld [tilespmem:s19+$0xFFFFFFD0];
	v14 =	vshra.s32 v14, $0x17  }
.Ltmp4:
0x21f: {  	v23 =	vadd.s32 v34, v23;
	[tilespmem:v35+s12+$0x0] =	vst.idx.msk vm11, v25;
	v25 =	vmin.f32 v29, $1.000000000e+00;
	vm8 =	veq.s32 v14, v28;
	(pc) =	sbr.rel @p0 .LBB2_6-.Ltmp4, $4  }
0x220: {  	v14 =	vld [tilespmem:s19+$0x10];
	[tilespmem:v38+s12+$0x0] =	vst.idx.msk vm9, v26;
	v33 =	vsub.f32 $1.000000000e+00, v25;
	v26 =	vadd.s32 v13, v23;
	v13 =	vsel vm8, $0x1, v2  }
0x221: {  	v27 =	vmax.f32 v27, $0.0e+00;
	v30 =	vld [tilespmem:s16+$0x20];
	v23 =	vadd.s32 v13, v23  }
0x222: {  	v13 =	vor.u32 $0x600, v17;
	v17 =	vmovc v15;
	v15 =	vmovc v59;
	v29 =	vmin.f32 v27, $1.000000000e+00;
	v27 =	vshra.s32 v33, $0x17;
	[tilespmem:v9+s12+$0x0] =	vst.idx.msk vm10, v31  }
0x223: {  	v32 =	vmax.f32 v32, $0.0e+00;
	v31 =	vsub.f32 $1.000000000e+00, v29;
	vm9 =	veq.s32 v27, v28;
	v27 =	vld [tilespmem:s15+$0x30];
	s15 =	smov.u32 s16;
	s16 =	smov.u32 s19;
	s19 =	sadd.s32 $0x80, s19  }
0x224: {  	v9 =	vmin.f32 v32, $1.000000000e+00  }
0x225: {  	v32 =	vsub.f32 $1.000000000e+00, v9  }
0x226: {  	v14 =	vmax.f32 v14, $0.0e+00  }
0x227: {  	v33 =	vmin.f32 v14, $1.000000000e+00;
	v32 =	vshra.s32 v32, $0x17  }
0x228: {  	v14 =	vor.u32 $0x200, v15;
	v38 =	vsub.f32 $1.000000000e+00, v33;
	vm11 =	veq.s32 v32, v28  }
0x229: {  	v34 =	vadd.s32 v14, v16  }
0x22a: {  	v32 =	vshra.s32 v38, $0x17;
	v35 =	vsel vm11, $0x1, v2  }
0x22b: {  	vm10 =	veq.s32 v32, v28;
	v16 =	vadd.s32 v35, v16  }
0x22c: {  	v39 =	vadd.s32 v14, v16;
	_ =	sdelay $0x1  }
0x22d: {  	[tilespmem:v34+s12+$0x0] =	vst.idx.msk vm11, v9  }
0x22e: {  	v9 =	vld [tilespmem:s16+$0xFFFFFFE0];
	_ =	sdelay $0x1  }
0x22f: {  	v30 =	vmax.f32 v30, $0.0e+00;
	[tilespmem:v39+s12+$0x0] =	vst.idx.msk vm10, v33  }
0x230: {  	v31 =	vshra.s32 v31, $0x17;
	v30 =	vmin.f32 v30, $1.000000000e+00;
	v32 =	vld [tilespmem:s16+$0x20]  }
0x231: {  	v41 =	vsub.f32 $1.000000000e+00, v30;
	vm11 =	veq.s32 v31, v28  }
0x232: {  	v40 =	vadd.s32 v8, v7;
	v9 =	vmax.f32 v9, $0.0e+00  }
0x233: {  	v34 =	vshra.s32 v41, $0x17;
	v42 =	vsel vm11, $0x1, v2;
	v9 =	vmin.f32 v9, $1.000000000e+00  }
0x234: {  	vm12 =	veq.s32 v34, v28;
	v7 =	vadd.s32 v42, v7;
	v43 =	vsub.f32 $1.000000000e+00, v9  }
0x235: {  	v8 =	vadd.s32 v8, v7;
	v32 =	vmax.f32 v32, $0.0e+00  }
0x236: {  	v44 =	vsel vm12, $0x1, v2;
	v45 =	vmin.f32 v32, $1.000000000e+00;
	v33 =	vshra.s32 v43, $0x17  }
0x237: {  	v7 =	vadd.s32 v44, v7;
	[tilespmem:v40+s12+$0x0] =	vst.idx.msk vm11, v29;
	v48 =	vsub.f32 $1.000000000e+00, v45;
	vm11 =	veq.s32 v33, v28  }
0x238: {  	v46 =	vadd.s32 v4, v7;
	v29 =	vld [tilespmem:s15+$0xFFFFFFF0]  }
0x239: {  	v27 =	vmax.f32 v27, $0.0e+00;
	v49 =	vsel vm11, $0x1, v2;
	v33 =	vshra.s32 v48, $0x17  }
0x23a: {  	v27 =	vmin.f32 v27, $1.000000000e+00;
	[tilespmem:v8+s12+$0x0] =	vst.idx.msk vm12, v30;
	v7 =	vadd.s32 v49, v7;
	vm12 =	veq.s32 v33, v28  }
0x23b: {  	v8 =	vsub.f32 $1.000000000e+00, v27;
	v30 =	vld [tilespmem:s15+$0x30];
	v34 =	vadd.s32 v4, v7;
	_ =	sdelay $0x1  }
0x23c: {  	v52 =	vsel vm9, $0x1, v2;
	v8 =	vshra.s32 v8, $0x17;
	v29 =	vmax.f32 v29, $0.0e+00;
	[tilespmem:v46+s12+$0x0] =	vst.idx.msk vm11, v9  }
0x23d: {  	v51 =	vsel vm10, $0x1, v2;
	vm10 =	veq.s32 v8, v28;
	v29 =	vmin.f32 v29, $1.000000000e+00;
	v8 =	vld [tilespmem:s16+$0xFFFFFFF0]  }
0x23e: {  	v36 =	vxor.u32 $0x80000000, v50;
	v1 =	vxor.u32 $0x80000000, v1;
	v9 =	vsub.f32 $1.000000000e+00, v29  }
0x23f: {  	v53 =	vadd.s32 v52, v23;
	v56 =	vnsel vm7, $0x80000000, v36;
	v30 =	vmax.f32 v30, $0.0e+00;
	[tilespmem:v34+s12+$0x0] =	vst.idx.msk vm12, v45  }
0x240: {  	v1 =	vnsel vm4, $0x80000000, v1;
	v30 =	vmin.f32 v30, $1.000000000e+00;
	v9 =	vshra.s32 v9, $0x17;
	v58 =	vld [tilespmem:s16+$0x30]  }
0x241: {  	v38 =	vxor.u32 $0x80000000, v47;
	vm7 =	veq.s32 v9, v28;
	v9 =	vsub.f32 $1.000000000e+00, v30  }
0x242: {  	v60 =	vnsel vm6, $0x80000000, v38;
	v16 =	vadd.s32 v51, v16;
	v8 =	vmax.f32 v8, $0.0e+00  }
0x243: {  	(xrf0) =	vmax.scan.msk.u32 $0xffff, v56;
	v54 =	vsel vm10, $0x1, v2;
	v9 =	vshra.s32 v9, $0x17;
	v61 =	vmin.f32 v8, $1.000000000e+00  }
0x244: {  	(xrf0) =	vmax.scan.msk.u32 $0xffff, v60;
	vm11 =	veq.s32 v9, v28;
	v8 =	vxor.u32 $0x80000000, v20;
	v9 =	vsub.f32 $1.000000000e+00, v61  }
0x245: {  	(xrf0) =	vmax.scan.msk.u32 $0xffff, v1;
	v33 =	vadd.s32 v54, v53;
	v1 =	vnsel vm5, $0x80000000, v8;
	v8 =	vmax.f32 v58, $0.0e+00  }
0x246: {  	v55 =	vsel vm12, $0x1, v2;
	(xrf0) =	vmax.scan.msk.u32 $0xffff, v1;
	v63 =	vmin.f32 v8, $1.000000000e+00;
	v1 =	vshra.s32 v9, $0x17  }
0x247: {  	v57 =	vsel vm7, $0x1, v2;
	vm12 =	veq.s32 v1, v28;
	v1 =	vsub.f32 $1.000000000e+00, v63  }
0x248: {  	v7 =	vadd.s32 v55, v7;
	v34 =	vadd.s32 v57, v33;
	v8 =	vxor.u32 $0x80000000, v18  }
0x249: {  	v62 =	vsel vm11, $0x1, v2;
	v8 =	vnsel vm3, $0x80000000, v8;
	v1 =	vshra.s32 v1, $0x17  }
0x24a: {  	v20 =	vadd.s32 v62, v34;
	v9, _, _ =	vpop (xrf0);
	v18 =	vsel vm12, $0x1, v2;
	(xrf0) =	vmax.scan.msk.u32 $0xffff, v8;
	v8 =	vxor.u32 $0x80000000, v19  }
0x24b: {  	(v2sf) =	vpush v9, $0xF;
	v9, _, _ =	vpop (xrf0);
	v8 =	vnsel vm2, $0x80000000, v8;
	v18 =	vadd.s32 v18, v20  }
0x24c: {  	(v2sf) =	vpush v9, $0xF;
	vm13 =	veq.s32 v1, v28;
	(xrf0) =	vmax.scan.msk.u32 $0xffff, v8;
	v8 =	vxor.u32 $0x80000000, v21;
	v1, _, _ =	vpop (xrf0)  }
0x24d: {  	v9 =	vsel vm13, $0x1, v2;
	v19 =	vnsel vm1, $0x80000000, v8;
	(v2sf) =	vpush v1, $0xF;
	v1, _, _ =	vpop (xrf0)  }
0x24e: {  	v8 =	vadd.s32 v9, v18;
	(v2sf) =	vpush v1, $0xF;
	v1 =	vxor.u32 $0x80000000, v22  }
0x24f: {  	vm14 =	vgt.s32 v12, v16;
	(xrf0) =	vmax.scan.msk.u32 $0xffff, v19;
	vm15 =	vgt.s32 v7, v8;
	v1 =	vnsel vm0, $0x80000000, v1  }
0x250: {  	v9, _, _ =	vpop (xrf0);
	v19 =	vsel vm15, v7, v8;
	(xrf0) =	vmax.scan.msk.u32 $0xffff, v1;
	v1 =	vsel vm14, v12, v16  }
0x251: {  	vm0 =	vgt.s32 v1, v19  }
0x252: {  	(v2sf) =	vpush v9, $0xF;
	v9, _, _ =	vpop (xrf0);
	v1 =	vsel vm0, v1, v19;
	v19 =	vadd.s32 v12, v16  }
0x253: {  	(v2sf) =	vpush v9, $0xF;
	v1 =	vxor.u32 $0x80000000, v1;
	v9 =	vadd.s32 v7, v19  }
0x254: {  	(xrf0) =	vmax.scan.msk.u32 $0xffff, v1;
	v1 =	vadd.s32 v8, v9  }
0x255: {  	v19, _, _ =	vpop (xrf0)  }
0x256: {  	(xrf0) =	vadd.scan.msk.s32 $0xffff, v1;
	(v2sf) =	vpush v19, $0xF  }
0x257: {  	v1, _, _ =	vpop (xrf0)  }
0x258: {  	(v2sf) =	vpush v1, $0xF;
	_ =	sdelay $0x1  }
0x259: {  	s22 =	spop (v2sf)  }
0x25a: {  	s23 =	spop (v2sf);
	v1, _, _ =	vpop (xrf0)  }
0x25b: {  	s15 =	sxor.u32 $0x80000000, s22;
	s16 =	sxor.u32 $0x80000000, s23;
	(v2sf) =	vpush v1, $0xF;
	v1, _, _ =	vpop (xrf0)  }
0x25c: {  	p0 =	sgt.s32 s15, s16;
	s17 =	spop (v2sf);
	(v2sf) =	vpush v1, $0xF  }
0x25d: {  	s16 =	smov.u32 @p0 s15;
	s15 =	sxor.u32 $0x80000000, s17  }
0x25e: {  	s24 =	spop (v2sf);
	p0 =	sgt.s32 s16, s15  }
0x25f: {  	s15 =	smov.u32 @p0 s16;
	s16 =	sxor.u32 $0x80000000, s24  }
0x260: {  	s25 =	spop (v2sf);
	p0 =	sgt.s32 s15, s16  }
0x261: {  	s16 =	smov.u32 @p0 s15;
	s15 =	sxor.u32 $0x80000000, s25  }
0x262: {  	v9 =	vor.u32 $0x600, v17;
	v1 =	vadd.s32 v13, v23;
	s26 =	spop (v2sf);
	p0 =	sgt.s32 s16, s15  }
0x263: {  	v17 =	vadd.s32 v9, v33;
	s15 =	smov.u32 @p0 s16;
	s16 =	sxor.u32 $0x80000000, s26  }
0x264: {  	v19 =	vadd.s32 v9, v34;
	v9 =	vor.u32 $0x600, v15;
	p0 =	sgt.s32 s15, s16;
	s28 =	spop (v2sf)  }
0x265: {  	v15 =	vadd.s32 v9, v20;
	s16 =	smov.u32 @p0 s15;
	s15 =	sxor.u32 $0x80000000, s28  }
0x266: {  	[tilespmem:v26+s12+$0x0] =	vst.idx.msk vm8, v24;
	v13 =	vadd.s32 v13, v53;
	s29 =	spop (v2sf);
	p0 =	sgt.s32 s16, s15  }
0x267: {  	[tilespmem:v1+s12+$0x0] =	vst.idx.msk vm9, v25;
	v1 =	vadd.s32 v9, v18;
	s15 =	smov.u32 @p0 s16;
	s17 =	sxor.u32 $0x80000000, s29  }
.Ltmp5:
0x268: {  	[tilespmem:v17+s12+$0x0] =	vst.idx.msk vm7, v29;
	p0 =	sgt.s32 s15, s17;
	(pc) =	sbr.rel .LBB2_8-.Ltmp5, $4  }
0x269: {  	s20 =	simm.s32 $0x3F800001;
	[tilespmem:v19+s12+$0x0] =	vst.idx.msk vm11, v30;
	s17 =	smov.u32 @p0 s15  }
0x26a: {  	s19 =	simm.s32 $0x0;
	[tilespmem:v15+s12+$0x0] =	vst.idx.msk vm12, v61;
	s30 =	spop (v2sf);
	p0 =	sgt.s32 s17, $0x0  }
0x26b: {  	[tilespmem:v13+s12+$0x0] =	vst.idx.msk vm10, v27;
	s31 =	spop (v2sf);
	s18 =	sxor.u32 $0x80000000, s30;
	s17 =	simm.s32 @!p0 $0x0  }
0x26c: {  	[tilespmem:v1+s12+$0x0] =	vst.idx.msk vm13, v63;
	s15 =	simm.s32 $0x0;
	p0 =	slt.s32 s18, $0x1;
	s16 =	sadd.s32 s17, s31  }
.LBB2_9:
0x26d: {  	v13 =	vimm.s32 $0x0  }
.LBB2_17:
0x26e: {  	(xrf0) =	vadd.scan.msk.s32 $0xffff, v13;
	_ =	sdelay $0x5  }
0x26f: {  	v1, _, _ =	vpop (xrf0)  }
0x270: {  	(v2sf) =	vpush v1, $0xF;
	_ =	sdelay $0xe  }
0x271: {  	s22 =	spop (v2sf)  }
0x272: {  	s22 =	sadd.s32 s17, s22  }
0x273: {  	p1 =	sgt.s32 s22, $0x7F  }
0x274: {  	s15 =	smov.u32 @p1 s21;
	s21 =	smov.u32 @p1 s20  }
0x275: {  	s20 =	ssub.s32 s21, s15  }
0x276: {  	s16 =	smov.u32 @p1 s22;
	s22 =	smov.u32 @p1 s19;
	p1 =	sgt.s32 s20, $0x1  }
.Ltmp6:
0x277: {  	_ = 	snop;
	(pc) =	sbr.rel @!p1 .LBB2_18-.Ltmp6, $2  }
0x278: {  	_ =	sdelay $0x2  }
0x279: {  	s19 =	smov.u32 s22;
	s20 =	smov.u32 s21  }
.LBB2_8:
.Ltmp7:
0x27a: {  	(pc) =	sbr.rel @p0 .LBB2_9-.Ltmp7, $3  }
0x27b: {  	_ =	sdelay $0x1  }
0x27c: {  	s21 =	sadd.s32 s15, s20  }
0x27d: {  	s21 =	sshra.s32 s21, $0x1  }
0x27e: {  	s23 =	simm.s32 $0x0  }
0x27f: {  	v1 =	vadd.s32 s23, v9  }
0x280: {  	v13 =	vadd.s32 s23, v59  }
0x281: {  	v15 =	vadd.s32 s23, v14  }
0x282: {  	p2 =	sne.s32 s18, $0x1;
	v19 =	vadd.s32 s23, v4  }
.Ltmp8:
0x283: {  	_ = 	snop;
	(pc) =	sbr.rel @!p2 .LBB2_11-.Ltmp8, $4  }
0x284: {  	v17 =	vld.idx.msk [tilespmem:v1+s12+$0x0], $0xffff  }
0x285: {  	v18 =	vld.idx.msk [tilespmem:v13+s12+$0x0], $0xffff  }
0x286: {  	v20 =	vld.idx.msk [tilespmem:v15+s12+$0x0], $0xffff  }
0x287: {  	s22 =	simm.s32 $0x1;
	p1 =	por $0x0, $0x0;
	v13 =	vmov s21;
	v15 =	vimm.s32 $0x0;
	v19 =	vld.idx.msk [tilespmem:v19+s12+$0x0], $0xffff  }
0x288: {  	v1 =	vadd.s32 s22, v9  }
0x289: {  	v21 =	vadd.s32 s22, v59;
	v22 =	vadd.s32 s22, v4;
	v23 =	vmov s23  }
0x28a: {  	v24 =	vadd.s32 s22, v14;
	vm0 =	vlt.s32 v23, v7;
	vm1 =	vlt.s32 v23, v8  }
0x28b: {  	p2 =	sne.s32 s18, $0x2;
	vm2 =	vlt.s32 v23, v12;
	vm4 =	vlt.s32 v23, v16;
	vm3 =	vle.s32 v13, v18  }
.Ltmp9:
0x28c: {  	vm5 =	vle.s32 v13, v17;
	vm2 =	vmand vm2, vm3;
	vm12 =	vle.s32 v13, v20;
	(pc) =	sbr.rel @!p2 .LBB2_13-.Ltmp9, $4  }
0x28d: {  	vm13 =	vmand vm4, vm12;
	vm14 =	vle.s32 v13, v19;
	v17 =	vld.idx.msk [tilespmem:v1+s12+$0x0], $0xffff;
	v1 =	vsel vm2, $0x1, v2  }
0x28e: {  	v18 =	vld.idx.msk [tilespmem:v21+s12+$0x0], $0xffff;
	v19 =	vsel vm13, $0x1, v2;
	vm0 =	vmand vm0, vm14;
	v1 =	vadd.s32 v1, v15  }
0x28f: {  	vm15 =	vmand vm1, vm5;
	v20 =	vld.idx.msk [tilespmem:v24+s12+$0x0], $0xffff;
	v21 =	vsel vm0, $0x1, v2;
	v1 =	vadd.s32 v19, v1  }
0x290: {  	s23 =	simm.s32 $0x2;
	p1 =	por $0x1, $0x1;
	v19 =	vld.idx.msk [tilespmem:v22+s12+$0x0], $0xffff;
	v22 =	vsel vm15, $0x1, v2;
	v21 =	vadd.s32 v21, v1  }
.LBB2_14:
0x291: {  	v1 =	vadd.s32 s23, v9;
	v21 =	vadd.s32 v22, v21  }
0x292: {  	v22 =	vadd.s32 s23, v59;
	v23 =	vadd.s32 s23, v4;
	v24 =	vmov s22;
	s22 =	smov.u32 s23;
	s23 =	sadd.s32 $0x1, s23  }
0x293: {  	v25 =	vadd.s32 s22, v14;
	p2 =	sne.s32 s18, s23;
	vm0 =	vlt.s32 v24, v7;
	vm1 =	vlt.s32 v24, v8  }
0x294: {  	vm2 =	vlt.s32 v24, v12;
	vm4 =	vlt.s32 v24, v16;
	vm3 =	vle.s32 v13, v18  }
.Ltmp10:
0x295: {  	vm5 =	vle.s32 v13, v17;
	vm2 =	vmand vm2, vm3;
	vm3 =	vle.s32 v13, v20;
	(pc) =	sbr.rel @p2 .LBB2_14-.Ltmp10, $4  }
0x296: {  	v17 =	vld.idx.msk [tilespmem:v1+s12+$0x0], $0xffff;
	v1 =	vsel vm2, $0x1, v2;
	vm2 =	vmand vm4, vm3;
	vm3 =	vle.s32 v13, v19  }
0x297: {  	v18 =	vld.idx.msk [tilespmem:v22+s12+$0x0], $0xffff;
	v1 =	vadd.s32 v1, v21;
	v19 =	vsel vm2, $0x1, v2;
	vm0 =	vmand vm0, vm3  }
0x298: {  	v20 =	vld.idx.msk [tilespmem:v25+s12+$0x0], $0xffff;
	v1 =	vadd.s32 v19, v1;
	v21 =	vsel vm0, $0x1, v2;
	vm0 =	vmand vm1, vm5  }
0x299: {  	v19 =	vld.idx.msk [tilespmem:v23+s12+$0x0], $0xffff;
	v21 =	vadd.s32 v21, v1;
	v22 =	vsel vm0, $0x1, v2  }
0x29a: {  	s23 =	smov.u32 s22  }
.LBB2_16:
0x29b: {  	v1 =	vadd.s32 @p1 v22, v21;
	v63 =	vmov s23  }
0x29c: {  	vm5 =	vle.s32 v13, v17;
	vm0 =	vlt.s32 v63, v7;
	vm1 =	vlt.s32 v63, v12  }
0x29d: {  	vm2 =	vle.s32 v13, v18;
	vm3 =	vlt.s32 v63, v8;
	vm4 =	vlt.s32 v63, v16  }
0x29e: {  	v1 =	vpsel p1, v1, v15;
	vm1 =	vmand vm1, vm2;
	vm12 =	vle.s32 v13, v20  }
.Ltmp11:
0x29f: {  	v17 =	vsel vm1, $0x1, v2;
	vm13 =	vmand vm4, vm12;
	vm14 =	vle.s32 v13, v19;
	(pc) =	sbr.rel .LBB2_17-.Ltmp11, $4  }
0x2a0: {  	v1 =	vadd.s32 v17, v1;
	v13 =	vsel vm13, $0x1, v2;
	vm0 =	vmand vm0, vm14  }
0x2a1: {  	vm15 =	vmand vm3, vm5;
	v1 =	vadd.s32 v13, v1;
	v13 =	vsel vm0, $0x1, v2  }
0x2a2: {  	v1 =	vadd.s32 v13, v1;
	v13 =	vsel vm15, $0x1, v2  }
0x2a3: {  	v13 =	vadd.s32 v13, v1  }
.LBB2_11:
.Ltmp12:
0x2a4: {  	(pc) =	sbr.rel .LBB2_16-.Ltmp12, $2  }
0x2a5: {  	_ =	sdelay $0x2  }
0x2a6: {  	_ = 	snop  }
.LBB2_13:
.Ltmp13:
0x2a7: {  	(pc) =	sbr.rel .LBB2_16-.Ltmp13, $2  }
0x2a8: {  	_ =	sdelay $0x2  }
0x2a9: {  	s23 =	simm.s32 $0x1  }
.LBB2_18:
0x2aa: {  	v1 =	vadd.f32 $0.0e+00, v5  }
0x2ab: {  	v4 =	vld [tilespmem:$0x1FD10]  }
0x2ac: {  	v1 =	vadd.f32 v6, v1;
	_ =	sdelay $0x1  }
0x2ad: {  	v1 =	vadd.f32 v11, v1;
	_ =	sdelay $0x1  }
0x2ae: {  	(xrf2) =	vadd.scan.msk.f32 $0xffff, v4;
	v1 =	vadd.f32 v10, v1;
	_ =	sdelay $0x1  }
0x2af: {  	(xrf2) =	vadd.scan.msk.f32 $0xffff, v1;
	_ =	sdelay $0x7  }
0x2b0: {  	v1, _, _ =	vpop (xrf2)  }
0x2b1: {  	(v2sf) =	vpush v1, $0xF  }
0x2b2: {  	v1, _, _ =	vpop (xrf2)  }
0x2b3: {  	(v2sf) =	vpush v1, $0xF;
	_ =	sdelay $0xc  }
0x2b4: {  	s17 =	spop (v2sf)  }
0x2b5: {  	s17 =	smul.f32 $6.250000000e-02, s17  }
0x2b6: {  	s18 =	spop (v2sf)  }
0x2b7: {  	p0 =	sgt.f32 s18, s17;
	_ =	sdelay $0x1  }
0x2b8: {  	p1 =	sne.s32 @p0 s16, $0x80  }
0x2b9: {  	p1 =	por !p0, p1  }
.Ltmp14:
0x2ba: {  	_ = 	snop;
	(pc) =	sbr.rel @p1 .LBB2_22-.Ltmp14, $1  }
0x2bb: {  	_ =	sdelay $0x3  }
0x2bc: {  	s20 =	simm.s32 $0x40  }
0x2bd: {  	v1 =	vld [tilespmem:s20+$0x0];
	_ =	sdelay $0x4  }
0x2be: {  	v1 =	vmax.f32 v1, $0.0e+00  }
0x2bf: {  	v4 =	vmov s15;
	v5 =	vld [tilespmem:s20+$0xFFFFFFC0];
	v1 =	vmin.f32 v1, $1.000000000e+00  }
0x2c0: {  	vm0 =	vgt.s32 v4, v1  }
0x2c1: {  	s15 =	simm.s32 $0x8040;
	s22 =	simm.s32 $0xC0;
	v1 =	vsel vm0, $0x0, v1  }
0x2c2: {  	v6 =	vld [tilespmem:s22+$0x0];
	[tilespmem:s15+$0x0] =	vst v1  }
0x2c3: {  	v1 =	vld [tilespmem:s20+$0x10]  }
0x2c4: {  	v5 =	vmax.f32 v5, $0.0e+00  }
0x2c5: {  	v5 =	vmin.f32 v5, $1.000000000e+00  }
0x2c6: {  	vm0 =	vgt.s32 v4, v5  }
0x2c7: {  	v6 =	vmax.f32 v6, $0.0e+00;
	v5 =	vsel vm0, $0x0, v5  }
0x2c8: {  	v7 =	vld [tilespmem:s22+$0xFFFFFFC0];
	[tilespmem:s15+$0xFFFFFFC0] =	vst v5;
	v5 =	vmin.f32 v6, $1.000000000e+00;
	v1 =	vmax.f32 v1, $0.0e+00  }
0x2c9: {  	vm1 =	vgt.s32 v4, v5;
	v1 =	vmin.f32 v1, $1.000000000e+00  }
0x2ca: {  	s16 =	simm.s32 $0x80C0;
	v6 =	vld [tilespmem:s20+$0xFFFFFFD0];
	v5 =	vsel vm1, $0x0, v5;
	vm0 =	vgt.s32 v4, v1  }
0x2cb: {  	[tilespmem:s16+$0x0] =	vst v5;
	v1 =	vsel vm0, $0x0, v1  }
0x2cc: {  	v5 =	vld [tilespmem:s22+$0x10];
	[tilespmem:s15+$0x10] =	vst v1  }
0x2cd: {  	s18 =	simm.s32 $0x140;
	v7 =	vmax.f32 v7, $0.0e+00;
	v1 =	vld [tilespmem:s20+$0x20]  }
0x2ce: {  	v8 =	vld [tilespmem:s18+$0x0];
	v7 =	vmin.f32 v7, $1.000000000e+00  }
0x2cf: {  	v6 =	vmax.f32 v6, $0.0e+00;
	vm0 =	vgt.s32 v4, v7  }
0x2d0: {  	v6 =	vmin.f32 v6, $1.000000000e+00;
	v7 =	vsel vm0, $0x0, v7  }
0x2d1: {  	vm0 =	vgt.s32 v4, v6;
	v5 =	vmax.f32 v5, $0.0e+00;
	[tilespmem:s16+$0xFFFFFFC0] =	vst v7  }
0x2d2: {  	v6 =	vsel vm0, $0x0, v6;
	v5 =	vmin.f32 v5, $1.000000000e+00;
	v7 =	vld [tilespmem:s22+$0xFFFFFFD0];
	v1 =	vmax.f32 v1, $0.0e+00  }
0x2d3: {  	s19 =	simm.s32 $0x1C0;
	v9 =	vld [tilespmem:s18+$0xFFFFFFC0];
	[tilespmem:s15+$0xFFFFFFD0] =	vst v6;
	v6 =	vmax.f32 v8, $0.0e+00;
	vm1 =	vgt.s32 v4, v5;
	v1 =	vmin.f32 v1, $1.000000000e+00  }
0x2d4: {  	v10 =	vld [tilespmem:s19+$0x0];
	v6 =	vmin.f32 v6, $1.000000000e+00;
	v5 =	vsel vm1, $0x0, v5;
	vm0 =	vgt.s32 v4, v1  }
0x2d5: {  	v8 =	vld [tilespmem:s20+$0xFFFFFFE0];
	[tilespmem:s16+$0x10] =	vst v5;
	v1 =	vsel vm0, $0x0, v1;
	vm0 =	vgt.s32 v4, v6  }
0x2d6: {  	s17 =	simm.s32 $0x8140;
	v11 =	vld [tilespmem:s19+$0xFFFFFFC0];
	[tilespmem:s15+$0x20] =	vst v1;
	v1 =	vsel vm0, $0x0, v6  }
0x2d7: {  	v7 =	vmax.f32 v7, $0.0e+00;
	[tilespmem:s17+$0x0] =	vst v1;
	v1 =	vld [tilespmem:s22+$0x20]  }
0x2d8: {  	v7 =	vmin.f32 v7, $1.000000000e+00;
	v6 =	vmax.f32 v9, $0.0e+00;
	v9 =	vld [tilespmem:s18+$0x10]  }
0x2d9: {  	vm1 =	vgt.s32 v4, v7;
	v6 =	vmin.f32 v6, $1.000000000e+00  }
0x2da: {  	v8 =	vmax.f32 v8, $0.0e+00;
	v7 =	vsel vm1, $0x0, v7;
	v5 =	vld [tilespmem:s20+$0x30];
	vm0 =	vgt.s32 v4, v6  }
0x2db: {  	v11 =	vmax.f32 v11, $0.0e+00;
	v8 =	vmin.f32 v8, $1.000000000e+00;
	[tilespmem:s16+$0xFFFFFFD0] =	vst v7;
	v6 =	vsel vm0, $0x0, v6  }
0x2dc: {  	v7 =	vmax.f32 v10, $0.0e+00;
	vm0 =	vgt.s32 v4, v8;
	[tilespmem:s17+$0xFFFFFFC0] =	vst v6;
	v1 =	vmax.f32 v1, $0.0e+00  }
0x2dd: {  	v6 =	vsel vm0, $0x0, v8;
	v8 =	vld [tilespmem:s18+$0xFFFFFFD0];
	v9 =	vmax.f32 v9, $0.0e+00;
	v1 =	vmin.f32 v1, $1.000000000e+00  }
0x2de: {  	v10 =	vld [tilespmem:s22+$0xFFFFFFE0];
	v7 =	vmin.f32 v7, $1.000000000e+00;
	[tilespmem:s15+$0xFFFFFFE0] =	vst v6;
	v6 =	vmin.f32 v9, $1.000000000e+00;
	vm0 =	vgt.s32 v4, v1  }
0x2df: {  	s21 =	simm.s32 $0x240;
	v5 =	vmax.f32 v5, $0.0e+00;
	v9 =	vld [tilespmem:s20+$0xFFFFFFF0];
	vm1 =	vgt.s32 v4, v6;
	v1 =	vsel vm0, $0x0, v1  }
0x2e0: {  	v12 =	vld [tilespmem:s21+$0x0];
	v5 =	vmin.f32 v5, $1.000000000e+00;
	vm0 =	vgt.s32 v4, v7;
	v6 =	vsel vm1, $0x0, v6;
	[tilespmem:s16+$0x20] =	vst v1  }
0x2e1: {  	s20 =	simm.s32 $0x81C0;
	vm1 =	vgt.s32 v4, v5;
	v1 =	vmin.f32 v11, $1.000000000e+00;
	v7 =	vsel vm0, $0x0, v7;
	[tilespmem:s17+$0x10] =	vst v6;
	v6 =	vld [tilespmem:s22+$0x30]  }
0x2e2: {  	v11 =	vsel vm1, $0x0, v5;
	v5 =	vmax.f32 v8, $0.0e+00;
	vm0 =	vgt.s32 v4, v1;
	[tilespmem:s20+$0x0] =	vst v7;
	v7 =	vld [tilespmem:s18+$0x20]  }
0x2e3: {  	v8 =	vmax.f32 v10, $0.0e+00;
	v5 =	vmin.f32 v5, $1.000000000e+00;
	v1 =	vsel vm0, $0x0, v1;
	v10 =	vld [tilespmem:s19+$0x10]  }
0x2e4: {  	v8 =	vmin.f32 v8, $1.000000000e+00;
	vm0 =	vgt.s32 v4, v5;
	v9 =	vmax.f32 v9, $0.0e+00  }
0x2e5: {  	[tilespmem:s20+$0xFFFFFFC0] =	vst v1;
	v1 =	vmax.f32 v12, $0.0e+00;
	v13 =	vsel vm0, $0x0, v5;
	vm0 =	vgt.s32 v4, v8  }
0x2e6: {  	[tilespmem:s15+$0x30] =	vst v11;
	v5 =	vmin.f32 v9, $1.000000000e+00;
	v9 =	vld [tilespmem:s21+$0xFFFFFFC0];
	v12 =	vmin.f32 v1, $1.000000000e+00;
	v6 =	vmax.f32 v6, $0.0e+00  }
0x2e7: {  	v11 =	vsel vm0, $0x0, v8;
	v8 =	vld [tilespmem:s19+$0xFFFFFFD0];
	[tilespmem:s17+$0xFFFFFFD0] =	vst v13;
	v7 =	vmax.f32 v7, $0.0e+00;
	v6 =	vmin.f32 v6, $1.000000000e+00  }
0x2e8: {  	v10 =	vmax.f32 v10, $0.0e+00;
	v13 =	vmin.f32 v7, $1.000000000e+00;
	vm1 =	vgt.s32 v4, v6;
	v7 =	vld [tilespmem:s18+$0xFFFFFFE0]  }
0x2e9: {  	[tilespmem:s16+$0xFFFFFFE0] =	vst v11;
	v11 =	vmin.f32 v10, $1.000000000e+00;
	vm2 =	vgt.s32 v4, v13;
	v14 =	vsel vm1, $0x0, v6  }
0x2ea: {  	s23 =	simm.s32 $0x8;
	s24 =	simm.s32 $0x2C0;
	vm0 =	vgt.s32 v4, v5;
	v6 =	vld [tilespmem:s22+$0xFFFFFFF0];
	vm1 =	vgt.s32 v4, v11;
	s22 =	simm.s32 $0x81C0;
	v10 =	vsel vm2, $0x0, v13;
	[tilespmem:s16+$0x30] =	vst v14  }
.LBB2_20:
0x2eb: {  	v1 =	vld [tilespmem:s24+$0x0];
	v9 =	vmax.f32 v9, $0.0e+00;
	vm2 =	vgt.s32 v4, v12;
	v11 =	vsel vm1, $0x0, v11;
	[tilespmem:s17+$0x20] =	vst v10  }
0x2ec: {  	v8 =	vmax.f32 v8, $0.0e+00;
	s22 =	sadd.s32 $0x80, s22;
	v9 =	vmin.f32 v9, $1.000000000e+00;
	v10 =	vsel vm2, $0x0, v12;
	[tilespmem:s20+$0x10] =	vst v11;
	v11 =	vld [tilespmem:s18+$0x30]  }
0x2ed: {  	v7 =	vmax.f32 v7, $0.0e+00;
	v8 =	vmin.f32 v8, $1.000000000e+00;
	vm1 =	vgt.s32 v4, v9;
	[tilespmem:s22+$0x0] =	vst v10;
	v10 =	vld [tilespmem:s19+$0x20]  }
0x2ee: {  	v7 =	vmin.f32 v7, $1.000000000e+00;
	v12 =	vsel vm1, $0x0, v9;
	v13 =	vld [tilespmem:s21+$0x10];
	vm1 =	vgt.s32 v4, v8  }
0x2ef: {  	s23 =	sadd.s32 $0x2, s23;
	v6 =	vmax.f32 v6, $0.0e+00;
	v9 =	vld [tilespmem:s24+$0xFFFFFFC0];
	[tilespmem:s22+$0xFFFFFFC0] =	vst v12;
	v12 =	vsel vm1, $0x0, v8;
	vm1 =	vgt.s32 v4, v7  }
0x2f0: {  	v14 =	vsel vm0, $0x0, v5;
	p1 =	slt.u32 s23, $0x1FE;
	v5 =	vmin.f32 v6, $1.000000000e+00;
	v8 =	vld [tilespmem:s21+$0xFFFFFFD0];
	[tilespmem:s20+$0xFFFFFFD0] =	vst v12;
	v12 =	vsel vm1, $0x0, v7  }
.Ltmp15:
0x2f1: {  	vm0 =	vgt.s32 v4, v5;
	v7 =	vld [tilespmem:s19+$0xFFFFFFE0];
	[tilespmem:s17+$0xFFFFFFE0] =	vst v12;
	v11 =	vmax.f32 v11, $0.0e+00;
	(pc) =	sbr.rel @p1 .LBB2_20-.Ltmp15, $4  }
0x2f2: {  	v1 =	vmax.f32 v1, $0.0e+00;
	v10 =	vmax.f32 v10, $0.0e+00;
	v6 =	vld [tilespmem:s18+$0xFFFFFFF0];
	v12 =	vmin.f32 v11, $1.000000000e+00;
	[tilespmem:s15+$0xFFFFFFF0] =	vst v14;
	s15 =	smov.u32 s16;
	s16 =	smov.u32 s17;
	s17 =	smov.u32 s20  }
0x2f3: {  	s20 =	smov.u32 s22;
	s18 =	smov.u32 s19;
	s19 =	smov.u32 s21;
	v11 =	vmax.f32 v13, $0.0e+00;
	v10 =	vmin.f32 v10, $1.000000000e+00;
	vm1 =	vgt.s32 v4, v12  }
0x2f4: {  	s21 =	smov.u32 s24;
	v11 =	vmin.f32 v11, $1.000000000e+00;
	vm2 =	vgt.s32 v4, v10;
	v13 =	vsel vm1, $0x0, v12  }
0x2f5: {  	s24 =	sadd.s32 $0x80, s24;
	v12 =	vmin.f32 v1, $1.000000000e+00;
	vm1 =	vgt.s32 v4, v11;
	v10 =	vsel vm2, $0x0, v10;
	[tilespmem:s16+$0x30] =	vst v13  }
0x2f6: {  	v1 =	vmax.f32 v9, $0.0e+00;
	vm2 =	vgt.s32 v4, v12  }
0x2f7: {  	s22 =	sadd.s32 $0x80, s22;
	v1 =	vmin.f32 v1, $1.000000000e+00;
	v46 =	vsel vm2, $0x0, v12  }
0x2f8: {  	vm12 =	vgt.s32 v4, v1;
	[tilespmem:s22+$0x0] =	vst v46  }
0x2f9: {  	v1 =	vsel vm12, $0x0, v1;
	v9 =	vld [tilespmem:s21+$0x10]  }
0x2fa: {  	[tilespmem:s22+$0xFFFFFFC0] =	vst v1  }
0x2fb: {  	v1 =	vld [tilespmem:s21+$0xFFFFFFD0];
	_ =	sdelay $0x1  }
0x2fc: {  	v8 =	vmax.f32 v8, $0.0e+00  }
0x2fd: {  	v11 =	vsel vm1, $0x0, v11;
	v8 =	vmin.f32 v8, $1.000000000e+00;
	v9 =	vmax.f32 v9, $0.0e+00  }
0x2fe: {  	[tilespmem:s20+$0x10] =	vst v11;
	vm13 =	vgt.s32 v4, v8;
	v9 =	vmin.f32 v9, $1.000000000e+00  }
0x2ff: {  	v11 =	vld [tilespmem:s19+$0x20];
	v8 =	vsel vm13, $0x0, v8;
	vm14 =	vgt.s32 v4, v9;
	v1 =	vmax.f32 v1, $0.0e+00  }
0x300: {  	[tilespmem:s20+$0xFFFFFFD0] =	vst v8;
	v47 =	vsel vm14, $0x0, v9;
	v1 =	vmin.f32 v1, $1.000000000e+00  }
0x301: {  	v48 =	vld [tilespmem:s19+$0xFFFFFFE0];
	[tilespmem:s22+$0x10] =	vst v47;
	vm15 =	vgt.s32 v4, v1  }
0x302: {  	v8 =	vld [tilespmem:s21+$0x20];
	v1 =	vsel vm15, $0x0, v1  }
0x303: {  	[tilespmem:s22+$0xFFFFFFD0] =	vst v1  }
0x304: {  	v7 =	vmax.f32 v7, $0.0e+00;
	v11 =	vmax.f32 v11, $0.0e+00;
	v49 =	vld [tilespmem:s21+$0xFFFFFFE0]  }
0x305: {  	v50 =	vmin.f32 v11, $1.000000000e+00;
	v1 =	vmin.f32 v7, $1.000000000e+00  }
0x306: {  	[tilespmem:s17+$0x20] =	vst v10;
	vm5 =	vgt.s32 v4, v50;
	v9 =	vmax.f32 v48, $0.0e+00;
	vm4 =	vgt.s32 v4, v1  }
0x307: {  	v51 =	vld [tilespmem:s18+$0x30];
	v9 =	vmin.f32 v9, $1.000000000e+00;
	v1 =	vsel vm4, $0x0, v1;
	v8 =	vmax.f32 v8, $0.0e+00  }
0x308: {  	vm6 =	vgt.s32 v4, v9;
	[tilespmem:s17+$0xFFFFFFE0] =	vst v1;
	v1 =	vsel vm5, $0x0, v50;
	v8 =	vmin.f32 v8, $1.000000000e+00  }
0x309: {  	v52 =	vld [tilespmem:s18+$0xFFFFFFF0];
	[tilespmem:s20+$0x20] =	vst v1;
	v1 =	vsel vm6, $0x0, v9;
	vm7 =	vgt.s32 v4, v8;
	v7 =	vmax.f32 v49, $0.0e+00  }
0x30a: {  	v53 =	vld [tilespmem:s19+$0x30];
	[tilespmem:s20+$0xFFFFFFE0] =	vst v1;
	v1 =	vsel vm7, $0x0, v8;
	v7 =	vmin.f32 v7, $1.000000000e+00  }
0x30b: {  	v54 =	vld [tilespmem:s19+$0xFFFFFFF0];
	[tilespmem:s22+$0x20] =	vst v1;
	vm8 =	vgt.s32 v4, v7  }
0x30c: {  	v55 =	vmax.f32 v51, $0.0e+00;
	v1 =	vmax.f32 v6, $0.0e+00;
	v56 =	vld [tilespmem:s21+$0x30];
	v7 =	vsel vm8, $0x0, v7  }
0x30d: {  	v5 =	vsel vm0, $0x0, v5;
	v6 =	vmin.f32 v55, $1.000000000e+00;
	v1 =	vmin.f32 v1, $1.000000000e+00;
	[tilespmem:s22+$0xFFFFFFE0] =	vst v7  }
0x30e: {  	vm10 =	vgt.s32 v4, v6;
	v57 =	vmax.f32 v52, $0.0e+00;
	vm9 =	vgt.s32 v4, v1;
	v58 =	vld [tilespmem:s21+$0xFFFFFFF0]  }
0x30f: {  	v6 =	vsel vm10, $0x0, v6;
	v7 =	vmin.f32 v57, $1.000000000e+00;
	v9 =	vmax.f32 v53, $0.0e+00  }
0x310: {  	[tilespmem:s15+$0xFFFFFFF0] =	vst v5;
	v1 =	vsel vm9, $0x0, v1;
	vm11 =	vgt.s32 v4, v7;
	v5 =	vmin.f32 v9, $1.000000000e+00  }
0x311: {  	[tilespmem:s17+$0x30] =	vst v6;
	v59 =	vmax.f32 v54, $0.0e+00;
	vm12 =	vgt.s32 v4, v5;
	v60 =	vmax.f32 v56, $0.0e+00  }
0x312: {  	[tilespmem:s16+$0xFFFFFFF0] =	vst v1;
	v1 =	vsel vm12, $0x0, v5;
	v5 =	vmin.f32 v59, $1.000000000e+00;
	v61 =	vmin.f32 v60, $1.000000000e+00  }
0x313: {  	[tilespmem:s20+$0x30] =	vst v1;
	v1 =	vsel vm11, $0x0, v7;
	vm13 =	vgt.s32 v4, v61;
	v62 =	vmax.f32 v58, $0.0e+00  }
0x314: {  	vm14 =	vgt.s32 v4, v5;
	[tilespmem:s17+$0xFFFFFFF0] =	vst v1;
	v1 =	vsel vm13, $0x0, v61;
	v63 =	vmin.f32 v62, $1.000000000e+00  }
0x315: {  	[tilespmem:s22+$0x30] =	vst v1;
	v1 =	vsel vm14, $0x0, v5;
	vm15 =	vgt.s32 v4, v63  }
0x316: {  	[tilespmem:s20+$0xFFFFFFF0] =	vst v1;
	v1 =	vsel vm15, $0x0, v63  }
0x317: {  	[tilespmem:s22+$0xFFFFFFF0] =	vst v1  }
.LBB2_29:
.Ltmp16:
0x318: {  	(pc) =	sbr.rel @p0 .LBB2_33-.Ltmp16, $1  }
0x319: {  	_ =	sdelay $0x3  }
0x31a: {  	s21 =	simm.s32 $0x40  }
0x31b: {  	v1 =	vld [tilespmem:s21+$0x0];
	_ =	sdelay $0x3  }
0x31c: {  	v4 =	vld [tilespmem:s21+$0xFFFFFFC0]  }
0x31d: {  	v1 =	vmax.f32 v1, $0.0e+00  }
0x31e: {  	s15 =	simm.s32 $0x8040;
	s17 =	simm.s32 $0xC0;
	v1 =	vmin.f32 v1, $1.000000000e+00  }
0x31f: {  	[tilespmem:s15+$0x0] =	vst v1;
	v1 =	vld [tilespmem:s17+$0x0]  }
0x320: {  	v5 =	vld [tilespmem:s21+$0x10]  }
0x321: {  	v4 =	vmax.f32 v4, $0.0e+00  }
0x322: {  	v4 =	vmin.f32 v4, $1.000000000e+00  }
0x323: {  	[tilespmem:s15+$0xFFFFFFC0] =	vst v4;
	v4 =	vld [tilespmem:s17+$0xFFFFFFC0]  }
0x324: {  	v6 =	vld [tilespmem:s21+$0xFFFFFFD0];
	v1 =	vmax.f32 v1, $0.0e+00  }
0x325: {  	s16 =	simm.s32 $0x80C0;
	s18 =	simm.s32 $0x140;
	v1 =	vmin.f32 v1, $1.000000000e+00;
	v5 =	vmax.f32 v5, $0.0e+00  }
0x326: {  	[tilespmem:s16+$0x0] =	vst v1;
	v1 =	vmin.f32 v5, $1.000000000e+00;
	v5 =	vld [tilespmem:s18+$0x0]  }
0x327: {  	[tilespmem:s15+$0x10] =	vst v1;
	v1 =	vld [tilespmem:s17+$0x10]  }
0x328: {  	v4 =	vmax.f32 v4, $0.0e+00;
	v7 =	vld [tilespmem:s21+$0x20]  }
0x329: {  	v4 =	vmin.f32 v4, $1.000000000e+00;
	v6 =	vmax.f32 v6, $0.0e+00  }
0x32a: {  	[tilespmem:s16+$0xFFFFFFC0] =	vst v4;
	v4 =	vmin.f32 v6, $1.000000000e+00;
	v6 =	vld [tilespmem:s18+$0xFFFFFFC0]  }
0x32b: {  	[tilespmem:s15+$0xFFFFFFD0] =	vst v4;
	v4 =	vmax.f32 v5, $0.0e+00;
	v5 =	vld [tilespmem:s17+$0xFFFFFFD0]  }
0x32c: {  	s19 =	simm.s32 $0x8140;
	s20 =	simm.s32 $0x1C0;
	v8 =	vld [tilespmem:s21+$0xFFFFFFE0];
	v4 =	vmin.f32 v4, $1.000000000e+00;
	v1 =	vmax.f32 v1, $0.0e+00  }
0x32d: {  	[tilespmem:s19+$0x0] =	vst v4;
	v1 =	vmin.f32 v1, $1.000000000e+00;
	v4 =	vmax.f32 v7, $0.0e+00;
	v7 =	vld [tilespmem:s20+$0x0]  }
0x32e: {  	[tilespmem:s16+$0x10] =	vst v1;
	v1 =	vmin.f32 v4, $1.000000000e+00;
	v9 =	vld [tilespmem:s18+$0x10]  }
0x32f: {  	v4 =	vmax.f32 v6, $0.0e+00;
	[tilespmem:s15+$0x20] =	vst v1;
	v1 =	vld [tilespmem:s17+$0x20]  }
0x330: {  	v6 =	vmin.f32 v4, $1.000000000e+00;
	v5 =	vmax.f32 v5, $0.0e+00;
	v4 =	vld [tilespmem:s21+$0x30]  }
0x331: {  	[tilespmem:s19+$0xFFFFFFC0] =	vst v6;
	v6 =	vmax.f32 v8, $0.0e+00;
	v8 =	vld [tilespmem:s20+$0xFFFFFFC0];
	v5 =	vmin.f32 v5, $1.000000000e+00  }
0x332: {  	[tilespmem:s16+$0xFFFFFFD0] =	vst v5;
	v5 =	vmin.f32 v6, $1.000000000e+00;
	v6 =	vmax.f32 v7, $0.0e+00;
	v7 =	vld [tilespmem:s18+$0xFFFFFFD0]  }
0x333: {  	s22 =	simm.s32 $0x81C0;
	[tilespmem:s15+$0xFFFFFFE0] =	vst v5;
	v5 =	vmin.f32 v6, $1.000000000e+00;
	v9 =	vmax.f32 v9, $0.0e+00;
	v6 =	vld [tilespmem:s17+$0xFFFFFFE0]  }
0x334: {  	s23 =	simm.s32 $0x6;
	s24 =	simm.s32 $0x240;
	[tilespmem:s22+$0x0] =	vst v5;
	v10 =	vmin.f32 v9, $1.000000000e+00;
	v9 =	vmax.f32 v1, $0.0e+00;
	v5 =	vld [tilespmem:s21+$0xFFFFFFF0];
	s21 =	simm.s32 $0x81C0  }
.LBB2_31:
0x335: {  	v1 =	vld [tilespmem:s24+$0x0];
	[tilespmem:s19+$0x10] =	vst v10;
	v9 =	vmin.f32 v9, $1.000000000e+00;
	v4 =	vmax.f32 v4, $0.0e+00;
	s25 =	smov.u32 s17;
	s17 =	smov.u32 s18;
	s18 =	smov.u32 s20  }
0x336: {  	s20 =	smov.u32 s24;
	s23 =	sadd.s32 $0x2, s23;
	v8 =	vmax.f32 v8, $0.0e+00;
	v10 =	vld [tilespmem:s18+$0x10];
	[tilespmem:s16+$0x20] =	vst v9;
	v4 =	vmin.f32 v4, $1.000000000e+00  }
0x337: {  	p0 =	slt.u32 s23, $0x1FE;
	v8 =	vmin.f32 v8, $1.000000000e+00;
	v7 =	vmax.f32 v7, $0.0e+00;
	v9 =	vld [tilespmem:s17+$0x20];
	[tilespmem:s15+$0x30] =	vst v4  }
.Ltmp17:
0x338: {  	[tilespmem:s22+$0xFFFFFFC0] =	vst v8;
	v7 =	vmin.f32 v7, $1.000000000e+00;
	v6 =	vmax.f32 v6, $0.0e+00;
	v4 =	vld [tilespmem:s25+$0x30];
	(pc) =	sbr.rel @p0 .LBB2_31-.Ltmp17, $4  }
0x339: {  	v8 =	vld [tilespmem:s24+$0xFFFFFFC0];
	[tilespmem:s19+$0xFFFFFFD0] =	vst v7;
	v6 =	vmin.f32 v6, $1.000000000e+00;
	v5 =	vmax.f32 v5, $0.0e+00  }
0x33a: {  	v1 =	vmax.f32 v1, $0.0e+00;
	v7 =	vld [tilespmem:s18+$0xFFFFFFD0];
	[tilespmem:s16+$0xFFFFFFE0] =	vst v6;
	v5 =	vmin.f32 v5, $1.000000000e+00  }
0x33b: {  	s22 =	sadd.s32 $0x80, s22;
	v1 =	vmin.f32 v1, $1.000000000e+00;
	v10 =	vmax.f32 v10, $0.0e+00;
	v6 =	vld [tilespmem:s17+$0xFFFFFFE0];
	[tilespmem:s15+$0xFFFFFFF0] =	vst v5;
	s15 =	smov.u32 s16;
	s16 =	smov.u32 s19  }
0x33c: {  	s24 =	sadd.s32 $0x80, s24;
	s19 =	smov.u32 s21;
	s21 =	smov.u32 s22;
	[tilespmem:s22+$0x0] =	vst v1;
	v10 =	vmin.f32 v10, $1.000000000e+00;
	v9 =	vmax.f32 v9, $0.0e+00;
	v5 =	vld [tilespmem:s25+$0xFFFFFFF0]  }
0x33d: {  	_ = 	snop  }
0x33e: {  	v1 =	vmax.f32 v8, $0.0e+00  }
0x33f: {  	v1 =	vmin.f32 v1, $1.000000000e+00  }
0x340: {  	v55 =	vld [tilespmem:s20+$0x10];
	[tilespmem:s22+$0xFFFFFFC0] =	vst v1  }
0x341: {  	v1 =	vld [tilespmem:s20+$0xFFFFFFD0];
	_ =	sdelay $0x2  }
0x342: {  	v7 =	vmax.f32 v7, $0.0e+00  }
0x343: {  	[tilespmem:s19+$0x10] =	vst v10;
	v7 =	vmin.f32 v7, $1.000000000e+00;
	v8 =	vmax.f32 v55, $0.0e+00  }
0x344: {  	v10 =	vld [tilespmem:s18+$0x20];
	[tilespmem:s19+$0xFFFFFFD0] =	vst v7;
	v56 =	vmin.f32 v8, $1.000000000e+00;
	v1 =	vmax.f32 v1, $0.0e+00  }
0x345: {  	v57 =	vld [tilespmem:s18+$0xFFFFFFE0];
	[tilespmem:s21+$0x10] =	vst v56;
	v1 =	vmin.f32 v1, $1.000000000e+00  }
0x346: {  	v7 =	vld [tilespmem:s20+$0x20];
	[tilespmem:s21+$0xFFFFFFD0] =	vst v1  }
0x347: {  	v1 =	vld [tilespmem:s20+$0xFFFFFFE0]  }
0x348: {  	v9 =	vmin.f32 v9, $1.000000000e+00;
	v6 =	vmax.f32 v6, $0.0e+00  }
0x349: {  	[tilespmem:s16+$0x20] =	vst v9;
	v6 =	vmin.f32 v6, $1.000000000e+00;
	v58 =	vmax.f32 v10, $0.0e+00  }
0x34a: {  	v59 =	vld [tilespmem:s17+$0x30];
	[tilespmem:s16+$0xFFFFFFE0] =	vst v6;
	v9 =	vmin.f32 v58, $1.000000000e+00;
	v8 =	vmax.f32 v57, $0.0e+00  }
0x34b: {  	v60 =	vld [tilespmem:s17+$0xFFFFFFF0];
	[tilespmem:s19+$0x20] =	vst v9;
	v8 =	vmin.f32 v8, $1.000000000e+00;
	v7 =	vmax.f32 v7, $0.0e+00  }
0x34c: {  	v61 =	vld [tilespmem:s18+$0x30];
	[tilespmem:s19+$0xFFFFFFE0] =	vst v8;
	v7 =	vmin.f32 v7, $1.000000000e+00;
	v1 =	vmax.f32 v1, $0.0e+00  }
0x34d: {  	v4 =	vmax.f32 v4, $0.0e+00;
	v62 =	vld [tilespmem:s18+$0xFFFFFFF0];
	[tilespmem:s21+$0x20] =	vst v7;
	v1 =	vmin.f32 v1, $1.000000000e+00  }
0x34e: {  	v4 =	vmin.f32 v4, $1.000000000e+00;
	v5 =	vmax.f32 v5, $0.0e+00;
	[tilespmem:s21+$0xFFFFFFE0] =	vst v1;
	v1 =	vld [tilespmem:s20+$0x30]  }
0x34f: {  	[tilespmem:s15+$0x30] =	vst v4;
	v4 =	vmin.f32 v5, $1.000000000e+00;
	v5 =	vmax.f32 v59, $0.0e+00;
	v63 =	vld [tilespmem:s20+$0xFFFFFFF0]  }
0x350: {  	[tilespmem:s15+$0xFFFFFFF0] =	vst v4;
	v4 =	vmin.f32 v5, $1.000000000e+00;
	v5 =	vmax.f32 v60, $0.0e+00  }
0x351: {  	[tilespmem:s16+$0x30] =	vst v4;
	v4 =	vmin.f32 v5, $1.000000000e+00;
	v5 =	vmax.f32 v61, $0.0e+00  }
.Ltmp18:
0x352: {  	[tilespmem:s16+$0xFFFFFFF0] =	vst v4;
	v4 =	vmin.f32 v5, $1.000000000e+00;
	v5 =	vmax.f32 v62, $0.0e+00;
	(pc) =	sbr.rel .LBB2_33-.Ltmp18, $4  }
0x353: {  	[tilespmem:s19+$0x30] =	vst v4;
	v4 =	vmin.f32 v5, $1.000000000e+00;
	v1 =	vmax.f32 v1, $0.0e+00  }
0x354: {  	[tilespmem:s19+$0xFFFFFFF0] =	vst v4;
	v1 =	vmin.f32 v1, $1.000000000e+00;
	v4 =	vmax.f32 v63, $0.0e+00  }
0x355: {  	[tilespmem:s21+$0x30] =	vst v1;
	v1 =	vmin.f32 v4, $1.000000000e+00  }
0x356: {  	[tilespmem:s21+$0xFFFFFFF0] =	vst v1  }
.LBB2_22:
0x357: {  	p1 =	seq.s32 @p0 s16, $0x80  }
0x358: {  	p1 =	por !p0, p1  }
.Ltmp19:
0x359: {  	_ = 	snop;
	(pc) =	sbr.rel @p1 .LBB2_29-.Ltmp19, $1  }
0x35a: {  	_ =	sdelay $0x3  }
0x35b: {  	s16 =	simm.s32 $0x0  }
0x35c: {  	v1 =	vld [tilespmem:s16+$0x0];
	_ =	sdelay $0x4  }
0x35d: {  	v1 =	vmax.f32 v1, $0.0e+00  }
0x35e: {  	v4 =	vmov s15;
	v1 =	vmin.f32 v1, $1.000000000e+00  }
0x35f: {  	vm0 =	veq.s32 v4, v1  }
0x360: {  	v5 =	vsel vm0, $0x1, v2  }
0x361: {  	(xrf0) =	vadd.scan.msk.s32 $0xffff, v5;
	_ =	sdelay $0x5  }
0x362: {  	v5 =	vimm.s32 $0x0;
	v6, _, _ =	vpop (xrf0)  }
0x363: {  	v6 =	vadd.s32 v6, v5  }
0x364: {  	v7 =	vadd.s32 $0xFFFFFFFF, v6  }
0x365: {  	vm1 =	vlt.s32 v7, $0x80  }
0x366: {  	vm1 =	vmand vm0, vm1;
	_ =	sdelay $0x3  }
0x367: {  	v6 =	vmpcnt.ones.xlane vm0  }
0x368: {  	v8 =	vor.u32 s16, v0;
	vm15 =	vlt.s32 v4, v1  }
0x369: {  	s15 =	ssub.s32 $0x80, s22;
	s17 =	simm.s32 $0x8000;
	s18 =	simm.s32 $0x10;
	v5 =	vadd.s32 v5, v6;
	v6 =	vnsel vm15, $0x0, v1;
	[tilespmem:v7+s13+$0x0] =	vst.idx.msk vm1, v8  }
.LBB2_24:
0x36a: {  	p1 =	sne.s32 s18, $0x7FF0;
	[tilespmem:s17+$0x0] =	vst v6;
	s16 =	sadd.s32 $0x10, s16;
	s17 =	sadd.s32 $0x10, s17;
	v1 =	vmov v5  }
0x36b: {  	s19 =	smov.u32 s18;
	s18 =	sadd.s32 $0x10, s18;
	v6 =	vld [tilespmem:s16+$0x0];
	_ =	sdelay $0x4  }
0x36c: {  	v6 =	vmax.f32 v6, $0.0e+00  }
0x36d: {  	v6 =	vmin.f32 v6, $1.000000000e+00  }
0x36e: {  	vm0 =	veq.s32 v4, v6;
	vm1 =	vlt.s32 v4, v6  }
0x36f: {  	v7 =	vsel vm0, $0x1, v2;
	v6 =	vnsel vm1, $0x0, v6;
	v8 =	vmpcnt.ones.xlane vm0  }
0x370: {  	(xrf0) =	vadd.scan.msk.s32 $0xffff, v7  }
0x371: {  	v5 =	vadd.s32 v5, v8;
	_ =	sdelay $0x4  }
0x372: {  	v7, _, _ =	vpop (xrf0)  }
0x373: {  	v1 =	vadd.s32 v7, v1  }
0x374: {  	v1 =	vadd.s32 $0xFFFFFFFF, v1  }
0x375: {  	vm1 =	vlt.s32 v1, $0x80  }
0x376: {  	vm0 =	vmand vm0, vm1;
	_ =	sdelay $0x1  }
.Ltmp20:
0x377: {  	(pc) =	sbr.rel @p1 .LBB2_24-.Ltmp20, $3  }
0x378: {  	_ =	sdelay $0x1  }
0x379: {  	v7 =	vor.u32 s19, v0  }
0x37a: {  	[tilespmem:v1+s13+$0x0] =	vst.idx.msk vm0, v7  }
0x37b: {  	s16 =	ssub.s32 $0x8F, s22;
	p1 =	sne.s32 s22, $0x8F;
	s18 =	simm.s32 $0x1  }
0x37c: {  	s19 =	sshra.s32 s16, $0x1F;
	s18 =	simm.s32 @!p1 $0x0  }
0x37d: {  	s20 =	sand.u32 $0xF, s16;
	s18 =	sor.u32 s18, s19  }
0x37e: {  	p2 =	sne.s32 s20, $0x0;
	p6 =	sne.s32 s18, $0x1  }
0x37f: {  	s31 =	sshrl.u32 s19, $0x1C;
	p1 =	por !p2, !p6  }
0x380: {  	s16 =	sadd.s32 s31, s16;
	s18 =	simm.s32 $0x1;
	p1 =	por !p1, !p1  }
0x381: {  	s16 =	sshra.s32 s16, $0x4;
	s18 =	simm.s32 @!p1 $0x0  }
0x382: {  	s18 =	ssub.s32 s16, s18  }
0x383: {  	p1 =	slt.s32 s18, $0x1  }
.Ltmp21:
0x384: {  	_ = 	snop;
	(pc) =	sbr.rel @p1 .LBB2_29-.Ltmp21, $2  }
0x385: {  	_ =	sdelay $0x2  }
0x386: {  	[tilespmem:s17+$0x0] =	vst v6  }
0x387: {  	p1 =	sne.s32 s18, $0x1  }
.Ltmp22:
0x388: {  	_ = 	snop;
	(pc) =	sbr.rel @!p1 .LBB2_28-.Ltmp22, $3  }
0x389: {  	_ =	sdelay $0x1  }
0x38a: {  	s16 =	simm.s32 $0x10000  }
0x38b: {  	v4 =	vbroadcast v4, $0x0;
	v5 =	vmov s15;
	s15 =	simm.s32 $0x0;
	s17 =	sadd.s32 $0xFFFFFFFF, s18;
	v6 =	vld [tilespmem:s16+$0x0]  }
.LBB2_27:
0x38c: {  	p1 =	sne.s32 s17, $0x1;
	v1 =	vor.u32 s15, v0  }
0x38d: {  	vm0 =	vlt.s32 v1, v5;
	_ =	sdelay $0x2  }
.Ltmp23:
0x38e: {  	(pc) =	sbr.rel @p1 .LBB2_27-.Ltmp23, $3  }
0x38f: {  	_ =	sdelay $0x1  }
0x390: {  	s16 =	sadd.s32 $0x10, s16;
	[tilespmem:v6+s12+$0x0] =	vst.idx.msk vm0, v4  }
0x391: {  	s17 =	sadd.s32 $0xFFFFFFFF, s17;
	s15 =	sadd.s32 $0x10, s15;
	v6 =	vld [tilespmem:s16+$0x0]  }
.LBB2_28:
0x392: {  	_ = 	snop  }
0x393: {  	v1 =	vor.u32 s15, v0  }
0x394: {  	vm0 =	vlt.s32 v1, v5;
	_ =	sdelay $0x1  }
.Ltmp24:
0x395: {  	_ = 	snop;
	(pc) =	sbr.rel .LBB2_29-.Ltmp24, $2  }
0x396: {  	_ =	sdelay $0x2  }
0x397: {  	[tilespmem:v6+s12+$0x0] =	vst.idx.msk vm0, v4  }
.LBB2_34:
0x398: {  	_ =	sfence.sel $0x180000  }
0x399: {  	[bflag:$0x0] =	sbarrier.arrive $0xFFFF  }
0x39a: {  	p0 =	sne.s32 s1, $0x0;
	_ =	strace $0x90000047  }
0x39b: {  	s0 =	sadd.s32 @!p0 $0x100000, s0;
	[bflag:$0x2] =	sbarrier.arrive $0xFFFF  }
0x39c: {  	[sflag:s0] =	ssyncadd.tile.s32 @!p0 $0x1;
	_ =	shalt  }
.Lfunc_end2:
_tile_overlayer_lowered:
.L_overlay_start_2:
0x39d: {  	(tag) =	ssettag $0x2  }
0x39e: {  	s0 =	rddreg [dreg:$0x0];
	s2 =	stileid.u32  }
0x39f: {  	s1 =	rddreg [dreg:$0x1];
	p0 =	sne.s32 s2, $0x0  }
0x3a0: {  	s3 =	rddreg [dreg:$0x2];
	[bflag:$0x3] =	sbarrier.arrive $0xFFFF;
	s2 =	simm.s32 @!p0 $0x1C01  }
0x3a1: {  	[timem:s3], [sflag:s2] =	dma.local @!p0 [hbm:s0], s1  }
0x3a2: {  	s0 =	simm.s32 @!p0 $0x1  }
0x3a3: {  	_ =	swait.ge @!p0 [sflag:s0], s1  }
0x3a4: {  	s1 =	ssub.s32 @!p0 $0x0, s1;
	[sflag:s0] =	ssyncset.done @!p0 $0x0  }
0x3a5: {  	[sflag:s0] =	ssyncadd.s32 @!p0 s1  }
0x3a6: {  	[bflag:$0x3] =	sbarrier.arrive $0xFFFF  }
0x3a7: {  	_ =	shalt  }

</sc_bundles>
